<compile_context>
chip_gen: v7x
topology: tpu7x:2x2x1
jax: 0.10.2.dev20260603
libtpu: 0.0.44.dev20260713+nightly
codegen_flags: <defaults>
</compile_context>

<pallas_src>
import functools

import jax
import jax.numpy as jnp
from jax import lax
from jax.experimental import pallas as pl
from jax.experimental.pallas import tpu as pltpu
from jax.experimental.pallas import tpu_sc as plsc

BB, HH, WW = 16, 512, 512
EPS = 1e-5
LANES = 16
NWORK = 32
CHUNK = 256
NIDX = 128
BLK = 512

_SC_PARAMS = pltpu.CompilerParams(use_tc_tiling_on_sc=False)


def _dense_taps_body(nrows, f_ref, sc_ref, sh_ref, w_ref, *out_refs):
    i = pl.program_id(0)
    c = f_ref.shape[1]
    rows = i * BLK + lax.broadcasted_iota(jnp.int32, (BLK, 1), 0)
    z = jnp.maximum(f_ref[...] * sc_ref[...] + sh_ref[...], 0.0)
    r = jnp.dot(z, w_ref[...], preferred_element_type=jnp.float32)
    r = jnp.where(rows < nrows, r, 0.0)
    for k in range(9):
        out_refs[k][...] = r[:, k * c:(k + 1) * c]


def _dense_taps(fpad, scale, shift, wcat, nrows):
    npad, c = fpad.shape
    nblk = npad // BLK
    outs = pl.pallas_call(
        functools.partial(_dense_taps_body, nrows),
        grid=(nblk,),
        in_specs=[
            pl.BlockSpec((BLK, c), lambda i: (i, 0)),
            pl.BlockSpec((1, c), lambda i: (0, 0)),
            pl.BlockSpec((1, c), lambda i: (0, 0)),
            pl.BlockSpec((c, 9 * c), lambda i: (0, 0)),
        ],
        out_specs=[pl.BlockSpec((BLK, c), lambda i: (i, 0))] * 9,
        out_shape=[jax.ShapeDtypeStruct((npad, c), jnp.float32)] * 9,
    )(fpad, scale, shift, wcat)
    return outs


def _sc_mesh():
    return plsc.VectorSubcoreMesh(core_axis_name="c", subcore_axis_name="s",
                                  num_cores=2, num_subcores=16)


def _sc_conv_a(grid_flat, base_flat, ys, npad, c, sent):
    offs = [dy * (WW + 2) + dx for dy in (-1, 0, 1) for dx in (-1, 0, 1)]
    per = npad // NWORK
    nsub = per // CHUNK
    nd = CHUNK // NIDX
    nc = 2

    @functools.partial(
        pl.kernel, mesh=_sc_mesh(), compiler_params=_SC_PARAMS,
        out_type=[jax.ShapeDtypeStruct((npad, c), jnp.float32)]
        + [jax.ShapeDtypeStruct((npad,), jnp.int32)] * 8,
        scratch_types=(
            [pltpu.VMEM((CHUNK,), jnp.int32)]
            + [pltpu.VMEM((CHUNK,), jnp.int32) for _ in range(9)]
            + [pltpu.VMEM((CHUNK,), jnp.int32) for _ in range(9)]
            + [pltpu.VMEM((CHUNK,), jnp.int32) for _ in range(9)]
            + [pltpu.VMEM((CHUNK, c), jnp.float32) for _ in range(9)]
            + [pltpu.VMEM((CHUNK, c), jnp.float32)]
            + [pltpu.SemaphoreType.DMA, pltpu.SemaphoreType.DMA]
        ),
    )
    def body(grid_hbm, base_hbm, y0, y1, y2, y3, y4, y5, y6, y7, y8,
             h_out, i0, i1, i2, i3, i4, i5, i6, i7,
             base_v,
             g0, g1, g2, g3, g4, g5, g6, g7, g8,
             n0, n1, n2, n3, n4, n5, n6, n7, n8,
             x0, x1, x2, x3, x4, x5, x6, x7, x8,
             b0, b1, b2, b3, b4, b5, b6, b7, b8,
             acc_v, sem_g, sem_y):
        yrefs = (y0, y1, y2, y3, y4, y5, y6, y7, y8)
        irefs = (i0, i1, i2, i3, i4, i5, i6, i7)
        grefs = (g0, g1, g2, g3, g4, g5, g6, g7, g8)
        taps = (0, 1, 2, 3, 5, 6, 7, 8)
        nrefs = (n0, n1, n2, n3, n4, n5, n6, n7, n8)
        xrefs = (x0, x1, x2, x3, x4, x5, x6, x7, x8)
        brefs = (b0, b1, b2, b3, b4, b5, b6, b7, b8)
        wid = lax.axis_index("s") * nc + lax.axis_index("c")

        def step(t, _):
            gb = wid * per + t * CHUNK
            pltpu.sync_copy(base_hbm.at[pl.ds(gb, CHUNK)], base_v)

            def off_lane(j, _):
                bv = base_v[pl.ds(j * LANES, LANES)]
                for k in taps:
                    grefs[k][pl.ds(j * LANES, LANES)] = bv + offs[k]
                return 0
            lax.fori_loop(0, CHUNK // LANES, off_lane, 0)

            gh = []
            for k in taps:
                for d in range(nd):
                    gh.append(pltpu.async_copy(
                        grid_hbm.at[grefs[k].at[pl.ds(d * NIDX, NIDX)]],
                        nrefs[k].at[pl.ds(d * NIDX, NIDX)], sem_g))
            for h in gh:
                h.wait()

            def fix_lane(j, _):
                for k in taps:
                    nb = nrefs[k][pl.ds(j * LANES, LANES)]
                    xrefs[k][pl.ds(j * LANES, LANES)] = jnp.where(
                        nb < 0, sent, nb)
                return 0
            lax.fori_loop(0, CHUNK // LANES, fix_lane, 0)

            yh = [pltpu.async_copy(yrefs[4].at[pl.ds(gb, CHUNK)],
                                   brefs[4], sem_y)]
            for j, k in enumerate(taps):
                for d in range(nd):
                    yh.append(pltpu.async_copy(
                        yrefs[k].at[xrefs[k].at[pl.ds(d * NIDX, NIDX)]],
                        brefs[k].at[pl.ds(d * NIDX, NIDX)], sem_y))
                pltpu.sync_copy(xrefs[k], irefs[j].at[pl.ds(gb, CHUNK)])
            for h in yh:
                h.wait()

            def red(r, _):
                for hh in range(c // LANES):
                    s = brefs[0][r, pl.ds(hh * LANES, LANES)]
                    for k in range(1, 9):
                        s = s + brefs[k][r, pl.ds(hh * LANES, LANES)]
                    acc_v[r, pl.ds(hh * LANES, LANES)] = s
                return 0
            lax.fori_loop(0, CHUNK, red, 0)
            pltpu.sync_copy(acc_v, h_out.at[pl.ds(gb, CHUNK)])
            return 0

        lax.fori_loop(0, nsub, step, 0)

    return body(grid_flat, base_flat, *ys)


def _sc_conv_b(idxs, ys, npad, c):
    per = npad // NWORK
    nsub = per // CHUNK
    nd = CHUNK // NIDX
    nc = 2

    @functools.partial(
        pl.kernel, mesh=_sc_mesh(), compiler_params=_SC_PARAMS,
        out_type=jax.ShapeDtypeStruct((npad, c), jnp.float32),
        scratch_types=(
            [pltpu.VMEM((CHUNK,), jnp.int32) for _ in range(9)]
            + [pltpu.VMEM((CHUNK, c), jnp.float32) for _ in range(9)]
            + [pltpu.VMEM((CHUNK, c), jnp.float32)]
            + [pltpu.SemaphoreType.DMA]
        ),
    )
    def body(i0, i1, i2, i3, i4, i5, i6, i7,
             y0, y1, y2, y3, y4, y5, y6, y7, y8, h_out,
             x0, x1, x2, x3, x4, x5, x6, x7, x8,
             b0, b1, b2, b3, b4, b5, b6, b7, b8,
             acc_v, sem_y):
        irefs = (i0, i1, i2, i3, i4, i5, i6, i7)
        yrefs = (y0, y1, y2, y3, y4, y5, y6, y7, y8)
        xrefs = (x0, x1, x2, x3, x4, x5, x6, x7, x8)
        brefs = (b0, b1, b2, b3, b4, b5, b6, b7, b8)
        taps = (0, 1, 2, 3, 5, 6, 7, 8)
        wid = lax.axis_index("s") * nc + lax.axis_index("c")

        def step(t, _):
            gb = wid * per + t * CHUNK
            for j, k in enumerate(taps):
                pltpu.sync_copy(irefs[j].at[pl.ds(gb, CHUNK)], xrefs[k])
            yh = [pltpu.async_copy(yrefs[4].at[pl.ds(gb, CHUNK)],
                                   brefs[4], sem_y)]
            for k in taps:
                for d in range(nd):
                    yh.append(pltpu.async_copy(
                        yrefs[k].at[xrefs[k].at[pl.ds(d * NIDX, NIDX)]],
                        brefs[k].at[pl.ds(d * NIDX, NIDX)], sem_y))
            for h in yh:
                h.wait()

            def red(r, _):
                for hh in range(c // LANES):
                    s = brefs[0][r, pl.ds(hh * LANES, LANES)]
                    for k in range(1, 9):
                        s = s + brefs[k][r, pl.ds(hh * LANES, LANES)]
                    acc_v[r, pl.ds(hh * LANES, LANES)] = s
                return 0
            lax.fori_loop(0, CHUNK, red, 0)
            pltpu.sync_copy(acc_v, h_out.at[pl.ds(gb, CHUNK)])
            return 0

        lax.fori_loop(0, nsub, step, 0)

    return body(*idxs, *ys)


def _pool_body(h_ref, b_ref, pooled_ref, cnt_ref):
    i = pl.program_id(0)
    bvec = b_ref[0, 0, :]
    onehot = (bvec[None, :] == lax.broadcasted_iota(
        jnp.int32, (BB, BLK), 0)).astype(jnp.float32)

    @pl.when(i == 0)
    def _():
        pooled_ref[...] = jnp.zeros_like(pooled_ref)
        cnt_ref[...] = jnp.zeros_like(cnt_ref)

    pooled_ref[...] += jnp.dot(onehot, h_ref[...],
                               preferred_element_type=jnp.float32)
    cnt_ref[...] += jnp.broadcast_to(
        jnp.sum(onehot, axis=1)[:, None], cnt_ref.shape)


def _pool(h2, bidx3, c):
    npad = h2.shape[0]
    nblk = npad // BLK
    return pl.pallas_call(
        _pool_body,
        grid=(nblk,),
        in_specs=[
            pl.BlockSpec((BLK, c), lambda i: (i, 0)),
            pl.BlockSpec((1, 1, BLK), lambda i: (i, 0, 0)),
        ],
        out_specs=[pl.BlockSpec((BB, c), lambda i: (0, 0)),
                   pl.BlockSpec((BB, 128), lambda i: (0, 0))],
        out_shape=[jax.ShapeDtypeStruct((BB, c), jnp.float32),
                   jax.ShapeDtypeStruct((BB, 128), jnp.float32)],
    )(h2, bidx3)


def _finish_body(h_ref, f_ref, b_ref, se_ref, out_ref):
    bvec = b_ref[0, 0, :]
    onehot = (bvec[:, None] == lax.broadcasted_iota(
        jnp.int32, (BLK, BB), 1)).astype(jnp.float32)
    se_rows = jnp.dot(onehot, se_ref[...], preferred_element_type=jnp.float32)
    out_ref[...] = h_ref[...] * se_rows + f_ref[...]


def _finish(h2, fpad, bidx3, se, c):
    npad = h2.shape[0]
    nblk = npad // BLK
    return pl.pallas_call(
        _finish_body,
        grid=(nblk,),
        in_specs=[
            pl.BlockSpec((BLK, c), lambda i: (i, 0)),
            pl.BlockSpec((BLK, c), lambda i: (i, 0)),
            pl.BlockSpec((1, 1, BLK), lambda i: (i, 0, 0)),
            pl.BlockSpec((BB, c), lambda i: (0, 0)),
        ],
        out_specs=pl.BlockSpec((BLK, c), lambda i: (i, 0)),
        out_shape=jax.ShapeDtypeStruct((npad, c), jnp.float32),
    )(h2, fpad, bidx3, se)


def kernel(features, indices, gamma1, beta1, mean1, var1, W1,
           gamma2, beta2, mean2, var2, W2, Wse1, bse1, Wse2, bse2):
    n, c = features.shape
    sent = n
    seg = NWORK * CHUNK
    npad = ((n + 1 + seg - 1) // seg) * seg
    nblk = npad // BLK

    bidx = indices[:, 0].astype(jnp.int32)
    yy = indices[:, 1].astype(jnp.int32) + 1
    xx = indices[:, 2].astype(jnp.int32) + 1
    base_flat = (bidx * (HH + 2) + yy) * (WW + 2) + xx
    gsize = BB * (HH + 2) * (WW + 2)
    grid_flat = jnp.full((gsize,), -1, jnp.int32).at[base_flat].set(
        jnp.arange(n, dtype=jnp.int32))
    base_pad = jnp.full((npad,), (WW + 2) + 1, jnp.int32).at[:n].set(base_flat)
    bidx_pad = jnp.full((npad,), BB, jnp.int32).at[:n].set(bidx)
    bidx3 = bidx_pad.reshape(nblk, 1, BLK)
    fpad = jnp.zeros((npad, c), jnp.float32).at[:n].set(features)

    def bn_consts(g, b, m, v):
        s = g / jnp.sqrt(v + EPS)
        return (s.reshape(1, c), (b - m * s).reshape(1, c))

    sc1, sh1 = bn_consts(gamma1, beta1, mean1, var1)
    sc2, sh2 = bn_consts(gamma2, beta2, mean2, var2)
    w1cat = jnp.transpose(W1, (1, 0, 2)).reshape(c, 9 * c)
    w2cat = jnp.transpose(W2, (1, 0, 2)).reshape(c, 9 * c)

    ys1 = _dense_taps(fpad, sc1, sh1, w1cat, n)
    res1 = _sc_conv_a(grid_flat, base_pad, ys1, npad, c, sent)
    h1, idxs = res1[0], res1[1:]
    ys2 = _dense_taps(h1, sc2, sh2, w2cat, n)
    h2 = _sc_conv_b(idxs, ys2, npad, c)

    pooled, cnt = _pool(h2, bidx3, c)
    counts = jnp.maximum(cnt[:, 0], 1.0)
    pooled = pooled / counts[:, None]
    se = jax.nn.sigmoid(
        jax.nn.relu(pooled @ Wse1 + bse1) @ Wse2 + bse2)

    out = _finish(h2, fpad, bidx3, se, c)
    return out[:n]

# --- scband reference (transcript-rebuilt; emitter-appended) ---
"""Pipeline reference for scband-sparse-res-block-se-17849884082698 (READ-ONLY COPY).

The authoritative reference and input builder live on the scoring server;
editing this copy changes nothing except your own understanding.
"""

import jax, jax.numpy as jnp
import numpy as np

B, H, W, N, C, R = 16, 512, 512, 500000, 32, 4
EPS = 1e-5

def setup_inputs(seed: int = 0) -> dict:
    key = jax.random.key(seed)
    ks = jax.random.split(key, 8)
    rng = np.random.default_rng(0)
    lin = rng.choice(B * H * W, size=N, replace=False)
    b = lin // (H * W)
    rem = lin % (H * W)
    y = rem // W
    x = rem % W
    indices = jnp.asarray(np.stack([b, y, x], axis=1).astype(np.int64))
    def nrm(k, shape, scale=1.0):
        return jax.random.normal(k, shape, dtype=jnp.float32) * scale
    return {
        "features": nrm(ks[0], (N, C)),
        "indices": indices,
        "gamma1": jnp.ones((C,), jnp.float32),
        "beta1": jnp.zeros((C,), jnp.float32),
        "mean1": jnp.zeros((C,), jnp.float32),
        "var1": jnp.ones((C,), jnp.float32),
        "W1": nrm(ks[1], (9, C, C), 0.05),
        "gamma2": jnp.ones((C,), jnp.float32),
        "beta2": jnp.zeros((C,), jnp.float32),
        "mean2": jnp.zeros((C,), jnp.float32),
        "var2": jnp.ones((C,), jnp.float32),
        "W2": nrm(ks[2], (9, C, C), 0.05),
        "Wse1": nrm(ks[3], (C, C // R), 0.1),
        "bse1": jnp.zeros((C // R,), jnp.float32),
        "Wse2": nrm(ks[4], (C // R, C), 0.1),
        "bse2": jnp.zeros((C,), jnp.float32),
    }

def reference(features, indices, gamma1, beta1, mean1, var1, W1,
              gamma2, beta2, mean2, var2, W2, Wse1, bse1, Wse2, bse2):
    bidx = indices[:, 0].astype(jnp.int32)
    yy = indices[:, 1].astype(jnp.int32) + 1
    xx = indices[:, 2].astype(jnp.int32) + 1
    grid = jnp.full((B, H + 2, W + 2), -1, dtype=jnp.int32)
    grid = grid.at[bidx, yy, xx].set(jnp.arange(N, dtype=jnp.int32))

    def bn(f, g, bb, m, v):
        return (f - m) / jnp.sqrt(v + EPS) * g + bb

    def subm_conv(f, Wk):
        out = jnp.zeros((N, Wk.shape[2]), f.dtype)
        k = 0
        for dy in (-1, 0, 1):
            for dx in (-1, 0, 1):
                nb = grid[bidx, yy + dy, xx + dx]
                valid = (nb >= 0)
                g = jnp.where(valid[:, None], f[jnp.maximum(nb, 0)], 0.0)
                out = out + g @ Wk[k]
                k += 1
        return out

    h = jax.nn.relu(bn(features, gamma1, beta1, mean1, var1))
    h = subm_conv(h, W1)
    h = jax.nn.relu(bn(h, gamma2, beta2, mean2, var2))
    h = subm_conv(h, W2)
    # Sparse SE block: per-sample global average pool over active sites
    pooled = jax.ops.segment_sum(h, bidx, num_segments=B)
    counts = jax.ops.segment_sum(jnp.ones((N,), h.dtype), bidx, num_segments=B)
    pooled = pooled / jnp.maximum(counts, 1.0)[:, None]
    se = jax.nn.sigmoid(jax.nn.relu(pooled @ Wse1 + bse1) @ Wse2 + bse2)
    h = h * se[bidx]
    # skip is None since in_ch == out_ch -> identity residual
    return h + features

if __name__ == "__main__":
    import jax
    _d = setup_inputs()
    print(jax.jit(kernel)(*tuple(_d.values())))

</pallas_src>

<mosaic_0001>
#map = affine_map<(d0, d1) -> (0)>
#map1 = affine_map<(d0, d1) -> (0, 0)>
module attributes {stable_mosaic.version = 14 : i64} {
  func.func @body(%arg0: i32, %arg1: i32, %arg2: memref<507904xi32, #tpu.memory_space<hbm>>, %arg3: memref<507904xi32, #tpu.memory_space<hbm>>, %arg4: memref<507904xi32, #tpu.memory_space<hbm>>, %arg5: memref<507904xi32, #tpu.memory_space<hbm>>, %arg6: memref<507904xi32, #tpu.memory_space<hbm>>, %arg7: memref<507904xi32, #tpu.memory_space<hbm>>, %arg8: memref<507904xi32, #tpu.memory_space<hbm>>, %arg9: memref<507904xi32, #tpu.memory_space<hbm>>, %arg10: memref<507904x32xf32, #tpu.memory_space<hbm>>, %arg11: memref<507904x32xf32, #tpu.memory_space<hbm>>, %arg12: memref<507904x32xf32, #tpu.memory_space<hbm>>, %arg13: memref<507904x32xf32, #tpu.memory_space<hbm>>, %arg14: memref<507904x32xf32, #tpu.memory_space<hbm>>, %arg15: memref<507904x32xf32, #tpu.memory_space<hbm>>, %arg16: memref<507904x32xf32, #tpu.memory_space<hbm>>, %arg17: memref<507904x32xf32, #tpu.memory_space<hbm>>, %arg18: memref<507904x32xf32, #tpu.memory_space<hbm>>, %arg19: memref<507904x32xf32, #tpu.memory_space<hbm>>, %arg20: memref<256xi32, #tpu.memory_space<vmem>>, %arg21: memref<256xi32, #tpu.memory_space<vmem>>, %arg22: memref<256xi32, #tpu.memory_space<vmem>>, %arg23: memref<256xi32, #tpu.memory_space<vmem>>, %arg24: memref<256xi32, #tpu.memory_space<vmem>>, %arg25: memref<256xi32, #tpu.memory_space<vmem>>, %arg26: memref<256xi32, #tpu.memory_space<vmem>>, %arg27: memref<256xi32, #tpu.memory_space<vmem>>, %arg28: memref<256xi32, #tpu.memory_space<vmem>>, %arg29: memref<256x32xf32, #tpu.memory_space<vmem>>, %arg30: memref<256x32xf32, #tpu.memory_space<vmem>>, %arg31: memref<256x32xf32, #tpu.memory_space<vmem>>, %arg32: memref<256x32xf32, #tpu.memory_space<vmem>>, %arg33: memref<256x32xf32, #tpu.memory_space<vmem>>, %arg34: memref<256x32xf32, #tpu.memory_space<vmem>>, %arg35: memref<256x32xf32, #tpu.memory_space<vmem>>, %arg36: memref<256x32xf32, #tpu.memory_space<vmem>>, %arg37: memref<256x32xf32, #tpu.memory_space<vmem>>, %arg38: memref<256x32xf32, #tpu.memory_space<vmem>>, %arg39: memref<!tpu.dma_semaphore, #tpu.memory_space<semaphore_mem>>) attributes {dimension_semantics = [#tpu.dimension_semantics<core_parallel>, #tpu.dimension_semantics<subcore_parallel>], iteration_bounds = array<i64: 2, 16>, scalar_prefetch = 0 : i64, scratch_operands = 20 : i64, tpu.core_type = #tpu.core_type<sc_vector_subcore>, window_params = [{transform_indices = #map}, {transform_indices = #map}, {transform_indices = #map}, {transform_indices = #map}, {transform_indices = #map}, {transform_indices = #map}, {transform_indices = #map}, {transform_indices = #map}, {transform_indices = #map1}, {transform_indices = #map1}, {transform_indices = #map1}, {transform_indices = #map1}, {transform_indices = #map1}, {transform_indices = #map1}, {transform_indices = #map1}, {transform_indices = #map1}, {transform_indices = #map1}, {transform_indices = #map1}]} {
    %mul3A = arith.constant 2 : i32
    %mul3A_0 = arith.muli %arg1, %mul3A : i32
    %add3A = arith.addi %mul3A_0, %arg0 : i32
    %scan3A = arith.constant 0 : i32
    %scan3A_1 = arith.constant 0 : i32
    %scan3A_2 = arith.constant 62 : i32
    %scan3A_3 = arith.addi %scan3A_1, %scan3A_2 : i32
    %scan3A_4 = arith.constant 1 : i32
    %scan3A_5 = scf.for %scan3A_7 = %scan3A_1 to %scan3A_3 step %scan3A_4 iter_args(%scan3A_8 = %scan3A) -> (i32)  : i32 {
      %mul3A_9 = arith.constant 15872 : i32
      %mul3A_10 = arith.muli %add3A, %mul3A_9 : i32
      %mul3A_11 = arith.constant 256 : i32
      %mul3A_12 = arith.muli %scan3A_7, %mul3A_11 : i32
      %add3A_13 = arith.addi %mul3A_10, %mul3A_12 : i32
      "tpu.region"() ({
        %run_scoped3A = tpu.sem_alloc : memref<!tpu.dma_semaphore, #tpu.memory_space<semaphore_mem>>
        %dma_start3A_284 = tpu.memref_slice %arg2[%add3A_13] : memref<507904xi32, #tpu.memory_space<hbm>> -> memref<256xi32, #tpu.memory_space<hbm>>
        %dma_start3A_285 = tpu.memref_slice %arg2[%add3A_13] : memref<507904xi32, #tpu.memory_space<hbm>> -> memref<256xi32, #tpu.memory_space<hbm>>
        tpu.enqueue_dma source(%dma_start3A_285 : memref<256xi32, #tpu.memory_space<hbm>>) target(%arg20 : memref<256xi32, #tpu.memory_space<vmem>>) target_semaphore(%run_scoped3A : memref<!tpu.dma_semaphore, #tpu.memory_space<semaphore_mem>>)
        %dma_wait3A_286 = tpu.memref_slice %arg2[%add3A_13] : memref<507904xi32, #tpu.memory_space<hbm>> -> memref<256xi32, #tpu.memory_space<hbm>>
        %dma_wait3A_287 = tpu.memref_slice %arg2[%add3A_13] : memref<507904xi32, #tpu.memory_space<hbm>> -> memref<256xi32, #tpu.memory_space<hbm>>
        tpu.wait_dma2 semaphore(%run_scoped3A : memref<!tpu.dma_semaphore, #tpu.memory_space<semaphore_mem>>) src(%dma_wait3A_287 : memref<256xi32, #tpu.memory_space<hbm>>) dst(%arg20 : memref<256xi32, #tpu.memory_space<vmem>>)
        tpu.yield
      }) : () -> ()
      "tpu.region"() ({
        %run_scoped3A = tpu.sem_alloc : memref<!tpu.dma_semaphore, #tpu.memory_space<semaphore_mem>>
        %dma_start3A_284 = tpu.memref_slice %arg3[%add3A_13] : memref<507904xi32, #tpu.memory_space<hbm>> -> memref<256xi32, #tpu.memory_space<hbm>>
        %dma_start3A_285 = tpu.memref_slice %arg3[%add3A_13] : memref<507904xi32, #tpu.memory_space<hbm>> -> memref<256xi32, #tpu.memory_space<hbm>>
        tpu.enqueue_dma source(%dma_start3A_285 : memref<256xi32, #tpu.memory_space<hbm>>) target(%arg21 : memref<256xi32, #tpu.memory_space<vmem>>) target_semaphore(%run_scoped3A : memref<!tpu.dma_semaphore, #tpu.memory_space<semaphore_mem>>)
        %dma_wait3A_286 = tpu.memref_slice %arg3[%add3A_13] : memref<507904xi32, #tpu.memory_space<hbm>> -> memref<256xi32, #tpu.memory_space<hbm>>
        %dma_wait3A_287 = tpu.memref_slice %arg3[%add3A_13] : memref<507904xi32, #tpu.memory_space<hbm>> -> memref<256xi32, #tpu.memory_space<hbm>>
        tpu.wait_dma2 semaphore(%run_scoped3A : memref<!tpu.dma_semaphore, #tpu.memory_space<semaphore_mem>>) src(%dma_wait3A_287 : memref<256xi32, #tpu.memory_space<hbm>>) dst(%arg21 : memref<256xi32, #tpu.memory_space<vmem>>)
        tpu.yield
      }) : () -> ()
      "tpu.region"() ({
        %run_scoped3A = tpu.sem_alloc : memref<!tpu.dma_semaphore, #tpu.memory_space<semaphore_mem>>
        %dma_start3A_284 = tpu.memref_slice %arg4[%add3A_13] : memref<507904xi32, #tpu.memory_space<hbm>> -> memref<256xi32, #tpu.memory_space<hbm>>
        %dma_start3A_285 = tpu.memref_slice %arg4[%add3A_13] : memref<507904xi32, #tpu.memory_space<hbm>> -> memref<256xi32, #tpu.memory_space<hbm>>
        tpu.enqueue_dma source(%dma_start3A_285 : memref<256xi32, #tpu.memory_space<hbm>>) target(%arg22 : memref<256xi32, #tpu.memory_space<vmem>>) target_semaphore(%run_scoped3A : memref<!tpu.dma_semaphore, #tpu.memory_space<semaphore_mem>>)
        %dma_wait3A_286 = tpu.memref_slice %arg4[%add3A_13] : memref<507904xi32, #tpu.memory_space<hbm>> -> memref<256xi32, #tpu.memory_space<hbm>>
        %dma_wait3A_287 = tpu.memref_slice %arg4[%add3A_13] : memref<507904xi32, #tpu.memory_space<hbm>> -> memref<256xi32, #tpu.memory_space<hbm>>
        tpu.wait_dma2 semaphore(%run_scoped3A : memref<!tpu.dma_semaphore, #tpu.memory_space<semaphore_mem>>) src(%dma_wait3A_287 : memref<256xi32, #tpu.memory_space<hbm>>) dst(%arg22 : memref<256xi32, #tpu.memory_space<vmem>>)
        tpu.yield
      }) : () -> ()
      "tpu.region"() ({
        %run_scoped3A = tpu.sem_alloc : memref<!tpu.dma_semaphore, #tpu.memory_space<semaphore_mem>>
        %dma_start3A_284 = tpu.memref_slice %arg5[%add3A_13] : memref<507904xi32, #tpu.memory_space<hbm>> -> memref<256xi32, #tpu.memory_space<hbm>>
        %dma_start3A_285 = tpu.memref_slice %arg5[%add3A_13] : memref<507904xi32, #tpu.memory_space<hbm>> -> memref<256xi32, #tpu.memory_space<hbm>>
        tpu.enqueue_dma source(%dma_start3A_285 : memref<256xi32, #tpu.memory_space<hbm>>) target(%arg23 : memref<256xi32, #tpu.memory_space<vmem>>) target_semaphore(%run_scoped3A : memref<!tpu.dma_semaphore, #tpu.memory_space<semaphore_mem>>)
        %dma_wait3A_286 = tpu.memref_slice %arg5[%add3A_13] : memref<507904xi32, #tpu.memory_space<hbm>> -> memref<256xi32, #tpu.memory_space<hbm>>
        %dma_wait3A_287 = tpu.memref_slice %arg5[%add3A_13] : memref<507904xi32, #tpu.memory_space<hbm>> -> memref<256xi32, #tpu.memory_space<hbm>>
        tpu.wait_dma2 semaphore(%run_scoped3A : memref<!tpu.dma_semaphore, #tpu.memory_space<semaphore_mem>>) src(%dma_wait3A_287 : memref<256xi32, #tpu.memory_space<hbm>>) dst(%arg23 : memref<256xi32, #tpu.memory_space<vmem>>)
        tpu.yield
      }) : () -> ()
      "tpu.region"() ({
        %run_scoped3A = tpu.sem_alloc : memref<!tpu.dma_semaphore, #tpu.memory_space<semaphore_mem>>
        %dma_start3A_284 = tpu.memref_slice %arg6[%add3A_13] : memref<507904xi32, #tpu.memory_space<hbm>> -> memref<256xi32, #tpu.memory_space<hbm>>
        %dma_start3A_285 = tpu.memref_slice %arg6[%add3A_13] : memref<507904xi32, #tpu.memory_space<hbm>> -> memref<256xi32, #tpu.memory_space<hbm>>
        tpu.enqueue_dma source(%dma_start3A_285 : memref<256xi32, #tpu.memory_space<hbm>>) target(%arg25 : memref<256xi32, #tpu.memory_space<vmem>>) target_semaphore(%run_scoped3A : memref<!tpu.dma_semaphore, #tpu.memory_space<semaphore_mem>>)
        %dma_wait3A_286 = tpu.memref_slice %arg6[%add3A_13] : memref<507904xi32, #tpu.memory_space<hbm>> -> memref<256xi32, #tpu.memory_space<hbm>>
        %dma_wait3A_287 = tpu.memref_slice %arg6[%add3A_13] : memref<507904xi32, #tpu.memory_space<hbm>> -> memref<256xi32, #tpu.memory_space<hbm>>
        tpu.wait_dma2 semaphore(%run_scoped3A : memref<!tpu.dma_semaphore, #tpu.memory_space<semaphore_mem>>) src(%dma_wait3A_287 : memref<256xi32, #tpu.memory_space<hbm>>) dst(%arg25 : memref<256xi32, #tpu.memory_space<vmem>>)
        tpu.yield
      }) : () -> ()
      "tpu.region"() ({
        %run_scoped3A = tpu.sem_alloc : memref<!tpu.dma_semaphore, #tpu.memory_space<semaphore_mem>>
        %dma_start3A_284 = tpu.memref_slice %arg7[%add3A_13] : memref<507904xi32, #tpu.memory_space<hbm>> -> memref<256xi32, #tpu.memory_space<hbm>>
        %dma_start3A_285 = tpu.memref_slice %arg7[%add3A_13] : memref<507904xi32, #tpu.memory_space<hbm>> -> memref<256xi32, #tpu.memory_space<hbm>>
        tpu.enqueue_dma source(%dma_start3A_285 : memref<256xi32, #tpu.memory_space<hbm>>) target(%arg26 : memref<256xi32, #tpu.memory_space<vmem>>) target_semaphore(%run_scoped3A : memref<!tpu.dma_semaphore, #tpu.memory_space<semaphore_mem>>)
        %dma_wait3A_286 = tpu.memref_slice %arg7[%add3A_13] : memref<507904xi32, #tpu.memory_space<hbm>> -> memref<256xi32, #tpu.memory_space<hbm>>
        %dma_wait3A_287 = tpu.memref_slice %arg7[%add3A_13] : memref<507904xi32, #tpu.memory_space<hbm>> -> memref<256xi32, #tpu.memory_space<hbm>>
        tpu.wait_dma2 semaphore(%run_scoped3A : memref<!tpu.dma_semaphore, #tpu.memory_space<semaphore_mem>>) src(%dma_wait3A_287 : memref<256xi32, #tpu.memory_space<hbm>>) dst(%arg26 : memref<256xi32, #tpu.memory_space<vmem>>)
        tpu.yield
      }) : () -> ()
      "tpu.region"() ({
        %run_scoped3A = tpu.sem_alloc : memref<!tpu.dma_semaphore, #tpu.memory_space<semaphore_mem>>
        %dma_start3A_284 = tpu.memref_slice %arg8[%add3A_13] : memref<507904xi32, #tpu.memory_space<hbm>> -> memref<256xi32, #tpu.memory_space<hbm>>
        %dma_start3A_285 = tpu.memref_slice %arg8[%add3A_13] : memref<507904xi32, #tpu.memory_space<hbm>> -> memref<256xi32, #tpu.memory_space<hbm>>
        tpu.enqueue_dma source(%dma_start3A_285 : memref<256xi32, #tpu.memory_space<hbm>>) target(%arg27 : memref<256xi32, #tpu.memory_space<vmem>>) target_semaphore(%run_scoped3A : memref<!tpu.dma_semaphore, #tpu.memory_space<semaphore_mem>>)
        %dma_wait3A_286 = tpu.memref_slice %arg8[%add3A_13] : memref<507904xi32, #tpu.memory_space<hbm>> -> memref<256xi32, #tpu.memory_space<hbm>>
        %dma_wait3A_287 = tpu.memref_slice %arg8[%add3A_13] : memref<507904xi32, #tpu.memory_space<hbm>> -> memref<256xi32, #tpu.memory_space<hbm>>
        tpu.wait_dma2 semaphore(%run_scoped3A : memref<!tpu.dma_semaphore, #tpu.memory_space<semaphore_mem>>) src(%dma_wait3A_287 : memref<256xi32, #tpu.memory_space<hbm>>) dst(%arg27 : memref<256xi32, #tpu.memory_space<vmem>>)
        tpu.yield
      }) : () -> ()
      "tpu.region"() ({
        %run_scoped3A = tpu.sem_alloc : memref<!tpu.dma_semaphore, #tpu.memory_space<semaphore_mem>>
        %dma_start3A_284 = tpu.memref_slice %arg9[%add3A_13] : memref<507904xi32, #tpu.memory_space<hbm>> -> memref<256xi32, #tpu.memory_space<hbm>>
        %dma_start3A_285 = tpu.memref_slice %arg9[%add3A_13] : memref<507904xi32, #tpu.memory_space<hbm>> -> memref<256xi32, #tpu.memory_space<hbm>>
        tpu.enqueue_dma source(%dma_start3A_285 : memref<256xi32, #tpu.memory_space<hbm>>) target(%arg28 : memref<256xi32, #tpu.memory_space<vmem>>) target_semaphore(%run_scoped3A : memref<!tpu.dma_semaphore, #tpu.memory_space<semaphore_mem>>)
        %dma_wait3A_286 = tpu.memref_slice %arg9[%add3A_13] : memref<507904xi32, #tpu.memory_space<hbm>> -> memref<256xi32, #tpu.memory_space<hbm>>
        %dma_wait3A_287 = tpu.memref_slice %arg9[%add3A_13] : memref<507904xi32, #tpu.memory_space<hbm>> -> memref<256xi32, #tpu.memory_space<hbm>>
        tpu.wait_dma2 semaphore(%run_scoped3A : memref<!tpu.dma_semaphore, #tpu.memory_space<semaphore_mem>>) src(%dma_wait3A_287 : memref<256xi32, #tpu.memory_space<hbm>>) dst(%arg28 : memref<256xi32, #tpu.memory_space<vmem>>)
        tpu.yield
      }) : () -> ()
      %dma_start3A = arith.constant 0 : i32
      %dma_start3A_14 = tpu.memref_slice %arg14[%add3A_13, %dma_start3A] : memref<507904x32xf32, #tpu.memory_space<hbm>> -> memref<256x32xf32, #tpu.memory_space<hbm>>
      %dma_start3A_15 = arith.constant 0 : i32
      %dma_start3A_16 = tpu.memref_slice %arg14[%add3A_13, %dma_start3A_15] : memref<507904x32xf32, #tpu.memory_space<hbm>> -> memref<256x32xf32, #tpu.memory_space<hbm>>
      tpu.enqueue_dma source(%dma_start3A_16 : memref<256x32xf32, #tpu.memory_space<hbm>>) target(%arg33 : memref<256x32xf32, #tpu.memory_space<vmem>>) target_semaphore(%arg39 : memref<!tpu.dma_semaphore, #tpu.memory_space<semaphore_mem>>)
      %dma_start3A_17 = arith.constant 0 : i32
      %dma_start3A_18 = arith.constant 0 : i32
      %dma_start3A_19 = tpu.memref_slice %arg29[%dma_start3A_17, %dma_start3A_18] : memref<256x32xf32, #tpu.memory_space<vmem>> -> memref<128x32xf32, #tpu.memory_space<vmem>>
      %dma_start3A_20 = arith.constant 0 : i32
      %dma_start3A_21 = tpu.memref_slice %arg20[%dma_start3A_20] : memref<256xi32, #tpu.memory_space<vmem>> -> memref<128xi32, #tpu.memory_space<vmem>>
      %dma_start3A_22 = arith.constant 0 : i32
      %dma_start3A_23 = arith.constant 0 : i32
      %dma_start3A_24 = tpu.memref_slice %arg10[%dma_start3A_22, %dma_start3A_23] : memref<507904x32xf32, #tpu.memory_space<hbm>> -> memref<507904x32xf32, #tpu.memory_space<hbm>>
      tpu.enqueue_indirect_dma source(%dma_start3A_24 : memref<507904x32xf32, #tpu.memory_space<hbm>>) target(%dma_start3A_19 : memref<128x32xf32, #tpu.memory_space<vmem>>) offsets(%dma_start3A_21 : memref<128xi32, #tpu.memory_space<vmem>>) semaphore(%arg39 : memref<!tpu.dma_semaphore, #tpu.memory_space<semaphore_mem>>)
      %dma_start3A_25 = arith.constant 128 : i32
      %dma_start3A_26 = arith.constant 0 : i32
      %dma_start3A_27 = tpu.memref_slice %arg29[%dma_start3A_25, %dma_start3A_26] : memref<256x32xf32, #tpu.memory_space<vmem>> -> memref<128x32xf32, #tpu.memory_space<vmem>>
      %dma_start3A_28 = arith.constant 128 : i32
      %dma_start3A_29 = tpu.memref_slice %arg20[%dma_start3A_28] : memref<256xi32, #tpu.memory_space<vmem>> -> memref<128xi32, #tpu.memory_space<vmem>>
      %dma_start3A_30 = arith.constant 0 : i32
      %dma_start3A_31 = arith.constant 0 : i32
      %dma_start3A_32 = tpu.memref_slice %arg10[%dma_start3A_30, %dma_start3A_31] : memref<507904x32xf32, #tpu.memory_space<hbm>> -> memref<507904x32xf32, #tpu.memory_space<hbm>>
      tpu.enqueue_indirect_dma source(%dma_start3A_32 : memref<507904x32xf32, #tpu.memory_space<hbm>>) target(%dma_start3A_27 : memref<128x32xf32, #tpu.memory_space<vmem>>) offsets(%dma_start3A_29 : memref<128xi32, #tpu.memory_space<vmem>>) semaphore(%arg39 : memref<!tpu.dma_semaphore, #tpu.memory_space<semaphore_mem>>)
      %dma_start3A_33 = arith.constant 0 : i32
      %dma_start3A_34 = arith.constant 0 : i32
      %dma_start3A_35 = tpu.memref_slice %arg30[%dma_start3A_33, %dma_start3A_34] : memref<256x32xf32, #tpu.memory_space<vmem>> -> memref<128x32xf32, #tpu.memory_space<vmem>>
      %dma_start3A_36 = arith.constant 0 : i32
      %dma_start3A_37 = tpu.memref_slice %arg21[%dma_start3A_36] : memref<256xi32, #tpu.memory_space<vmem>> -> memref<128xi32, #tpu.memory_space<vmem>>
      %dma_start3A_38 = arith.constant 0 : i32
      %dma_start3A_39 = arith.constant 0 : i32
      %dma_start3A_40 = tpu.memref_slice %arg11[%dma_start3A_38, %dma_start3A_39] : memref<507904x32xf32, #tpu.memory_space<hbm>> -> memref<507904x32xf32, #tpu.memory_space<hbm>>
      tpu.enqueue_indirect_dma source(%dma_start3A_40 : memref<507904x32xf32, #tpu.memory_space<hbm>>) target(%dma_start3A_35 : memref<128x32xf32, #tpu.memory_space<vmem>>) offsets(%dma_start3A_37 : memref<128xi32, #tpu.memory_space<vmem>>) semaphore(%arg39 : memref<!tpu.dma_semaphore, #tpu.memory_space<semaphore_mem>>)
      %dma_start3A_41 = arith.constant 128 : i32
      %dma_start3A_42 = arith.constant 0 : i32
      %dma_start3A_43 = tpu.memref_slice %arg30[%dma_start3A_41, %dma_start3A_42] : memref<256x32xf32, #tpu.memory_space<vmem>> -> memref<128x32xf32, #tpu.memory_space<vmem>>
      %dma_start3A_44 = arith.constant 128 : i32
      %dma_start3A_45 = tpu.memref_slice %arg21[%dma_start3A_44] : memref<256xi32, #tpu.memory_space<vmem>> -> memref<128xi32, #tpu.memory_space<vmem>>
      %dma_start3A_46 = arith.constant 0 : i32
      %dma_start3A_47 = arith.constant 0 : i32
      %dma_start3A_48 = tpu.memref_slice %arg11[%dma_start3A_46, %dma_start3A_47] : memref<507904x32xf32, #tpu.memory_space<hbm>> -> memref<507904x32xf32, #tpu.memory_space<hbm>>
      tpu.enqueue_indirect_dma source(%dma_start3A_48 : memref<507904x32xf32, #tpu.memory_space<hbm>>) target(%dma_start3A_43 : memref<128x32xf32, #tpu.memory_space<vmem>>) offsets(%dma_start3A_45 : memref<128xi32, #tpu.memory_space<vmem>>) semaphore(%arg39 : memref<!tpu.dma_semaphore, #tpu.memory_space<semaphore_mem>>)
      %dma_start3A_49 = arith.constant 0 : i32
      %dma_start3A_50 = arith.constant 0 : i32
      %dma_start3A_51 = tpu.memref_slice %arg31[%dma_start3A_49, %dma_start3A_50] : memref<256x32xf32, #tpu.memory_space<vmem>> -> memref<128x32xf32, #tpu.memory_space<vmem>>
      %dma_start3A_52 = arith.constant 0 : i32
      %dma_start3A_53 = tpu.memref_slice %arg22[%dma_start3A_52] : memref<256xi32, #tpu.memory_space<vmem>> -> memref<128xi32, #tpu.memory_space<vmem>>
      %dma_start3A_54 = arith.constant 0 : i32
      %dma_start3A_55 = arith.constant 0 : i32
      %dma_start3A_56 = tpu.memref_slice %arg12[%dma_start3A_54, %dma_start3A_55] : memref<507904x32xf32, #tpu.memory_space<hbm>> -> memref<507904x32xf32, #tpu.memory_space<hbm>>
      tpu.enqueue_indirect_dma source(%dma_start3A_56 : memref<507904x32xf32, #tpu.memory_space<hbm>>) target(%dma_start3A_51 : memref<128x32xf32, #tpu.memory_space<vmem>>) offsets(%dma_start3A_53 : memref<128xi32, #tpu.memory_space<vmem>>) semaphore(%arg39 : memref<!tpu.dma_semaphore, #tpu.memory_space<semaphore_mem>>)
      %dma_start3A_57 = arith.constant 128 : i32
      %dma_start3A_58 = arith.constant 0 : i32
      %dma_start3A_59 = tpu.memref_slice %arg31[%dma_start3A_57, %dma_start3A_58] : memref<256x32xf32, #tpu.memory_space<vmem>> -> memref<128x32xf32, #tpu.memory_space<vmem>>
      %dma_start3A_60 = arith.constant 128 : i32
      %dma_start3A_61 = tpu.memref_slice %arg22[%dma_start3A_60] : memref<256xi32, #tpu.memory_space<vmem>> -> memref<128xi32, #tpu.memory_space<vmem>>
      %dma_start3A_62 = arith.constant 0 : i32
      %dma_start3A_63 = arith.constant 0 : i32
      %dma_start3A_64 = tpu.memref_slice %arg12[%dma_start3A_62, %dma_start3A_63] : memref<507904x32xf32, #tpu.memory_space<hbm>> -> memref<507904x32xf32, #tpu.memory_space<hbm>>
      tpu.enqueue_indirect_dma source(%dma_start3A_64 : memref<507904x32xf32, #tpu.memory_space<hbm>>) target(%dma_start3A_59 : memref<128x32xf32, #tpu.memory_space<vmem>>) offsets(%dma_start3A_61 : memref<128xi32, #tpu.memory_space<vmem>>) semaphore(%arg39 : memref<!tpu.dma_semaphore, #tpu.memory_space<semaphore_mem>>)
      %dma_start3A_65 = arith.constant 0 : i32
      %dma_start3A_66 = arith.constant 0 : i32
      %dma_start3A_67 = tpu.memref_slice %arg32[%dma_start3A_65, %dma_start3A_66] : memref<256x32xf32, #tpu.memory_space<vmem>> -> memref<128x32xf32, #tpu.memory_space<vmem>>
      %dma_start3A_68 = arith.constant 0 : i32
      %dma_start3A_69 = tpu.memref_slice %arg23[%dma_start3A_68] : memref<256xi32, #tpu.memory_space<vmem>> -> memref<128xi32, #tpu.memory_space<vmem>>
      %dma_start3A_70 = arith.constant 0 : i32
      %dma_start3A_71 = arith.constant 0 : i32
      %dma_start3A_72 = tpu.memref_slice %arg13[%dma_start3A_70, %dma_start3A_71] : memref<507904x32xf32, #tpu.memory_space<hbm>> -> memref<507904x32xf32, #tpu.memory_space<hbm>>
      tpu.enqueue_indirect_dma source(%dma_start3A_72 : memref<507904x32xf32, #tpu.memory_space<hbm>>) target(%dma_start3A_67 : memref<128x32xf32, #tpu.memory_space<vmem>>) offsets(%dma_start3A_69 : memref<128xi32, #tpu.memory_space<vmem>>) semaphore(%arg39 : memref<!tpu.dma_semaphore, #tpu.memory_space<semaphore_mem>>)
      %dma_start3A_73 = arith.constant 128 : i32
      %dma_start3A_74 = arith.constant 0 : i32
      %dma_start3A_75 = tpu.memref_slice %arg32[%dma_start3A_73, %dma_start3A_74] : memref<256x32xf32, #tpu.memory_space<vmem>> -> memref<128x32xf32, #tpu.memory_space<vmem>>
      %dma_start3A_76 = arith.constant 128 : i32
      %dma_start3A_77 = tpu.memref_slice %arg23[%dma_start3A_76] : memref<256xi32, #tpu.memory_space<vmem>> -> memref<128xi32, #tpu.memory_space<vmem>>
      %dma_start3A_78 = arith.constant 0 : i32
      %dma_start3A_79 = arith.constant 0 : i32
      %dma_start3A_80 = tpu.memref_slice %arg13[%dma_start3A_78, %dma_start3A_79] : memref<507904x32xf32, #tpu.memory_space<hbm>> -> memref<507904x32xf32, #tpu.memory_space<hbm>>
      tpu.enqueue_indirect_dma source(%dma_start3A_80 : memref<507904x32xf32, #tpu.memory_space<hbm>>) target(%dma_start3A_75 : memref<128x32xf32, #tpu.memory_space<vmem>>) offsets(%dma_start3A_77 : memref<128xi32, #tpu.memory_space<vmem>>) semaphore(%arg39 : memref<!tpu.dma_semaphore, #tpu.memory_space<semaphore_mem>>)
      %dma_start3A_81 = arith.constant 0 : i32
      %dma_start3A_82 = arith.constant 0 : i32
      %dma_start3A_83 = tpu.memref_slice %arg34[%dma_start3A_81, %dma_start3A_82] : memref<256x32xf32, #tpu.memory_space<vmem>> -> memref<128x32xf32, #tpu.memory_space<vmem>>
      %dma_start3A_84 = arith.constant 0 : i32
      %dma_start3A_85 = tpu.memref_slice %arg25[%dma_start3A_84] : memref<256xi32, #tpu.memory_space<vmem>> -> memref<128xi32, #tpu.memory_space<vmem>>
      %dma_start3A_86 = arith.constant 0 : i32
      %dma_start3A_87 = arith.constant 0 : i32
      %dma_start3A_88 = tpu.memref_slice %arg15[%dma_start3A_86, %dma_start3A_87] : memref<507904x32xf32, #tpu.memory_space<hbm>> -> memref<507904x32xf32, #tpu.memory_space<hbm>>
      tpu.enqueue_indirect_dma source(%dma_start3A_88 : memref<507904x32xf32, #tpu.memory_space<hbm>>) target(%dma_start3A_83 : memref<128x32xf32, #tpu.memory_space<vmem>>) offsets(%dma_start3A_85 : memref<128xi32, #tpu.memory_space<vmem>>) semaphore(%arg39 : memref<!tpu.dma_semaphore, #tpu.memory_space<semaphore_mem>>)
      %dma_start3A_89 = arith.constant 128 : i32
      %dma_start3A_90 = arith.constant 0 : i32
      %dma_start3A_91 = tpu.memref_slice %arg34[%dma_start3A_89, %dma_start3A_90] : memref<256x32xf32, #tpu.memory_space<vmem>> -> memref<128x32xf32, #tpu.memory_space<vmem>>
      %dma_start3A_92 = arith.constant 128 : i32
      %dma_start3A_93 = tpu.memref_slice %arg25[%dma_start3A_92] : memref<256xi32, #tpu.memory_space<vmem>> -> memref<128xi32, #tpu.memory_space<vmem>>
      %dma_start3A_94 = arith.constant 0 : i32
      %dma_start3A_95 = arith.constant 0 : i32
      %dma_start3A_96 = tpu.memref_slice %arg15[%dma_start3A_94, %dma_start3A_95] : memref<507904x32xf32, #tpu.memory_space<hbm>> -> memref<507904x32xf32, #tpu.memory_space<hbm>>
      tpu.enqueue_indirect_dma source(%dma_start3A_96 : memref<507904x32xf32, #tpu.memory_space<hbm>>) target(%dma_start3A_91 : memref<128x32xf32, #tpu.memory_space<vmem>>) offsets(%dma_start3A_93 : memref<128xi32, #tpu.memory_space<vmem>>) semaphore(%arg39 : memref<!tpu.dma_semaphore, #tpu.memory_space<semaphore_mem>>)
      %dma_start3A_97 = arith.constant 0 : i32
      %dma_start3A_98 = arith.constant 0 : i32
      %dma_start3A_99 = tpu.memref_slice %arg35[%dma_start3A_97, %dma_start3A_98] : memref<256x32xf32, #tpu.memory_space<vmem>> -> memref<128x32xf32, #tpu.memory_space<vmem>>
      %dma_start3A_100 = arith.constant 0 : i32
      %dma_start3A_101 = tpu.memref_slice %arg26[%dma_start3A_100] : memref<256xi32, #tpu.memory_space<vmem>> -> memref<128xi32, #tpu.memory_space<vmem>>
      %dma_start3A_102 = arith.constant 0 : i32
      %dma_start3A_103 = arith.constant 0 : i32
      %dma_start3A_104 = tpu.memref_slice %arg16[%dma_start3A_102, %dma_start3A_103] : memref<507904x32xf32, #tpu.memory_space<hbm>> -> memref<507904x32xf32, #tpu.memory_space<hbm>>
      tpu.enqueue_indirect_dma source(%dma_start3A_104 : memref<507904x32xf32, #tpu.memory_space<hbm>>) target(%dma_start3A_99 : memref<128x32xf32, #tpu.memory_space<vmem>>) offsets(%dma_start3A_101 : memref<128xi32, #tpu.memory_space<vmem>>) semaphore(%arg39 : memref<!tpu.dma_semaphore, #tpu.memory_space<semaphore_mem>>)
      %dma_start3A_105 = arith.constant 128 : i32
      %dma_start3A_106 = arith.constant 0 : i32
      %dma_start3A_107 = tpu.memref_slice %arg35[%dma_start3A_105, %dma_start3A_106] : memref<256x32xf32, #tpu.memory_space<vmem>> -> memref<128x32xf32, #tpu.memory_space<vmem>>
      %dma_start3A_108 = arith.constant 128 : i32
      %dma_start3A_109 = tpu.memref_slice %arg26[%dma_start3A_108] : memref<256xi32, #tpu.memory_space<vmem>> -> memref<128xi32, #tpu.memory_space<vmem>>
      %dma_start3A_110 = arith.constant 0 : i32
      %dma_start3A_111 = arith.constant 0 : i32
      %dma_start3A_112 = tpu.memref_slice %arg16[%dma_start3A_110, %dma_start3A_111] : memref<507904x32xf32, #tpu.memory_space<hbm>> -> memref<507904x32xf32, #tpu.memory_space<hbm>>
      tpu.enqueue_indirect_dma source(%dma_start3A_112 : memref<507904x32xf32, #tpu.memory_space<hbm>>) target(%dma_start3A_107 : memref<128x32xf32, #tpu.memory_space<vmem>>) offsets(%dma_start3A_109 : memref<128xi32, #tpu.memory_space<vmem>>) semaphore(%arg39 : memref<!tpu.dma_semaphore, #tpu.memory_space<semaphore_mem>>)
      %dma_start3A_113 = arith.constant 0 : i32
      %dma_start3A_114 = arith.constant 0 : i32
      %dma_start3A_115 = tpu.memref_slice %arg36[%dma_start3A_113, %dma_start3A_114] : memref<256x32xf32, #tpu.memory_space<vmem>> -> memref<128x32xf32, #tpu.memory_space<vmem>>
      %dma_start3A_116 = arith.constant 0 : i32
      %dma_start3A_117 = tpu.memref_slice %arg27[%dma_start3A_116] : memref<256xi32, #tpu.memory_space<vmem>> -> memref<128xi32, #tpu.memory_space<vmem>>
      %dma_start3A_118 = arith.constant 0 : i32
      %dma_start3A_119 = arith.constant 0 : i32
      %dma_start3A_120 = tpu.memref_slice %arg17[%dma_start3A_118, %dma_start3A_119] : memref<507904x32xf32, #tpu.memory_space<hbm>> -> memref<507904x32xf32, #tpu.memory_space<hbm>>
      tpu.enqueue_indirect_dma source(%dma_start3A_120 : memref<507904x32xf32, #tpu.memory_space<hbm>>) target(%dma_start3A_115 : memref<128x32xf32, #tpu.memory_space<vmem>>) offsets(%dma_start3A_117 : memref<128xi32, #tpu.memory_space<vmem>>) semaphore(%arg39 : memref<!tpu.dma_semaphore, #tpu.memory_space<semaphore_mem>>)
      %dma_start3A_121 = arith.constant 128 : i32
      %dma_start3A_122 = arith.constant 0 : i32
      %dma_start3A_123 = tpu.memref_slice %arg36[%dma_start3A_121, %dma_start3A_122] : memref<256x32xf32, #tpu.memory_space<vmem>> -> memref<128x32xf32, #tpu.memory_space<vmem>>
      %dma_start3A_124 = arith.constant 128 : i32
      %dma_start3A_125 = tpu.memref_slice %arg27[%dma_start3A_124] : memref<256xi32, #tpu.memory_space<vmem>> -> memref<128xi32, #tpu.memory_space<vmem>>
      %dma_start3A_126 = arith.constant 0 : i32
      %dma_start3A_127 = arith.constant 0 : i32
      %dma_start3A_128 = tpu.memref_slice %arg17[%dma_start3A_126, %dma_start3A_127] : memref<507904x32xf32, #tpu.memory_space<hbm>> -> memref<507904x32xf32, #tpu.memory_space<hbm>>
      tpu.enqueue_indirect_dma source(%dma_start3A_128 : memref<507904x32xf32, #tpu.memory_space<hbm>>) target(%dma_start3A_123 : memref<128x32xf32, #tpu.memory_space<vmem>>) offsets(%dma_start3A_125 : memref<128xi32, #tpu.memory_space<vmem>>) semaphore(%arg39 : memref<!tpu.dma_semaphore, #tpu.memory_space<semaphore_mem>>)
      %dma_start3A_129 = arith.constant 0 : i32
      %dma_start3A_130 = arith.constant 0 : i32
      %dma_start3A_131 = tpu.memref_slice %arg37[%dma_start3A_129, %dma_start3A_130] : memref<256x32xf32, #tpu.memory_space<vmem>> -> memref<128x32xf32, #tpu.memory_space<vmem>>
      %dma_start3A_132 = arith.constant 0 : i32
      %dma_start3A_133 = tpu.memref_slice %arg28[%dma_start3A_132] : memref<256xi32, #tpu.memory_space<vmem>> -> memref<128xi32, #tpu.memory_space<vmem>>
      %dma_start3A_134 = arith.constant 0 : i32
      %dma_start3A_135 = arith.constant 0 : i32
      %dma_start3A_136 = tpu.memref_slice %arg18[%dma_start3A_134, %dma_start3A_135] : memref<507904x32xf32, #tpu.memory_space<hbm>> -> memref<507904x32xf32, #tpu.memory_space<hbm>>
      tpu.enqueue_indirect_dma source(%dma_start3A_136 : memref<507904x32xf32, #tpu.memory_space<hbm>>) target(%dma_start3A_131 : memref<128x32xf32, #tpu.memory_space<vmem>>) offsets(%dma_start3A_133 : memref<128xi32, #tpu.memory_space<vmem>>) semaphore(%arg39 : memref<!tpu.dma_semaphore, #tpu.memory_space<semaphore_mem>>)
      %dma_start3A_137 = arith.constant 128 : i32
      %dma_start3A_138 = arith.constant 0 : i32
      %dma_start3A_139 = tpu.memref_slice %arg37[%dma_start3A_137, %dma_start3A_138] : memref<256x32xf32, #tpu.memory_space<vmem>> -> memref<128x32xf32, #tpu.memory_space<vmem>>
      %dma_start3A_140 = arith.constant 128 : i32
      %dma_start3A_141 = tpu.memref_slice %arg28[%dma_start3A_140] : memref<256xi32, #tpu.memory_space<vmem>> -> memref<128xi32, #tpu.memory_space<vmem>>
      %dma_start3A_142 = arith.constant 0 : i32
      %dma_start3A_143 = arith.constant 0 : i32
      %dma_start3A_144 = tpu.memref_slice %arg18[%dma_start3A_142, %dma_start3A_143] : memref<507904x32xf32, #tpu.memory_space<hbm>> -> memref<507904x32xf32, #tpu.memory_space<hbm>>
      tpu.enqueue_indirect_dma source(%dma_start3A_144 : memref<507904x32xf32, #tpu.memory_space<hbm>>) target(%dma_start3A_139 : memref<128x32xf32, #tpu.memory_space<vmem>>) offsets(%dma_start3A_141 : memref<128xi32, #tpu.memory_space<vmem>>) semaphore(%arg39 : memref<!tpu.dma_semaphore, #tpu.memory_space<semaphore_mem>>)
      %dma_wait3A = arith.constant 0 : i32
      %dma_wait3A_145 = tpu.memref_slice %arg14[%add3A_13, %dma_wait3A] : memref<507904x32xf32, #tpu.memory_space<hbm>> -> memref<256x32xf32, #tpu.memory_space<hbm>>
      %dma_wait3A_146 = arith.constant 0 : i32
      %dma_wait3A_147 = tpu.memref_slice %arg14[%add3A_13, %dma_wait3A_146] : memref<507904x32xf32, #tpu.memory_space<hbm>> -> memref<256x32xf32, #tpu.memory_space<hbm>>
      tpu.wait_dma2 semaphore(%arg39 : memref<!tpu.dma_semaphore, #tpu.memory_space<semaphore_mem>>) src(%dma_wait3A_147 : memref<256x32xf32, #tpu.memory_space<hbm>>) dst(%arg33 : memref<256x32xf32, #tpu.memory_space<vmem>>)
      %dma_wait3A_148 = arith.constant 0 : i32
      %dma_wait3A_149 = arith.constant 0 : i32
      %dma_wait3A_150 = tpu.memref_slice %arg29[%dma_wait3A_148, %dma_wait3A_149] : memref<256x32xf32, #tpu.memory_space<vmem>> -> memref<128x32xf32, #tpu.memory_space<vmem>>
      %dma_wait3A_151 = arith.constant 0 : i32
      %dma_wait3A_152 = tpu.memref_slice %arg20[%dma_wait3A_151] : memref<256xi32, #tpu.memory_space<vmem>> -> memref<128xi32, #tpu.memory_space<vmem>>
      %dma_wait3A_153 = arith.constant 0 : i32
      %dma_wait3A_154 = arith.constant 0 : i32
      %dma_wait3A_155 = tpu.memref_slice %arg10[%dma_wait3A_153, %dma_wait3A_154] : memref<507904x32xf32, #tpu.memory_space<hbm>> -> memref<507904x32xf32, #tpu.memory_space<hbm>>
      tpu.wait_indirect_dma semaphore(%arg39 : memref<!tpu.dma_semaphore, #tpu.memory_space<semaphore_mem>>) src(%dma_wait3A_155 : memref<507904x32xf32, #tpu.memory_space<hbm>>) dst(%dma_wait3A_150 : memref<128x32xf32, #tpu.memory_space<vmem>>)
      %dma_wait3A_156 = arith.constant 128 : i32
      %dma_wait3A_157 = arith.constant 0 : i32
      %dma_wait3A_158 = tpu.memref_slice %arg29[%dma_wait3A_156, %dma_wait3A_157] : memref<256x32xf32, #tpu.memory_space<vmem>> -> memref<128x32xf32, #tpu.memory_space<vmem>>
      %dma_wait3A_159 = arith.constant 128 : i32
      %dma_wait3A_160 = tpu.memref_slice %arg20[%dma_wait3A_159] : memref<256xi32, #tpu.memory_space<vmem>> -> memref<128xi32, #tpu.memory_space<vmem>>
      %dma_wait3A_161 = arith.constant 0 : i32
      %dma_wait3A_162 = arith.constant 0 : i32
      %dma_wait3A_163 = tpu.memref_slice %arg10[%dma_wait3A_161, %dma_wait3A_162] : memref<507904x32xf32, #tpu.memory_space<hbm>> -> memref<507904x32xf32, #tpu.memory_space<hbm>>
      tpu.wait_indirect_dma semaphore(%arg39 : memref<!tpu.dma_semaphore, #tpu.memory_space<semaphore_mem>>) src(%dma_wait3A_163 : memref<507904x32xf32, #tpu.memory_space<hbm>>) dst(%dma_wait3A_158 : memref<128x32xf32, #tpu.memory_space<vmem>>)
      %dma_wait3A_164 = arith.constant 0 : i32
      %dma_wait3A_165 = arith.constant 0 : i32
      %dma_wait3A_166 = tpu.memref_slice %arg30[%dma_wait3A_164, %dma_wait3A_165] : memref<256x32xf32, #tpu.memory_space<vmem>> -> memref<128x32xf32, #tpu.memory_space<vmem>>
      %dma_wait3A_167 = arith.constant 0 : i32
      %dma_wait3A_168 = tpu.memref_slice %arg21[%dma_wait3A_167] : memref<256xi32, #tpu.memory_space<vmem>> -> memref<128xi32, #tpu.memory_space<vmem>>
      %dma_wait3A_169 = arith.constant 0 : i32
      %dma_wait3A_170 = arith.constant 0 : i32
      %dma_wait3A_171 = tpu.memref_slice %arg11[%dma_wait3A_169, %dma_wait3A_170] : memref<507904x32xf32, #tpu.memory_space<hbm>> -> memref<507904x32xf32, #tpu.memory_space<hbm>>
      tpu.wait_indirect_dma semaphore(%arg39 : memref<!tpu.dma_semaphore, #tpu.memory_space<semaphore_mem>>) src(%dma_wait3A_171 : memref<507904x32xf32, #tpu.memory_space<hbm>>) dst(%dma_wait3A_166 : memref<128x32xf32, #tpu.memory_space<vmem>>)
      %dma_wait3A_172 = arith.constant 128 : i32
      %dma_wait3A_173 = arith.constant 0 : i32
      %dma_wait3A_174 = tpu.memref_slice %arg30[%dma_wait3A_172, %dma_wait3A_173] : memref<256x32xf32, #tpu.memory_space<vmem>> -> memref<128x32xf32, #tpu.memory_space<vmem>>
      %dma_wait3A_175 = arith.constant 128 : i32
      %dma_wait3A_176 = tpu.memref_slice %arg21[%dma_wait3A_175] : memref<256xi32, #tpu.memory_space<vmem>> -> memref<128xi32, #tpu.memory_space<vmem>>
      %dma_wait3A_177 = arith.constant 0 : i32
      %dma_wait3A_178 = arith.constant 0 : i32
      %dma_wait3A_179 = tpu.memref_slice %arg11[%dma_wait3A_177, %dma_wait3A_178] : memref<507904x32xf32, #tpu.memory_space<hbm>> -> memref<507904x32xf32, #tpu.memory_space<hbm>>
      tpu.wait_indirect_dma semaphore(%arg39 : memref<!tpu.dma_semaphore, #tpu.memory_space<semaphore_mem>>) src(%dma_wait3A_179 : memref<507904x32xf32, #tpu.memory_space<hbm>>) dst(%dma_wait3A_174 : memref<128x32xf32, #tpu.memory_space<vmem>>)
      %dma_wait3A_180 = arith.constant 0 : i32
      %dma_wait3A_181 = arith.constant 0 : i32
      %dma_wait3A_182 = tpu.memref_slice %arg31[%dma_wait3A_180, %dma_wait3A_181] : memref<256x32xf32, #tpu.memory_space<vmem>> -> memref<128x32xf32, #tpu.memory_space<vmem>>
      %dma_wait3A_183 = arith.constant 0 : i32
      %dma_wait3A_184 = tpu.memref_slice %arg22[%dma_wait3A_183] : memref<256xi32, #tpu.memory_space<vmem>> -> memref<128xi32, #tpu.memory_space<vmem>>
      %dma_wait3A_185 = arith.constant 0 : i32
      %dma_wait3A_186 = arith.constant 0 : i32
      %dma_wait3A_187 = tpu.memref_slice %arg12[%dma_wait3A_185, %dma_wait3A_186] : memref<507904x32xf32, #tpu.memory_space<hbm>> -> memref<507904x32xf32, #tpu.memory_space<hbm>>
      tpu.wait_indirect_dma semaphore(%arg39 : memref<!tpu.dma_semaphore, #tpu.memory_space<semaphore_mem>>) src(%dma_wait3A_187 : memref<507904x32xf32, #tpu.memory_space<hbm>>) dst(%dma_wait3A_182 : memref<128x32xf32, #tpu.memory_space<vmem>>)
      %dma_wait3A_188 = arith.constant 128 : i32
      %dma_wait3A_189 = arith.constant 0 : i32
      %dma_wait3A_190 = tpu.memref_slice %arg31[%dma_wait3A_188, %dma_wait3A_189] : memref<256x32xf32, #tpu.memory_space<vmem>> -> memref<128x32xf32, #tpu.memory_space<vmem>>
      %dma_wait3A_191 = arith.constant 128 : i32
      %dma_wait3A_192 = tpu.memref_slice %arg22[%dma_wait3A_191] : memref<256xi32, #tpu.memory_space<vmem>> -> memref<128xi32, #tpu.memory_space<vmem>>
      %dma_wait3A_193 = arith.constant 0 : i32
      %dma_wait3A_194 = arith.constant 0 : i32
      %dma_wait3A_195 = tpu.memref_slice %arg12[%dma_wait3A_193, %dma_wait3A_194] : memref<507904x32xf32, #tpu.memory_space<hbm>> -> memref<507904x32xf32, #tpu.memory_space<hbm>>
      tpu.wait_indirect_dma semaphore(%arg39 : memref<!tpu.dma_semaphore, #tpu.memory_space<semaphore_mem>>) src(%dma_wait3A_195 : memref<507904x32xf32, #tpu.memory_space<hbm>>) dst(%dma_wait3A_190 : memref<128x32xf32, #tpu.memory_space<vmem>>)
      %dma_wait3A_196 = arith.constant 0 : i32
      %dma_wait3A_197 = arith.constant 0 : i32
      %dma_wait3A_198 = tpu.memref_slice %arg32[%dma_wait3A_196, %dma_wait3A_197] : memref<256x32xf32, #tpu.memory_space<vmem>> -> memref<128x32xf32, #tpu.memory_space<vmem>>
      %dma_wait3A_199 = arith.constant 0 : i32
      %dma_wait3A_200 = tpu.memref_slice %arg23[%dma_wait3A_199] : memref<256xi32, #tpu.memory_space<vmem>> -> memref<128xi32, #tpu.memory_space<vmem>>
      %dma_wait3A_201 = arith.constant 0 : i32
      %dma_wait3A_202 = arith.constant 0 : i32
      %dma_wait3A_203 = tpu.memref_slice %arg13[%dma_wait3A_201, %dma_wait3A_202] : memref<507904x32xf32, #tpu.memory_space<hbm>> -> memref<507904x32xf32, #tpu.memory_space<hbm>>
      tpu.wait_indirect_dma semaphore(%arg39 : memref<!tpu.dma_semaphore, #tpu.memory_space<semaphore_mem>>) src(%dma_wait3A_203 : memref<507904x32xf32, #tpu.memory_space<hbm>>) dst(%dma_wait3A_198 : memref<128x32xf32, #tpu.memory_space<vmem>>)
      %dma_wait3A_204 = arith.constant 128 : i32
      %dma_wait3A_205 = arith.constant 0 : i32
      %dma_wait3A_206 = tpu.memref_slice %arg32[%dma_wait3A_204, %dma_wait3A_205] : memref<256x32xf32, #tpu.memory_space<vmem>> -> memref<128x32xf32, #tpu.memory_space<vmem>>
      %dma_wait3A_207 = arith.constant 128 : i32
      %dma_wait3A_208 = tpu.memref_slice %arg23[%dma_wait3A_207] : memref<256xi32, #tpu.memory_space<vmem>> -> memref<128xi32, #tpu.memory_space<vmem>>
      %dma_wait3A_209 = arith.constant 0 : i32
      %dma_wait3A_210 = arith.constant 0 : i32
      %dma_wait3A_211 = tpu.memref_slice %arg13[%dma_wait3A_209, %dma_wait3A_210] : memref<507904x32xf32, #tpu.memory_space<hbm>> -> memref<507904x32xf32, #tpu.memory_space<hbm>>
      tpu.wait_indirect_dma semaphore(%arg39 : memref<!tpu.dma_semaphore, #tpu.memory_space<semaphore_mem>>) src(%dma_wait3A_211 : memref<507904x32xf32, #tpu.memory_space<hbm>>) dst(%dma_wait3A_206 : memref<128x32xf32, #tpu.memory_space<vmem>>)
      %dma_wait3A_212 = arith.constant 0 : i32
      %dma_wait3A_213 = arith.constant 0 : i32
      %dma_wait3A_214 = tpu.memref_slice %arg34[%dma_wait3A_212, %dma_wait3A_213] : memref<256x32xf32, #tpu.memory_space<vmem>> -> memref<128x32xf32, #tpu.memory_space<vmem>>
      %dma_wait3A_215 = arith.constant 0 : i32
      %dma_wait3A_216 = tpu.memref_slice %arg25[%dma_wait3A_215] : memref<256xi32, #tpu.memory_space<vmem>> -> memref<128xi32, #tpu.memory_space<vmem>>
      %dma_wait3A_217 = arith.constant 0 : i32
      %dma_wait3A_218 = arith.constant 0 : i32
      %dma_wait3A_219 = tpu.memref_slice %arg15[%dma_wait3A_217, %dma_wait3A_218] : memref<507904x32xf32, #tpu.memory_space<hbm>> -> memref<507904x32xf32, #tpu.memory_space<hbm>>
      tpu.wait_indirect_dma semaphore(%arg39 : memref<!tpu.dma_semaphore, #tpu.memory_space<semaphore_mem>>) src(%dma_wait3A_219 : memref<507904x32xf32, #tpu.memory_space<hbm>>) dst(%dma_wait3A_214 : memref<128x32xf32, #tpu.memory_space<vmem>>)
      %dma_wait3A_220 = arith.constant 128 : i32
      %dma_wait3A_221 = arith.constant 0 : i32
      %dma_wait3A_222 = tpu.memref_slice %arg34[%dma_wait3A_220, %dma_wait3A_221] : memref<256x32xf32, #tpu.memory_space<vmem>> -> memref<128x32xf32, #tpu.memory_space<vmem>>
      %dma_wait3A_223 = arith.constant 128 : i32
      %dma_wait3A_224 = tpu.memref_slice %arg25[%dma_wait3A_223] : memref<256xi32, #tpu.memory_space<vmem>> -> memref<128xi32, #tpu.memory_space<vmem>>
      %dma_wait3A_225 = arith.constant 0 : i32
      %dma_wait3A_226 = arith.constant 0 : i32
      %dma_wait3A_227 = tpu.memref_slice %arg15[%dma_wait3A_225, %dma_wait3A_226] : memref<507904x32xf32, #tpu.memory_space<hbm>> -> memref<507904x32xf32, #tpu.memory_space<hbm>>
      tpu.wait_indirect_dma semaphore(%arg39 : memref<!tpu.dma_semaphore, #tpu.memory_space<semaphore_mem>>) src(%dma_wait3A_227 : memref<507904x32xf32, #tpu.memory_space<hbm>>) dst(%dma_wait3A_222 : memref<128x32xf32, #tpu.memory_space<vmem>>)
      %dma_wait3A_228 = arith.constant 0 : i32
      %dma_wait3A_229 = arith.constant 0 : i32
      %dma_wait3A_230 = tpu.memref_slice %arg35[%dma_wait3A_228, %dma_wait3A_229] : memref<256x32xf32, #tpu.memory_space<vmem>> -> memref<128x32xf32, #tpu.memory_space<vmem>>
      %dma_wait3A_231 = arith.constant 0 : i32
      %dma_wait3A_232 = tpu.memref_slice %arg26[%dma_wait3A_231] : memref<256xi32, #tpu.memory_space<vmem>> -> memref<128xi32, #tpu.memory_space<vmem>>
      %dma_wait3A_233 = arith.constant 0 : i32
      %dma_wait3A_234 = arith.constant 0 : i32
      %dma_wait3A_235 = tpu.memref_slice %arg16[%dma_wait3A_233, %dma_wait3A_234] : memref<507904x32xf32, #tpu.memory_space<hbm>> -> memref<507904x32xf32, #tpu.memory_space<hbm>>
      tpu.wait_indirect_dma semaphore(%arg39 : memref<!tpu.dma_semaphore, #tpu.memory_space<semaphore_mem>>) src(%dma_wait3A_235 : memref<507904x32xf32, #tpu.memory_space<hbm>>) dst(%dma_wait3A_230 : memref<128x32xf32, #tpu.memory_space<vmem>>)
      %dma_wait3A_236 = arith.constant 128 : i32
      %dma_wait3A_237 = arith.constant 0 : i32
      %dma_wait3A_238 = tpu.memref_slice %arg35[%dma_wait3A_236, %dma_wait3A_237] : memref<256x32xf32, #tpu.memory_space<vmem>> -> memref<128x32xf32, #tpu.memory_space<vmem>>
      %dma_wait3A_239 = arith.constant 128 : i32
      %dma_wait3A_240 = tpu.memref_slice %arg26[%dma_wait3A_239] : memref<256xi32, #tpu.memory_space<vmem>> -> memref<128xi32, #tpu.memory_space<vmem>>
      %dma_wait3A_241 = arith.constant 0 : i32
      %dma_wait3A_242 = arith.constant 0 : i32
      %dma_wait3A_243 = tpu.memref_slice %arg16[%dma_wait3A_241, %dma_wait3A_242] : memref<507904x32xf32, #tpu.memory_space<hbm>> -> memref<507904x32xf32, #tpu.memory_space<hbm>>
      tpu.wait_indirect_dma semaphore(%arg39 : memref<!tpu.dma_semaphore, #tpu.memory_space<semaphore_mem>>) src(%dma_wait3A_243 : memref<507904x32xf32, #tpu.memory_space<hbm>>) dst(%dma_wait3A_238 : memref<128x32xf32, #tpu.memory_space<vmem>>)
      %dma_wait3A_244 = arith.constant 0 : i32
      %dma_wait3A_245 = arith.constant 0 : i32
      %dma_wait3A_246 = tpu.memref_slice %arg36[%dma_wait3A_244, %dma_wait3A_245] : memref<256x32xf32, #tpu.memory_space<vmem>> -> memref<128x32xf32, #tpu.memory_space<vmem>>
      %dma_wait3A_247 = arith.constant 0 : i32
      %dma_wait3A_248 = tpu.memref_slice %arg27[%dma_wait3A_247] : memref<256xi32, #tpu.memory_space<vmem>> -> memref<128xi32, #tpu.memory_space<vmem>>
      %dma_wait3A_249 = arith.constant 0 : i32
      %dma_wait3A_250 = arith.constant 0 : i32
      %dma_wait3A_251 = tpu.memref_slice %arg17[%dma_wait3A_249, %dma_wait3A_250] : memref<507904x32xf32, #tpu.memory_space<hbm>> -> memref<507904x32xf32, #tpu.memory_space<hbm>>
      tpu.wait_indirect_dma semaphore(%arg39 : memref<!tpu.dma_semaphore, #tpu.memory_space<semaphore_mem>>) src(%dma_wait3A_251 : memref<507904x32xf32, #tpu.memory_space<hbm>>) dst(%dma_wait3A_246 : memref<128x32xf32, #tpu.memory_space<vmem>>)
      %dma_wait3A_252 = arith.constant 128 : i32
      %dma_wait3A_253 = arith.constant 0 : i32
      %dma_wait3A_254 = tpu.memref_slice %arg36[%dma_wait3A_252, %dma_wait3A_253] : memref<256x32xf32, #tpu.memory_space<vmem>> -> memref<128x32xf32, #tpu.memory_space<vmem>>
      %dma_wait3A_255 = arith.constant 128 : i32
      %dma_wait3A_256 = tpu.memref_slice %arg27[%dma_wait3A_255] : memref<256xi32, #tpu.memory_space<vmem>> -> memref<128xi32, #tpu.memory_space<vmem>>
      %dma_wait3A_257 = arith.constant 0 : i32
      %dma_wait3A_258 = arith.constant 0 : i32
      %dma_wait3A_259 = tpu.memref_slice %arg17[%dma_wait3A_257, %dma_wait3A_258] : memref<507904x32xf32, #tpu.memory_space<hbm>> -> memref<507904x32xf32, #tpu.memory_space<hbm>>
      tpu.wait_indirect_dma semaphore(%arg39 : memref<!tpu.dma_semaphore, #tpu.memory_space<semaphore_mem>>) src(%dma_wait3A_259 : memref<507904x32xf32, #tpu.memory_space<hbm>>) dst(%dma_wait3A_254 : memref<128x32xf32, #tpu.memory_space<vmem>>)
      %dma_wait3A_260 = arith.constant 0 : i32
      %dma_wait3A_261 = arith.constant 0 : i32
      %dma_wait3A_262 = tpu.memref_slice %arg37[%dma_wait3A_260, %dma_wait3A_261] : memref<256x32xf32, #tpu.memory_space<vmem>> -> memref<128x32xf32, #tpu.memory_space<vmem>>
      %dma_wait3A_263 = arith.constant 0 : i32
      %dma_wait3A_264 = tpu.memref_slice %arg28[%dma_wait3A_263] : memref<256xi32, #tpu.memory_space<vmem>> -> memref<128xi32, #tpu.memory_space<vmem>>
      %dma_wait3A_265 = arith.constant 0 : i32
      %dma_wait3A_266 = arith.constant 0 : i32
      %dma_wait3A_267 = tpu.memref_slice %arg18[%dma_wait3A_265, %dma_wait3A_266] : memref<507904x32xf32, #tpu.memory_space<hbm>> -> memref<507904x32xf32, #tpu.memory_space<hbm>>
      tpu.wait_indirect_dma semaphore(%arg39 : memref<!tpu.dma_semaphore, #tpu.memory_space<semaphore_mem>>) src(%dma_wait3A_267 : memref<507904x32xf32, #tpu.memory_space<hbm>>) dst(%dma_wait3A_262 : memref<128x32xf32, #tpu.memory_space<vmem>>)
      %dma_wait3A_268 = arith.constant 128 : i32
      %dma_wait3A_269 = arith.constant 0 : i32
      %dma_wait3A_270 = tpu.memref_slice %arg37[%dma_wait3A_268, %dma_wait3A_269] : memref<256x32xf32, #tpu.memory_space<vmem>> -> memref<128x32xf32, #tpu.memory_space<vmem>>
      %dma_wait3A_271 = arith.constant 128 : i32
      %dma_wait3A_272 = tpu.memref_slice %arg28[%dma_wait3A_271] : memref<256xi32, #tpu.memory_space<vmem>> -> memref<128xi32, #tpu.memory_space<vmem>>
      %dma_wait3A_273 = arith.constant 0 : i32
      %dma_wait3A_274 = arith.constant 0 : i32
      %dma_wait3A_275 = tpu.memref_slice %arg18[%dma_wait3A_273, %dma_wait3A_274] : memref<507904x32xf32, #tpu.memory_space<hbm>> -> memref<507904x32xf32, #tpu.memory_space<hbm>>
      tpu.wait_indirect_dma semaphore(%arg39 : memref<!tpu.dma_semaphore, #tpu.memory_space<semaphore_mem>>) src(%dma_wait3A_275 : memref<507904x32xf32, #tpu.memory_space<hbm>>) dst(%dma_wait3A_270 : memref<128x32xf32, #tpu.memory_space<vmem>>)
      %scan3A_276 = arith.constant 0 : i32
      %scan3A_277 = arith.constant 0 : i32
      %scan3A_278 = arith.constant 256 : i32
      %scan3A_279 = arith.addi %scan3A_277, %scan3A_278 : i32
      %scan3A_280 = arith.constant 1 : i32
      %scan3A_281 = scf.for %scan3A_284 = %scan3A_277 to %scan3A_279 step %scan3A_280 iter_args(%scan3A_285 = %scan3A_276) -> (i32)  : i32 {
        %get3A = arith.index_cast %scan3A_284 : i32 to index
        %get3A_286 = arith.constant 0 : index
        %get3A_287 = tpu.vector_load %arg29[%get3A, %get3A_286] {strides = array<i32>} : memref<256x32xf32, #tpu.memory_space<vmem>>, vector<1x16xf32>,
        %get3A_288 = vector.shape_cast %get3A_287 : vector<1x16xf32> to vector<16xf32>
        %get3A_289 = arith.index_cast %scan3A_284 : i32 to index
        %get3A_290 = arith.constant 0 : index
        %get3A_291 = tpu.vector_load %arg30[%get3A_289, %get3A_290] {strides = array<i32>} : memref<256x32xf32, #tpu.memory_space<vmem>>, vector<1x16xf32>,
        %get3A_292 = vector.shape_cast %get3A_291 : vector<1x16xf32> to vector<16xf32>
        %add3A_293 = arith.addf %get3A_288, %get3A_292 : vector<16xf32>
        %get3A_294 = arith.index_cast %scan3A_284 : i32 to index
        %get3A_295 = arith.constant 0 : index
        %get3A_296 = tpu.vector_load %arg31[%get3A_294, %get3A_295] {strides = array<i32>} : memref<256x32xf32, #tpu.memory_space<vmem>>, vector<1x16xf32>,
        %get3A_297 = vector.shape_cast %get3A_296 : vector<1x16xf32> to vector<16xf32>
        %add3A_298 = arith.addf %add3A_293, %get3A_297 : vector<16xf32>
        %get3A_299 = arith.index_cast %scan3A_284 : i32 to index
        %get3A_300 = arith.constant 0 : index
        %get3A_301 = tpu.vector_load %arg32[%get3A_299, %get3A_300] {strides = array<i32>} : memref<256x32xf32, #tpu.memory_space<vmem>>, vector<1x16xf32>,
        %get3A_302 = vector.shape_cast %get3A_301 : vector<1x16xf32> to vector<16xf32>
        %add3A_303 = arith.addf %add3A_298, %get3A_302 : vector<16xf32>
        %get3A_304 = arith.index_cast %scan3A_284 : i32 to index
        %get3A_305 = arith.constant 0 : index
        %get3A_306 = tpu.vector_load %arg33[%get3A_304, %get3A_305] {strides = array<i32>} : memref<256x32xf32, #tpu.memory_space<vmem>>, vector<1x16xf32>,
        %get3A_307 = vector.shape_cast %get3A_306 : vector<1x16xf32> to vector<16xf32>
        %add3A_308 = arith.addf %add3A_303, %get3A_307 : vector<16xf32>
        %get3A_309 = arith.index_cast %scan3A_284 : i32 to index
        %get3A_310 = arith.constant 0 : index
        %get3A_311 = tpu.vector_load %arg34[%get3A_309, %get3A_310] {strides = array<i32>} : memref<256x32xf32, #tpu.memory_space<vmem>>, vector<1x16xf32>,
        %get3A_312 = vector.shape_cast %get3A_311 : vector<1x16xf32> to vector<16xf32>
        %add3A_313 = arith.addf %add3A_308, %get3A_312 : vector<16xf32>
        %get3A_314 = arith.index_cast %scan3A_284 : i32 to index
        %get3A_315 = arith.constant 0 : index
        %get3A_316 = tpu.vector_load %arg35[%get3A_314, %get3A_315] {strides = array<i32>} : memref<256x32xf32, #tpu.memory_space<vmem>>, vector<1x16xf32>,
        %get3A_317 = vector.shape_cast %get3A_316 : vector<1x16xf32> to vector<16xf32>
        %add3A_318 = arith.addf %add3A_313, %get3A_317 : vector<16xf32>
        %get3A_319 = arith.index_cast %scan3A_284 : i32 to index
        %get3A_320 = arith.constant 0 : index
        %get3A_321 = tpu.vector_load %arg36[%get3A_319, %get3A_320] {strides = array<i32>} : memref<256x32xf32, #tpu.memory_space<vmem>>, vector<1x16xf32>,
        %get3A_322 = vector.shape_cast %get3A_321 : vector<1x16xf32> to vector<16xf32>
        %add3A_323 = arith.addf %add3A_318, %get3A_322 : vector<16xf32>
        %get3A_324 = arith.index_cast %scan3A_284 : i32 to index
        %get3A_325 = arith.constant 0 : index
        %get3A_326 = tpu.vector_load %arg37[%get3A_324, %get3A_325] {strides = array<i32>} : memref<256x32xf32, #tpu.memory_space<vmem>>, vector<1x16xf32>,
        %get3A_327 = vector.shape_cast %get3A_326 : vector<1x16xf32> to vector<16xf32>
        %add3A_328 = arith.addf %add3A_323, %get3A_327 : vector<16xf32>
        %swap3A = arith.index_cast %scan3A_284 : i32 to index
        %swap3A_329 = arith.constant 0 : index
        %swap3A_330 = tpu.vector_load %arg38[%swap3A, %swap3A_329] {strides = array<i32>} : memref<256x32xf32, #tpu.memory_space<vmem>>, vector<1x16xf32>,
        %swap3A_331 = vector.shape_cast %swap3A_330 : vector<1x16xf32> to vector<16xf32>
        %swap3A_332 = vector.shape_cast %add3A_328 : vector<16xf32> to vector<1x16xf32>
        tpu.vector_store %arg38[%swap3A, %swap3A_329], %swap3A_332 {strides = array<i32>} : memref<256x32xf32, #tpu.memory_space<vmem>>, vector<1x16xf32>,
        %get3A_333 = arith.index_cast %scan3A_284 : i32 to index
        %get3A_334 = arith.constant 16 : index
        %get3A_335 = tpu.vector_load %arg29[%get3A_333, %get3A_334] {strides = array<i32>} : memref<256x32xf32, #tpu.memory_space<vmem>>, vector<1x16xf32>,
        %get3A_336 = vector.shape_cast %get3A_335 : vector<1x16xf32> to vector<16xf32>
        %get3A_337 = arith.index_cast %scan3A_284 : i32 to index
        %get3A_338 = arith.constant 16 : index
        %get3A_339 = tpu.vector_load %arg30[%get3A_337, %get3A_338] {strides = array<i32>} : memref<256x32xf32, #tpu.memory_space<vmem>>, vector<1x16xf32>,
        %get3A_340 = vector.shape_cast %get3A_339 : vector<1x16xf32> to vector<16xf32>
        %add3A_341 = arith.addf %get3A_336, %get3A_340 : vector<16xf32>
        %get3A_342 = arith.index_cast %scan3A_284 : i32 to index
        %get3A_343 = arith.constant 16 : index
        %get3A_344 = tpu.vector_load %arg31[%get3A_342, %get3A_343] {strides = array<i32>} : memref<256x32xf32, #tpu.memory_space<vmem>>, vector<1x16xf32>,
        %get3A_345 = vector.shape_cast %get3A_344 : vector<1x16xf32> to vector<16xf32>
        %add3A_346 = arith.addf %add3A_341, %get3A_345 : vector<16xf32>
        %get3A_347 = arith.index_cast %scan3A_284 : i32 to index
        %get3A_348 = arith.constant 16 : index
        %get3A_349 = tpu.vector_load %arg32[%get3A_347, %get3A_348] {strides = array<i32>} : memref<256x32xf32, #tpu.memory_space<vmem>>, vector<1x16xf32>,
        %get3A_350 = vector.shape_cast %get3A_349 : vector<1x16xf32> to vector<16xf32>
        %add3A_351 = arith.addf %add3A_346, %get3A_350 : vector<16xf32>
        %get3A_352 = arith.index_cast %scan3A_284 : i32 to index
        %get3A_353 = arith.constant 16 : index
        %get3A_354 = tpu.vector_load %arg33[%get3A_352, %get3A_353] {strides = array<i32>} : memref<256x32xf32, #tpu.memory_space<vmem>>, vector<1x16xf32>,
        %get3A_355 = vector.shape_cast %get3A_354 : vector<1x16xf32> to vector<16xf32>
        %add3A_356 = arith.addf %add3A_351, %get3A_355 : vector<16xf32>
        %get3A_357 = arith.index_cast %scan3A_284 : i32 to index
        %get3A_358 = arith.constant 16 : index
        %get3A_359 = tpu.vector_load %arg34[%get3A_357, %get3A_358] {strides = array<i32>} : memref<256x32xf32, #tpu.memory_space<vmem>>, vector<1x16xf32>,
        %get3A_360 = vector.shape_cast %get3A_359 : vector<1x16xf32> to vector<16xf32>
        %add3A_361 = arith.addf %add3A_356, %get3A_360 : vector<16xf32>
        %get3A_362 = arith.index_cast %scan3A_284 : i32 to index
        %get3A_363 = arith.constant 16 : index
        %get3A_364 = tpu.vector_load %arg35[%get3A_362, %get3A_363] {strides = array<i32>} : memref<256x32xf32, #tpu.memory_space<vmem>>, vector<1x16xf32>,
        %get3A_365 = vector.shape_cast %get3A_364 : vector<1x16xf32> to vector<16xf32>
        %add3A_366 = arith.addf %add3A_361, %get3A_365 : vector<16xf32>
        %get3A_367 = arith.index_cast %scan3A_284 : i32 to index
        %get3A_368 = arith.constant 16 : index
        %get3A_369 = tpu.vector_load %arg36[%get3A_367, %get3A_368] {strides = array<i32>} : memref<256x32xf32, #tpu.memory_space<vmem>>, vector<1x16xf32>,
        %get3A_370 = vector.shape_cast %get3A_369 : vector<1x16xf32> to vector<16xf32>
        %add3A_371 = arith.addf %add3A_366, %get3A_370 : vector<16xf32>
        %get3A_372 = arith.index_cast %scan3A_284 : i32 to index
        %get3A_373 = arith.constant 16 : index
        %get3A_374 = tpu.vector_load %arg37[%get3A_372, %get3A_373] {strides = array<i32>} : memref<256x32xf32, #tpu.memory_space<vmem>>, vector<1x16xf32>,
        %get3A_375 = vector.shape_cast %get3A_374 : vector<1x16xf32> to vector<16xf32>
        %add3A_376 = arith.addf %add3A_371, %get3A_375 : vector<16xf32>
        %swap3A_377 = arith.index_cast %scan3A_284 : i32 to index
        %swap3A_378 = arith.constant 16 : index
        %swap3A_379 = tpu.vector_load %arg38[%swap3A_377, %swap3A_378] {strides = array<i32>} : memref<256x32xf32, #tpu.memory_space<vmem>>, vector<1x16xf32>,
        %swap3A_380 = vector.shape_cast %swap3A_379 : vector<1x16xf32> to vector<16xf32>
        %swap3A_381 = vector.shape_cast %add3A_376 : vector<16xf32> to vector<1x16xf32>
        tpu.vector_store %arg38[%swap3A_377, %swap3A_378], %swap3A_381 {strides = array<i32>} : memref<256x32xf32, #tpu.memory_space<vmem>>, vector<1x16xf32>,
        %scan3A_382 = arith.constant 0 : i32
        scf.yield %scan3A_382 : i32
      }
      %scan3A_282 = arith.constant 256 : i32
      "tpu.region"() ({
        %run_scoped3A = tpu.sem_alloc : memref<!tpu.dma_semaphore, #tpu.memory_space<semaphore_mem>>
        %dma_start3A_284 = arith.constant 0 : i32
        %dma_start3A_285 = tpu.memref_slice %arg19[%add3A_13, %dma_start3A_284] : memref<507904x32xf32, #tpu.memory_space<hbm>> -> memref<256x32xf32, #tpu.memory_space<hbm>>
        %dma_start3A_286 = arith.constant 0 : i32
        %dma_start3A_287 = tpu.memref_slice %arg19[%add3A_13, %dma_start3A_286] : memref<507904x32xf32, #tpu.memory_space<hbm>> -> memref<256x32xf32, #tpu.memory_space<hbm>>
        tpu.enqueue_dma source(%arg38 : memref<256x32xf32, #tpu.memory_space<vmem>>) target(%dma_start3A_287 : memref<256x32xf32, #tpu.memory_space<hbm>>) target_semaphore(%run_scoped3A : memref<!tpu.dma_semaphore, #tpu.memory_space<semaphore_mem>>)
        %dma_wait3A_288 = arith.constant 0 : i32
        %dma_wait3A_289 = tpu.memref_slice %arg19[%add3A_13, %dma_wait3A_288] : memref<507904x32xf32, #tpu.memory_space<hbm>> -> memref<256x32xf32, #tpu.memory_space<hbm>>
        %dma_wait3A_290 = arith.constant 0 : i32
        %dma_wait3A_291 = tpu.memref_slice %arg19[%add3A_13, %dma_wait3A_290] : memref<507904x32xf32, #tpu.memory_space<hbm>> -> memref<256x32xf32, #tpu.memory_space<hbm>>
        tpu.wait_dma2 semaphore(%run_scoped3A : memref<!tpu.dma_semaphore, #tpu.memory_space<semaphore_mem>>) src(%arg38 : memref<256x32xf32, #tpu.memory_space<vmem>>) dst(%dma_wait3A_291 : memref<256x32xf32, #tpu.memory_space<hbm>>)
        tpu.yield
      }) : () -> ()
      %scan3A_283 = arith.constant 0 : i32
      scf.yield %scan3A_283 : i32
    }
    %scan3A_6 = arith.constant 62 : i32
    return
  }
}

#map = affine_map<(d0, d1) -> (0)>
#map1 = affine_map<(d0, d1) -> (0, 0)>
module attributes {stable_mosaic.version = 14 : i64} {
  func.func @body(%arg0: i32, %arg1: i32, %arg2: memref<4227136xi32, #tpu.memory_space<hbm>>, %arg3: memref<507904xi32, #tpu.memory_space<hbm>>, %arg4: memref<507904x32xf32, #tpu.memory_space<hbm>>, %arg5: memref<507904x32xf32, #tpu.memory_space<hbm>>, %arg6: memref<507904x32xf32, #tpu.memory_space<hbm>>, %arg7: memref<507904x32xf32, #tpu.memory_space<hbm>>, %arg8: memref<507904x32xf32, #tpu.memory_space<hbm>>, %arg9: memref<507904x32xf32, #tpu.memory_space<hbm>>, %arg10: memref<507904x32xf32, #tpu.memory_space<hbm>>, %arg11: memref<507904x32xf32, #tpu.memory_space<hbm>>, %arg12: memref<507904x32xf32, #tpu.memory_space<hbm>>, %arg13: memref<507904x32xf32, #tpu.memory_space<hbm>>, %arg14: memref<507904xi32, #tpu.memory_space<hbm>>, %arg15: memref<507904xi32, #tpu.memory_space<hbm>>, %arg16: memref<507904xi32, #tpu.memory_space<hbm>>, %arg17: memref<507904xi32, #tpu.memory_space<hbm>>, %arg18: memref<507904xi32, #tpu.memory_space<hbm>>, %arg19: memref<507904xi32, #tpu.memory_space<hbm>>, %arg20: memref<507904xi32, #tpu.memory_space<hbm>>, %arg21: memref<507904xi32, #tpu.memory_space<hbm>>, %arg22: memref<256xi32, #tpu.memory_space<vmem>>, %arg23: memref<256xi32, #tpu.memory_space<vmem>>, %arg24: memref<256xi32, #tpu.memory_space<vmem>>, %arg25: memref<256xi32, #tpu.memory_space<vmem>>, %arg26: memref<256xi32, #tpu.memory_space<vmem>>, %arg27: memref<256xi32, #tpu.memory_space<vmem>>, %arg28: memref<256xi32, #tpu.memory_space<vmem>>, %arg29: memref<256xi32, #tpu.memory_space<vmem>>, %arg30: memref<256xi32, #tpu.memory_space<vmem>>, %arg31: memref<256xi32, #tpu.memory_space<vmem>>, %arg32: memref<256xi32, #tpu.memory_space<vmem>>, %arg33: memref<256xi32, #tpu.memory_space<vmem>>, %arg34: memref<256xi32, #tpu.memory_space<vmem>>, %arg35: memref<256xi32, #tpu.memory_space<vmem>>, %arg36: memref<256xi32, #tpu.memory_space<vmem>>, %arg37: memref<256xi32, #tpu.memory_space<vmem>>, %arg38: memref<256xi32, #tpu.memory_space<vmem>>, %arg39: memref<256xi32, #tpu.memory_space<vmem>>, %arg40: memref<256xi32, #tpu.memory_space<vmem>>, %arg41: memref<256xi32, #tpu.memory_space<vmem>>, %arg42: memref<256xi32, #tpu.memory_space<vmem>>, %arg43: memref<256xi32, #tpu.memory_space<vmem>>, %arg44: memref<256xi32, #tpu.memory_space<vmem>>, %arg45: memref<256xi32, #tpu.memory_space<vmem>>, %arg46: memref<256xi32, #tpu.memory_space<vmem>>, %arg47: memref<256xi32, #tpu.memory_space<vmem>>, %arg48: memref<256xi32, #tpu.memory_space<vmem>>, %arg49: memref<256xi32, #tpu.memory_space<vmem>>, %arg50: memref<256x32xf32, #tpu.memory_space<vmem>>, %arg51: memref<256x32xf32, #tpu.memory_space<vmem>>, %arg52: memref<256x32xf32, #tpu.memory_space<vmem>>, %arg53: memref<256x32xf32, #tpu.memory_space<vmem>>, %arg54: memref<256x32xf32, #tpu.memory_space<vmem>>, %arg55: memref<256x32xf32, #tpu.memory_space<vmem>>, %arg56: memref<256x32xf32, #tpu.memory_space<vmem>>, %arg57: memref<256x32xf32, #tpu.memory_space<vmem>>, %arg58: memref<256x32xf32, #tpu.memory_space<vmem>>, %arg59: memref<256x32xf32, #tpu.memory_space<vmem>>, %arg60: memref<!tpu.dma_semaphore, #tpu.memory_space<semaphore_mem>>, %arg61: memref<!tpu.dma_semaphore, #tpu.memory_space<semaphore_mem>>) attributes {dimension_semantics = [#tpu.dimension_semantics<core_parallel>, #tpu.dimension_semantics<subcore_parallel>], iteration_bounds = array<i64: 2, 16>, scalar_prefetch = 0 : i64, scratch_operands = 40 : i64, tpu.core_type = #tpu.core_type<sc_vector_subcore>, window_params = [{transform_indices = #map}, {transform_indices = #map}, {transform_indices = #map1}, {transform_indices = #map1}, {transform_indices = #map1}, {transform_indices = #map1}, {transform_indices = #map1}, {transform_indices = #map1}, {transform_indices = #map1}, {transform_indices = #map1}, {transform_indices = #map1}, {transform_indices = #map1}, {transform_indices = #map}, {transform_indices = #map}, {transform_indices = #map}, {transform_indices = #map}, {transform_indices = #map}, {transform_indices = #map}, {transform_indices = #map}, {transform_indices = #map}]} {
    %mul3A = arith.constant 2 : i32
    %mul3A_0 = arith.muli %arg1, %mul3A : i32
    %add3A = arith.addi %mul3A_0, %arg0 : i32
    %scan3A = arith.constant 0 : i32
    %scan3A_1 = arith.constant 0 : i32
    %scan3A_2 = arith.constant 62 : i32
    %scan3A_3 = arith.addi %scan3A_1, %scan3A_2 : i32
    %scan3A_4 = arith.constant 1 : i32
    %scan3A_5 = scf.for %scan3A_7 = %scan3A_1 to %scan3A_3 step %scan3A_4 iter_args(%scan3A_8 = %scan3A) -> (i32)  : i32 {
      %mul3A_9 = arith.constant 15872 : i32
      %mul3A_10 = arith.muli %add3A, %mul3A_9 : i32
      %mul3A_11 = arith.constant 256 : i32
      %mul3A_12 = arith.muli %scan3A_7, %mul3A_11 : i32
      %add3A_13 = arith.addi %mul3A_10, %mul3A_12 : i32
      "tpu.region"() ({
        %run_scoped3A = tpu.sem_alloc : memref<!tpu.dma_semaphore, #tpu.memory_space<semaphore_mem>>
        %dma_start3A_490 = tpu.memref_slice %arg3[%add3A_13] : memref<507904xi32, #tpu.memory_space<hbm>> -> memref<256xi32, #tpu.memory_space<hbm>>
        %dma_start3A_491 = tpu.memref_slice %arg3[%add3A_13] : memref<507904xi32, #tpu.memory_space<hbm>> -> memref<256xi32, #tpu.memory_space<hbm>>
        tpu.enqueue_dma source(%dma_start3A_491 : memref<256xi32, #tpu.memory_space<hbm>>) target(%arg22 : memref<256xi32, #tpu.memory_space<vmem>>) target_semaphore(%run_scoped3A : memref<!tpu.dma_semaphore, #tpu.memory_space<semaphore_mem>>)
        %dma_wait3A_492 = tpu.memref_slice %arg3[%add3A_13] : memref<507904xi32, #tpu.memory_space<hbm>> -> memref<256xi32, #tpu.memory_space<hbm>>
        %dma_wait3A_493 = tpu.memref_slice %arg3[%add3A_13] : memref<507904xi32, #tpu.memory_space<hbm>> -> memref<256xi32, #tpu.memory_space<hbm>>
        tpu.wait_dma2 semaphore(%run_scoped3A : memref<!tpu.dma_semaphore, #tpu.memory_space<semaphore_mem>>) src(%dma_wait3A_493 : memref<256xi32, #tpu.memory_space<hbm>>) dst(%arg22 : memref<256xi32, #tpu.memory_space<vmem>>)
        tpu.yield
      }) : () -> ()
      %scan3A_14 = arith.constant 0 : i32
      %scan3A_15 = arith.constant 0 : i32
      %scan3A_16 = arith.constant 16 : i32
      %scan3A_17 = arith.addi %scan3A_15, %scan3A_16 : i32
      %scan3A_18 = arith.constant 1 : i32
      %scan3A_19 = scf.for %scan3A_490 = %scan3A_15 to %scan3A_17 step %scan3A_18 iter_args(%scan3A_491 = %scan3A_14) -> (i32)  : i32 {
        %mul3A_492 = arith.constant 16 : i32
        %mul3A_493 = arith.muli %scan3A_490, %mul3A_492 : i32
        %get3A = arith.index_cast %mul3A_493 : i32 to index
        %get3A_494 = tpu.vector_load %arg22[%get3A] {strides = array<i32>} : memref<256xi32, #tpu.memory_space<vmem>>, vector<16xi32>,
        %get3A_495 = vector.shape_cast %get3A_494 : vector<16xi32> to vector<16xi32>
        %add3A_496 = arith.constant -515 : i32
        %add3A_497 = vector.broadcast %add3A_496 : i32 to vector<16xi32>
        %add3A_498 = arith.addi %get3A_495, %add3A_497 : vector<16xi32>
        %mul3A_499 = arith.constant 16 : i32
        %mul3A_500 = arith.muli %scan3A_490, %mul3A_499 : i32
        %swap3A = arith.index_cast %mul3A_500 : i32 to index
        %swap3A_501 = tpu.vector_load %arg23[%swap3A] {strides = array<i32>} : memref<256xi32, #tpu.memory_space<vmem>>, vector<16xi32>,
        %swap3A_502 = vector.shape_cast %swap3A_501 : vector<16xi32> to vector<16xi32>
        %swap3A_503 = vector.shape_cast %add3A_498 : vector<16xi32> to vector<16xi32>
        tpu.vector_store %arg23[%swap3A], %swap3A_503 {strides = array<i32>} : memref<256xi32, #tpu.memory_space<vmem>>, vector<16xi32>,
        %add3A_504 = arith.constant -514 : i32
        %add3A_505 = vector.broadcast %add3A_504 : i32 to vector<16xi32>
        %add3A_506 = arith.addi %get3A_495, %add3A_505 : vector<16xi32>
        %mul3A_507 = arith.constant 16 : i32
        %mul3A_508 = arith.muli %scan3A_490, %mul3A_507 : i32
        %swap3A_509 = arith.index_cast %mul3A_508 : i32 to index
        %swap3A_510 = tpu.vector_load %arg24[%swap3A_509] {strides = array<i32>} : memref<256xi32, #tpu.memory_space<vmem>>, vector<16xi32>,
        %swap3A_511 = vector.shape_cast %swap3A_510 : vector<16xi32> to vector<16xi32>
        %swap3A_512 = vector.shape_cast %add3A_506 : vector<16xi32> to vector<16xi32>
        tpu.vector_store %arg24[%swap3A_509], %swap3A_512 {strides = array<i32>} : memref<256xi32, #tpu.memory_space<vmem>>, vector<16xi32>,
        %add3A_513 = arith.constant -513 : i32
        %add3A_514 = vector.broadcast %add3A_513 : i32 to vector<16xi32>
        %add3A_515 = arith.addi %get3A_495, %add3A_514 : vector<16xi32>
        %mul3A_516 = arith.constant 16 : i32
        %mul3A_517 = arith.muli %scan3A_490, %mul3A_516 : i32
        %swap3A_518 = arith.index_cast %mul3A_517 : i32 to index
        %swap3A_519 = tpu.vector_load %arg25[%swap3A_518] {strides = array<i32>} : memref<256xi32, #tpu.memory_space<vmem>>, vector<16xi32>,
        %swap3A_520 = vector.shape_cast %swap3A_519 : vector<16xi32> to vector<16xi32>
        %swap3A_521 = vector.shape_cast %add3A_515 : vector<16xi32> to vector<16xi32>
        tpu.vector_store %arg25[%swap3A_518], %swap3A_521 {strides = array<i32>} : memref<256xi32, #tpu.memory_space<vmem>>, vector<16xi32>,
        %add3A_522 = arith.constant -1 : i32
        %add3A_523 = vector.broadcast %add3A_522 : i32 to vector<16xi32>
        %add3A_524 = arith.addi %get3A_495, %add3A_523 : vector<16xi32>
        %mul3A_525 = arith.constant 16 : i32
        %mul3A_526 = arith.muli %scan3A_490, %mul3A_525 : i32
        %swap3A_527 = arith.index_cast %mul3A_526 : i32 to index
        %swap3A_528 = tpu.vector_load %arg26[%swap3A_527] {strides = array<i32>} : memref<256xi32, #tpu.memory_space<vmem>>, vector<16xi32>,
        %swap3A_529 = vector.shape_cast %swap3A_528 : vector<16xi32> to vector<16xi32>
        %swap3A_530 = vector.shape_cast %add3A_524 : vector<16xi32> to vector<16xi32>
        tpu.vector_store %arg26[%swap3A_527], %swap3A_530 {strides = array<i32>} : memref<256xi32, #tpu.memory_space<vmem>>, vector<16xi32>,
        %add3A_531 = arith.constant 1 : i32
        %add3A_532 = vector.broadcast %add3A_531 : i32 to vector<16xi32>
        %add3A_533 = arith.addi %get3A_495, %add3A_532 : vector<16xi32>
        %mul3A_534 = arith.constant 16 : i32
        %mul3A_535 = arith.muli %scan3A_490, %mul3A_534 : i32
        %swap3A_536 = arith.index_cast %mul3A_535 : i32 to index
        %swap3A_537 = tpu.vector_load %arg28[%swap3A_536] {strides = array<i32>} : memref<256xi32, #tpu.memory_space<vmem>>, vector<16xi32>,
        %swap3A_538 = vector.shape_cast %swap3A_537 : vector<16xi32> to vector<16xi32>
        %swap3A_539 = vector.shape_cast %add3A_533 : vector<16xi32> to vector<16xi32>
        tpu.vector_store %arg28[%swap3A_536], %swap3A_539 {strides = array<i32>} : memref<256xi32, #tpu.memory_space<vmem>>, vector<16xi32>,
        %add3A_540 = arith.constant 513 : i32
        %add3A_541 = vector.broadcast %add3A_540 : i32 to vector<16xi32>
        %add3A_542 = arith.addi %get3A_495, %add3A_541 : vector<16xi32>
        %mul3A_543 = arith.constant 16 : i32
        %mul3A_544 = arith.muli %scan3A_490, %mul3A_543 : i32
        %swap3A_545 = arith.index_cast %mul3A_544 : i32 to index
        %swap3A_546 = tpu.vector_load %arg29[%swap3A_545] {strides = array<i32>} : memref<256xi32, #tpu.memory_space<vmem>>, vector<16xi32>,
        %swap3A_547 = vector.shape_cast %swap3A_546 : vector<16xi32> to vector<16xi32>
        %swap3A_548 = vector.shape_cast %add3A_542 : vector<16xi32> to vector<16xi32>
        tpu.vector_store %arg29[%swap3A_545], %swap3A_548 {strides = array<i32>} : memref<256xi32, #tpu.memory_space<vmem>>, vector<16xi32>,
        %add3A_549 = arith.constant 514 : i32
        %add3A_550 = vector.broadcast %add3A_549 : i32 to vector<16xi32>
        %add3A_551 = arith.addi %get3A_495, %add3A_550 : vector<16xi32>
        %mul3A_552 = arith.constant 16 : i32
        %mul3A_553 = arith.muli %scan3A_490, %mul3A_552 : i32
        %swap3A_554 = arith.index_cast %mul3A_553 : i32 to index
        %swap3A_555 = tpu.vector_load %arg30[%swap3A_554] {strides = array<i32>} : memref<256xi32, #tpu.memory_space<vmem>>, vector<16xi32>,
        %swap3A_556 = vector.shape_cast %swap3A_555 : vector<16xi32> to vector<16xi32>
        %swap3A_557 = vector.shape_cast %add3A_551 : vector<16xi32> to vector<16xi32>
        tpu.vector_store %arg30[%swap3A_554], %swap3A_557 {strides = array<i32>} : memref<256xi32, #tpu.memory_space<vmem>>, vector<16xi32>,
        %add3A_558 = arith.constant 515 : i32
        %add3A_559 = vector.broadcast %add3A_558 : i32 to vector<16xi32>
        %add3A_560 = arith.addi %get3A_495, %add3A_559 : vector<16xi32>
        %mul3A_561 = arith.constant 16 : i32
        %mul3A_562 = arith.muli %scan3A_490, %mul3A_561 : i32
        %swap3A_563 = arith.index_cast %mul3A_562 : i32 to index
        %swap3A_564 = tpu.vector_load %arg31[%swap3A_563] {strides = array<i32>} : memref<256xi32, #tpu.memory_space<vmem>>, vector<16xi32>,
        %swap3A_565 = vector.shape_cast %swap3A_564 : vector<16xi32> to vector<16xi32>
        %swap3A_566 = vector.shape_cast %add3A_560 : vector<16xi32> to vector<16xi32>
        tpu.vector_store %arg31[%swap3A_563], %swap3A_566 {strides = array<i32>} : memref<256xi32, #tpu.memory_space<vmem>>, vector<16xi32>,
        %scan3A_567 = arith.constant 0 : i32
        scf.yield %scan3A_567 : i32
      }
      %scan3A_20 = arith.constant 16 : i32
      %dma_start3A = arith.constant 0 : i32
      %dma_start3A_21 = tpu.memref_slice %arg32[%dma_start3A] : memref<256xi32, #tpu.memory_space<vmem>> -> memref<128xi32, #tpu.memory_space<vmem>>
      %dma_start3A_22 = arith.constant 0 : i32
      %dma_start3A_23 = tpu.memref_slice %arg23[%dma_start3A_22] : memref<256xi32, #tpu.memory_space<vmem>> -> memref<128xi32, #tpu.memory_space<vmem>>
      %dma_start3A_24 = arith.constant 0 : i32
      %dma_start3A_25 = tpu.memref_slice %arg2[%dma_start3A_24] : memref<4227136xi32, #tpu.memory_space<hbm>> -> memref<4227136xi32, #tpu.memory_space<hbm>>
      tpu.enqueue_indirect_dma source(%dma_start3A_25 : memref<4227136xi32, #tpu.memory_space<hbm>>) target(%dma_start3A_21 : memref<128xi32, #tpu.memory_space<vmem>>) offsets(%dma_start3A_23 : memref<128xi32, #tpu.memory_space<vmem>>) semaphore(%arg60 : memref<!tpu.dma_semaphore, #tpu.memory_space<semaphore_mem>>)
      %dma_start3A_26 = arith.constant 128 : i32
      %dma_start3A_27 = tpu.memref_slice %arg32[%dma_start3A_26] : memref<256xi32, #tpu.memory_space<vmem>> -> memref<128xi32, #tpu.memory_space<vmem>>
      %dma_start3A_28 = arith.constant 128 : i32
      %dma_start3A_29 = tpu.memref_slice %arg23[%dma_start3A_28] : memref<256xi32, #tpu.memory_space<vmem>> -> memref<128xi32, #tpu.memory_space<vmem>>
      %dma_start3A_30 = arith.constant 0 : i32
      %dma_start3A_31 = tpu.memref_slice %arg2[%dma_start3A_30] : memref<4227136xi32, #tpu.memory_space<hbm>> -> memref<4227136xi32, #tpu.memory_space<hbm>>
      tpu.enqueue_indirect_dma source(%dma_start3A_31 : memref<4227136xi32, #tpu.memory_space<hbm>>) target(%dma_start3A_27 : memref<128xi32, #tpu.memory_space<vmem>>) offsets(%dma_start3A_29 : memref<128xi32, #tpu.memory_space<vmem>>) semaphore(%arg60 : memref<!tpu.dma_semaphore, #tpu.memory_space<semaphore_mem>>)
      %dma_start3A_32 = arith.constant 0 : i32
      %dma_start3A_33 = tpu.memref_slice %arg33[%dma_start3A_32] : memref<256xi32, #tpu.memory_space<vmem>> -> memref<128xi32, #tpu.memory_space<vmem>>
      %dma_start3A_34 = arith.constant 0 : i32
      %dma_start3A_35 = tpu.memref_slice %arg24[%dma_start3A_34] : memref<256xi32, #tpu.memory_space<vmem>> -> memref<128xi32, #tpu.memory_space<vmem>>
      %dma_start3A_36 = arith.constant 0 : i32
      %dma_start3A_37 = tpu.memref_slice %arg2[%dma_start3A_36] : memref<4227136xi32, #tpu.memory_space<hbm>> -> memref<4227136xi32, #tpu.memory_space<hbm>>
      tpu.enqueue_indirect_dma source(%dma_start3A_37 : memref<4227136xi32, #tpu.memory_space<hbm>>) target(%dma_start3A_33 : memref<128xi32, #tpu.memory_space<vmem>>) offsets(%dma_start3A_35 : memref<128xi32, #tpu.memory_space<vmem>>) semaphore(%arg60 : memref<!tpu.dma_semaphore, #tpu.memory_space<semaphore_mem>>)
      %dma_start3A_38 = arith.constant 128 : i32
      %dma_start3A_39 = tpu.memref_slice %arg33[%dma_start3A_38] : memref<256xi32, #tpu.memory_space<vmem>> -> memref<128xi32, #tpu.memory_space<vmem>>
      %dma_start3A_40 = arith.constant 128 : i32
      %dma_start3A_41 = tpu.memref_slice %arg24[%dma_start3A_40] : memref<256xi32, #tpu.memory_space<vmem>> -> memref<128xi32, #tpu.memory_space<vmem>>
      %dma_start3A_42 = arith.constant 0 : i32
      %dma_start3A_43 = tpu.memref_slice %arg2[%dma_start3A_42] : memref<4227136xi32, #tpu.memory_space<hbm>> -> memref<4227136xi32, #tpu.memory_space<hbm>>
      tpu.enqueue_indirect_dma source(%dma_start3A_43 : memref<4227136xi32, #tpu.memory_space<hbm>>) target(%dma_start3A_39 : memref<128xi32, #tpu.memory_space<vmem>>) offsets(%dma_start3A_41 : memref<128xi32, #tpu.memory_space<vmem>>) semaphore(%arg60 : memref<!tpu.dma_semaphore, #tpu.memory_space<semaphore_mem>>)
      %dma_start3A_44 = arith.constant 0 : i32
      %dma_start3A_45 = tpu.memref_slice %arg34[%dma_start3A_44] : memref<256xi32, #tpu.memory_space<vmem>> -> memref<128xi32, #tpu.memory_space<vmem>>
      %dma_start3A_46 = arith.constant 0 : i32
      %dma_start3A_47 = tpu.memref_slice %arg25[%dma_start3A_46] : memref<256xi32, #tpu.memory_space<vmem>> -> memref<128xi32, #tpu.memory_space<vmem>>
      %dma_start3A_48 = arith.constant 0 : i32
      %dma_start3A_49 = tpu.memref_slice %arg2[%dma_start3A_48] : memref<4227136xi32, #tpu.memory_space<hbm>> -> memref<4227136xi32, #tpu.memory_space<hbm>>
      tpu.enqueue_indirect_dma source(%dma_start3A_49 : memref<4227136xi32, #tpu.memory_space<hbm>>) target(%dma_start3A_45 : memref<128xi32, #tpu.memory_space<vmem>>) offsets(%dma_start3A_47 : memref<128xi32, #tpu.memory_space<vmem>>) semaphore(%arg60 : memref<!tpu.dma_semaphore, #tpu.memory_space<semaphore_mem>>)
      %dma_start3A_50 = arith.constant 128 : i32
      %dma_start3A_51 = tpu.memref_slice %arg34[%dma_start3A_50] : memref<256xi32, #tpu.memory_space<vmem>> -> memref<128xi32, #tpu.memory_space<vmem>>
      %dma_start3A_52 = arith.constant 128 : i32
      %dma_start3A_53 = tpu.memref_slice %arg25[%dma_start3A_52] : memref<256xi32, #tpu.memory_space<vmem>> -> memref<128xi32, #tpu.memory_space<vmem>>
      %dma_start3A_54 = arith.constant 0 : i32
      %dma_start3A_55 = tpu.memref_slice %arg2[%dma_start3A_54] : memref<4227136xi32, #tpu.memory_space<hbm>> -> memref<4227136xi32, #tpu.memory_space<hbm>>
      tpu.enqueue_indirect_dma source(%dma_start3A_55 : memref<4227136xi32, #tpu.memory_space<hbm>>) target(%dma_start3A_51 : memref<128xi32, #tpu.memory_space<vmem>>) offsets(%dma_start3A_53 : memref<128xi32, #tpu.memory_space<vmem>>) semaphore(%arg60 : memref<!tpu.dma_semaphore, #tpu.memory_space<semaphore_mem>>)
      %dma_start3A_56 = arith.constant 0 : i32
      %dma_start3A_57 = tpu.memref_slice %arg35[%dma_start3A_56] : memref<256xi32, #tpu.memory_space<vmem>> -> memref<128xi32, #tpu.memory_space<vmem>>
      %dma_start3A_58 = arith.constant 0 : i32
      %dma_start3A_59 = tpu.memref_slice %arg26[%dma_start3A_58] : memref<256xi32, #tpu.memory_space<vmem>> -> memref<128xi32, #tpu.memory_space<vmem>>
      %dma_start3A_60 = arith.constant 0 : i32
      %dma_start3A_61 = tpu.memref_slice %arg2[%dma_start3A_60] : memref<4227136xi32, #tpu.memory_space<hbm>> -> memref<4227136xi32, #tpu.memory_space<hbm>>
      tpu.enqueue_indirect_dma source(%dma_start3A_61 : memref<4227136xi32, #tpu.memory_space<hbm>>) target(%dma_start3A_57 : memref<128xi32, #tpu.memory_space<vmem>>) offsets(%dma_start3A_59 : memref<128xi32, #tpu.memory_space<vmem>>) semaphore(%arg60 : memref<!tpu.dma_semaphore, #tpu.memory_space<semaphore_mem>>)
      %dma_start3A_62 = arith.constant 128 : i32
      %dma_start3A_63 = tpu.memref_slice %arg35[%dma_start3A_62] : memref<256xi32, #tpu.memory_space<vmem>> -> memref<128xi32, #tpu.memory_space<vmem>>
      %dma_start3A_64 = arith.constant 128 : i32
      %dma_start3A_65 = tpu.memref_slice %arg26[%dma_start3A_64] : memref<256xi32, #tpu.memory_space<vmem>> -> memref<128xi32, #tpu.memory_space<vmem>>
      %dma_start3A_66 = arith.constant 0 : i32
      %dma_start3A_67 = tpu.memref_slice %arg2[%dma_start3A_66] : memref<4227136xi32, #tpu.memory_space<hbm>> -> memref<4227136xi32, #tpu.memory_space<hbm>>
      tpu.enqueue_indirect_dma source(%dma_start3A_67 : memref<4227136xi32, #tpu.memory_space<hbm>>) target(%dma_start3A_63 : memref<128xi32, #tpu.memory_space<vmem>>) offsets(%dma_start3A_65 : memref<128xi32, #tpu.memory_space<vmem>>) semaphore(%arg60 : memref<!tpu.dma_semaphore, #tpu.memory_space<semaphore_mem>>)
      %dma_start3A_68 = arith.constant 0 : i32
      %dma_start3A_69 = tpu.memref_slice %arg37[%dma_start3A_68] : memref<256xi32, #tpu.memory_space<vmem>> -> memref<128xi32, #tpu.memory_space<vmem>>
      %dma_start3A_70 = arith.constant 0 : i32
      %dma_start3A_71 = tpu.memref_slice %arg28[%dma_start3A_70] : memref<256xi32, #tpu.memory_space<vmem>> -> memref<128xi32, #tpu.memory_space<vmem>>
      %dma_start3A_72 = arith.constant 0 : i32
      %dma_start3A_73 = tpu.memref_slice %arg2[%dma_start3A_72] : memref<4227136xi32, #tpu.memory_space<hbm>> -> memref<4227136xi32, #tpu.memory_space<hbm>>
      tpu.enqueue_indirect_dma source(%dma_start3A_73 : memref<4227136xi32, #tpu.memory_space<hbm>>) target(%dma_start3A_69 : memref<128xi32, #tpu.memory_space<vmem>>) offsets(%dma_start3A_71 : memref<128xi32, #tpu.memory_space<vmem>>) semaphore(%arg60 : memref<!tpu.dma_semaphore, #tpu.memory_space<semaphore_mem>>)
      %dma_start3A_74 = arith.constant 128 : i32
      %dma_start3A_75 = tpu.memref_slice %arg37[%dma_start3A_74] : memref<256xi32, #tpu.memory_space<vmem>> -> memref<128xi32, #tpu.memory_space<vmem>>
      %dma_start3A_76 = arith.constant 128 : i32
      %dma_start3A_77 = tpu.memref_slice %arg28[%dma_start3A_76] : memref<256xi32, #tpu.memory_space<vmem>> -> memref<128xi32, #tpu.memory_space<vmem>>
      %dma_start3A_78 = arith.constant 0 : i32
      %dma_start3A_79 = tpu.memref_slice %arg2[%dma_start3A_78] : memref<4227136xi32, #tpu.memory_space<hbm>> -> memref<4227136xi32, #tpu.memory_space<hbm>>
      tpu.enqueue_indirect_dma source(%dma_start3A_79 : memref<4227136xi32, #tpu.memory_space<hbm>>) target(%dma_start3A_75 : memref<128xi32, #tpu.memory_space<vmem>>) offsets(%dma_start3A_77 : memref<128xi32, #tpu.memory_space<vmem>>) semaphore(%arg60 : memref<!tpu.dma_semaphore, #tpu.memory_space<semaphore_mem>>)
      %dma_start3A_80 = arith.constant 0 : i32
      %dma_start3A_81 = tpu.memref_slice %arg38[%dma_start3A_80] : memref<256xi32, #tpu.memory_space<vmem>> -> memref<128xi32, #tpu.memory_space<vmem>>
      %dma_start3A_82 = arith.constant 0 : i32
      %dma_start3A_83 = tpu.memref_slice %arg29[%dma_start3A_82] : memref<256xi32, #tpu.memory_space<vmem>> -> memref<128xi32, #tpu.memory_space<vmem>>
      %dma_start3A_84 = arith.constant 0 : i32
      %dma_start3A_85 = tpu.memref_slice %arg2[%dma_start3A_84] : memref<4227136xi32, #tpu.memory_space<hbm>> -> memref<4227136xi32, #tpu.memory_space<hbm>>
      tpu.enqueue_indirect_dma source(%dma_start3A_85 : memref<4227136xi32, #tpu.memory_space<hbm>>) target(%dma_start3A_81 : memref<128xi32, #tpu.memory_space<vmem>>) offsets(%dma_start3A_83 : memref<128xi32, #tpu.memory_space<vmem>>) semaphore(%arg60 : memref<!tpu.dma_semaphore, #tpu.memory_space<semaphore_mem>>)
      %dma_start3A_86 = arith.constant 128 : i32
      %dma_start3A_87 = tpu.memref_slice %arg38[%dma_start3A_86] : memref<256xi32, #tpu.memory_space<vmem>> -> memref<128xi32, #tpu.memory_space<vmem>>
      %dma_start3A_88 = arith.constant 128 : i32
      %dma_start3A_89 = tpu.memref_slice %arg29[%dma_start3A_88] : memref<256xi32, #tpu.memory_space<vmem>> -> memref<128xi32, #tpu.memory_space<vmem>>
      %dma_start3A_90 = arith.constant 0 : i32
      %dma_start3A_91 = tpu.memref_slice %arg2[%dma_start3A_90] : memref<4227136xi32, #tpu.memory_space<hbm>> -> memref<4227136xi32, #tpu.memory_space<hbm>>
      tpu.enqueue_indirect_dma source(%dma_start3A_91 : memref<4227136xi32, #tpu.memory_space<hbm>>) target(%dma_start3A_87 : memref<128xi32, #tpu.memory_space<vmem>>) offsets(%dma_start3A_89 : memref<128xi32, #tpu.memory_space<vmem>>) semaphore(%arg60 : memref<!tpu.dma_semaphore, #tpu.memory_space<semaphore_mem>>)
      %dma_start3A_92 = arith.constant 0 : i32
      %dma_start3A_93 = tpu.memref_slice %arg39[%dma_start3A_92] : memref<256xi32, #tpu.memory_space<vmem>> -> memref<128xi32, #tpu.memory_space<vmem>>
      %dma_start3A_94 = arith.constant 0 : i32
      %dma_start3A_95 = tpu.memref_slice %arg30[%dma_start3A_94] : memref<256xi32, #tpu.memory_space<vmem>> -> memref<128xi32, #tpu.memory_space<vmem>>
      %dma_start3A_96 = arith.constant 0 : i32
      %dma_start3A_97 = tpu.memref_slice %arg2[%dma_start3A_96] : memref<4227136xi32, #tpu.memory_space<hbm>> -> memref<4227136xi32, #tpu.memory_space<hbm>>
      tpu.enqueue_indirect_dma source(%dma_start3A_97 : memref<4227136xi32, #tpu.memory_space<hbm>>) target(%dma_start3A_93 : memref<128xi32, #tpu.memory_space<vmem>>) offsets(%dma_start3A_95 : memref<128xi32, #tpu.memory_space<vmem>>) semaphore(%arg60 : memref<!tpu.dma_semaphore, #tpu.memory_space<semaphore_mem>>)
      %dma_start3A_98 = arith.constant 128 : i32
      %dma_start3A_99 = tpu.memref_slice %arg39[%dma_start3A_98] : memref<256xi32, #tpu.memory_space<vmem>> -> memref<128xi32, #tpu.memory_space<vmem>>
      %dma_start3A_100 = arith.constant 128 : i32
      %dma_start3A_101 = tpu.memref_slice %arg30[%dma_start3A_100] : memref<256xi32, #tpu.memory_space<vmem>> -> memref<128xi32, #tpu.memory_space<vmem>>
      %dma_start3A_102 = arith.constant 0 : i32
      %dma_start3A_103 = tpu.memref_slice %arg2[%dma_start3A_102] : memref<4227136xi32, #tpu.memory_space<hbm>> -> memref<4227136xi32, #tpu.memory_space<hbm>>
      tpu.enqueue_indirect_dma source(%dma_start3A_103 : memref<4227136xi32, #tpu.memory_space<hbm>>) target(%dma_start3A_99 : memref<128xi32, #tpu.memory_space<vmem>>) offsets(%dma_start3A_101 : memref<128xi32, #tpu.memory_space<vmem>>) semaphore(%arg60 : memref<!tpu.dma_semaphore, #tpu.memory_space<semaphore_mem>>)
      %dma_start3A_104 = arith.constant 0 : i32
      %dma_start3A_105 = tpu.memref_slice %arg40[%dma_start3A_104] : memref<256xi32, #tpu.memory_space<vmem>> -> memref<128xi32, #tpu.memory_space<vmem>>
      %dma_start3A_106 = arith.constant 0 : i32
      %dma_start3A_107 = tpu.memref_slice %arg31[%dma_start3A_106] : memref<256xi32, #tpu.memory_space<vmem>> -> memref<128xi32, #tpu.memory_space<vmem>>
      %dma_start3A_108 = arith.constant 0 : i32
      %dma_start3A_109 = tpu.memref_slice %arg2[%dma_start3A_108] : memref<4227136xi32, #tpu.memory_space<hbm>> -> memref<4227136xi32, #tpu.memory_space<hbm>>
      tpu.enqueue_indirect_dma source(%dma_start3A_109 : memref<4227136xi32, #tpu.memory_space<hbm>>) target(%dma_start3A_105 : memref<128xi32, #tpu.memory_space<vmem>>) offsets(%dma_start3A_107 : memref<128xi32, #tpu.memory_space<vmem>>) semaphore(%arg60 : memref<!tpu.dma_semaphore, #tpu.memory_space<semaphore_mem>>)
      %dma_start3A_110 = arith.constant 128 : i32
      %dma_start3A_111 = tpu.memref_slice %arg40[%dma_start3A_110] : memref<256xi32, #tpu.memory_space<vmem>> -> memref<128xi32, #tpu.memory_space<vmem>>
      %dma_start3A_112 = arith.constant 128 : i32
      %dma_start3A_113 = tpu.memref_slice %arg31[%dma_start3A_112] : memref<256xi32, #tpu.memory_space<vmem>> -> memref<128xi32, #tpu.memory_space<vmem>>
      %dma_start3A_114 = arith.constant 0 : i32
      %dma_start3A_115 = tpu.memref_slice %arg2[%dma_start3A_114] : memref<4227136xi32, #tpu.memory_space<hbm>> -> memref<4227136xi32, #tpu.memory_space<hbm>>
      tpu.enqueue_indirect_dma source(%dma_start3A_115 : memref<4227136xi32, #tpu.memory_space<hbm>>) target(%dma_start3A_111 : memref<128xi32, #tpu.memory_space<vmem>>) offsets(%dma_start3A_113 : memref<128xi32, #tpu.memory_space<vmem>>) semaphore(%arg60 : memref<!tpu.dma_semaphore, #tpu.memory_space<semaphore_mem>>)
      %dma_wait3A = arith.constant 0 : i32
      %dma_wait3A_116 = tpu.memref_slice %arg32[%dma_wait3A] : memref<256xi32, #tpu.memory_space<vmem>> -> memref<128xi32, #tpu.memory_space<vmem>>
      %dma_wait3A_117 = arith.constant 0 : i32
      %dma_wait3A_118 = tpu.memref_slice %arg23[%dma_wait3A_117] : memref<256xi32, #tpu.memory_space<vmem>> -> memref<128xi32, #tpu.memory_space<vmem>>
      %dma_wait3A_119 = arith.constant 0 : i32
      %dma_wait3A_120 = tpu.memref_slice %arg2[%dma_wait3A_119] : memref<4227136xi32, #tpu.memory_space<hbm>> -> memref<4227136xi32, #tpu.memory_space<hbm>>
      tpu.wait_indirect_dma semaphore(%arg60 : memref<!tpu.dma_semaphore, #tpu.memory_space<semaphore_mem>>) src(%dma_wait3A_120 : memref<4227136xi32, #tpu.memory_space<hbm>>) dst(%dma_wait3A_116 : memref<128xi32, #tpu.memory_space<vmem>>)
      %dma_wait3A_121 = arith.constant 128 : i32
      %dma_wait3A_122 = tpu.memref_slice %arg32[%dma_wait3A_121] : memref<256xi32, #tpu.memory_space<vmem>> -> memref<128xi32, #tpu.memory_space<vmem>>
      %dma_wait3A_123 = arith.constant 128 : i32
      %dma_wait3A_124 = tpu.memref_slice %arg23[%dma_wait3A_123] : memref<256xi32, #tpu.memory_space<vmem>> -> memref<128xi32, #tpu.memory_space<vmem>>
      %dma_wait3A_125 = arith.constant 0 : i32
      %dma_wait3A_126 = tpu.memref_slice %arg2[%dma_wait3A_125] : memref<4227136xi32, #tpu.memory_space<hbm>> -> memref<4227136xi32, #tpu.memory_space<hbm>>
      tpu.wait_indirect_dma semaphore(%arg60 : memref<!tpu.dma_semaphore, #tpu.memory_space<semaphore_mem>>) src(%dma_wait3A_126 : memref<4227136xi32, #tpu.memory_space<hbm>>) dst(%dma_wait3A_122 : memref<128xi32, #tpu.memory_space<vmem>>)
      %dma_wait3A_127 = arith.constant 0 : i32
      %dma_wait3A_128 = tpu.memref_slice %arg33[%dma_wait3A_127] : memref<256xi32, #tpu.memory_space<vmem>> -> memref<128xi32, #tpu.memory_space<vmem>>
      %dma_wait3A_129 = arith.constant 0 : i32
      %dma_wait3A_130 = tpu.memref_slice %arg24[%dma_wait3A_129] : memref<256xi32, #tpu.memory_space<vmem>> -> memref<128xi32, #tpu.memory_space<vmem>>
      %dma_wait3A_131 = arith.constant 0 : i32
      %dma_wait3A_132 = tpu.memref_slice %arg2[%dma_wait3A_131] : memref<4227136xi32, #tpu.memory_space<hbm>> -> memref<4227136xi32, #tpu.memory_space<hbm>>
      tpu.wait_indirect_dma semaphore(%arg60 : memref<!tpu.dma_semaphore, #tpu.memory_space<semaphore_mem>>) src(%dma_wait3A_132 : memref<4227136xi32, #tpu.memory_space<hbm>>) dst(%dma_wait3A_128 : memref<128xi32, #tpu.memory_space<vmem>>)
      %dma_wait3A_133 = arith.constant 128 : i32
      %dma_wait3A_134 = tpu.memref_slice %arg33[%dma_wait3A_133] : memref<256xi32, #tpu.memory_space<vmem>> -> memref<128xi32, #tpu.memory_space<vmem>>
      %dma_wait3A_135 = arith.constant 128 : i32
      %dma_wait3A_136 = tpu.memref_slice %arg24[%dma_wait3A_135] : memref<256xi32, #tpu.memory_space<vmem>> -> memref<128xi32, #tpu.memory_space<vmem>>
      %dma_wait3A_137 = arith.constant 0 : i32
      %dma_wait3A_138 = tpu.memref_slice %arg2[%dma_wait3A_137] : memref<4227136xi32, #tpu.memory_space<hbm>> -> memref<4227136xi32, #tpu.memory_space<hbm>>
      tpu.wait_indirect_dma semaphore(%arg60 : memref<!tpu.dma_semaphore, #tpu.memory_space<semaphore_mem>>) src(%dma_wait3A_138 : memref<4227136xi32, #tpu.memory_space<hbm>>) dst(%dma_wait3A_134 : memref<128xi32, #tpu.memory_space<vmem>>)
      %dma_wait3A_139 = arith.constant 0 : i32
      %dma_wait3A_140 = tpu.memref_slice %arg34[%dma_wait3A_139] : memref<256xi32, #tpu.memory_space<vmem>> -> memref<128xi32, #tpu.memory_space<vmem>>
      %dma_wait3A_141 = arith.constant 0 : i32
      %dma_wait3A_142 = tpu.memref_slice %arg25[%dma_wait3A_141] : memref<256xi32, #tpu.memory_space<vmem>> -> memref<128xi32, #tpu.memory_space<vmem>>
      %dma_wait3A_143 = arith.constant 0 : i32
      %dma_wait3A_144 = tpu.memref_slice %arg2[%dma_wait3A_143] : memref<4227136xi32, #tpu.memory_space<hbm>> -> memref<4227136xi32, #tpu.memory_space<hbm>>
      tpu.wait_indirect_dma semaphore(%arg60 : memref<!tpu.dma_semaphore, #tpu.memory_space<semaphore_mem>>) src(%dma_wait3A_144 : memref<4227136xi32, #tpu.memory_space<hbm>>) dst(%dma_wait3A_140 : memref<128xi32, #tpu.memory_space<vmem>>)
      %dma_wait3A_145 = arith.constant 128 : i32
      %dma_wait3A_146 = tpu.memref_slice %arg34[%dma_wait3A_145] : memref<256xi32, #tpu.memory_space<vmem>> -> memref<128xi32, #tpu.memory_space<vmem>>
      %dma_wait3A_147 = arith.constant 128 : i32
      %dma_wait3A_148 = tpu.memref_slice %arg25[%dma_wait3A_147] : memref<256xi32, #tpu.memory_space<vmem>> -> memref<128xi32, #tpu.memory_space<vmem>>
      %dma_wait3A_149 = arith.constant 0 : i32
      %dma_wait3A_150 = tpu.memref_slice %arg2[%dma_wait3A_149] : memref<4227136xi32, #tpu.memory_space<hbm>> -> memref<4227136xi32, #tpu.memory_space<hbm>>
      tpu.wait_indirect_dma semaphore(%arg60 : memref<!tpu.dma_semaphore, #tpu.memory_space<semaphore_mem>>) src(%dma_wait3A_150 : memref<4227136xi32, #tpu.memory_space<hbm>>) dst(%dma_wait3A_146 : memref<128xi32, #tpu.memory_space<vmem>>)
      %dma_wait3A_151 = arith.constant 0 : i32
      %dma_wait3A_152 = tpu.memref_slice %arg35[%dma_wait3A_151] : memref<256xi32, #tpu.memory_space<vmem>> -> memref<128xi32, #tpu.memory_space<vmem>>
      %dma_wait3A_153 = arith.constant 0 : i32
      %dma_wait3A_154 = tpu.memref_slice %arg26[%dma_wait3A_153] : memref<256xi32, #tpu.memory_space<vmem>> -> memref<128xi32, #tpu.memory_space<vmem>>
      %dma_wait3A_155 = arith.constant 0 : i32
      %dma_wait3A_156 = tpu.memref_slice %arg2[%dma_wait3A_155] : memref<4227136xi32, #tpu.memory_space<hbm>> -> memref<4227136xi32, #tpu.memory_space<hbm>>
      tpu.wait_indirect_dma semaphore(%arg60 : memref<!tpu.dma_semaphore, #tpu.memory_space<semaphore_mem>>) src(%dma_wait3A_156 : memref<4227136xi32, #tpu.memory_space<hbm>>) dst(%dma_wait3A_152 : memref<128xi32, #tpu.memory_space<vmem>>)
      %dma_wait3A_157 = arith.constant 128 : i32
      %dma_wait3A_158 = tpu.memref_slice %arg35[%dma_wait3A_157] : memref<256xi32, #tpu.memory_space<vmem>> -> memref<128xi32, #tpu.memory_space<vmem>>
      %dma_wait3A_159 = arith.constant 128 : i32
      %dma_wait3A_160 = tpu.memref_slice %arg26[%dma_wait3A_159] : memref<256xi32, #tpu.memory_space<vmem>> -> memref<128xi32, #tpu.memory_space<vmem>>
      %dma_wait3A_161 = arith.constant 0 : i32
      %dma_wait3A_162 = tpu.memref_slice %arg2[%dma_wait3A_161] : memref<4227136xi32, #tpu.memory_space<hbm>> -> memref<4227136xi32, #tpu.memory_space<hbm>>
      tpu.wait_indirect_dma semaphore(%arg60 : memref<!tpu.dma_semaphore, #tpu.memory_space<semaphore_mem>>) src(%dma_wait3A_162 : memref<4227136xi32, #tpu.memory_space<hbm>>) dst(%dma_wait3A_158 : memref<128xi32, #tpu.memory_space<vmem>>)
      %dma_wait3A_163 = arith.constant 0 : i32
      %dma_wait3A_164 = tpu.memref_slice %arg37[%dma_wait3A_163] : memref<256xi32, #tpu.memory_space<vmem>> -> memref<128xi32, #tpu.memory_space<vmem>>
      %dma_wait3A_165 = arith.constant 0 : i32
      %dma_wait3A_166 = tpu.memref_slice %arg28[%dma_wait3A_165] : memref<256xi32, #tpu.memory_space<vmem>> -> memref<128xi32, #tpu.memory_space<vmem>>
      %dma_wait3A_167 = arith.constant 0 : i32
      %dma_wait3A_168 = tpu.memref_slice %arg2[%dma_wait3A_167] : memref<4227136xi32, #tpu.memory_space<hbm>> -> memref<4227136xi32, #tpu.memory_space<hbm>>
      tpu.wait_indirect_dma semaphore(%arg60 : memref<!tpu.dma_semaphore, #tpu.memory_space<semaphore_mem>>) src(%dma_wait3A_168 : memref<4227136xi32, #tpu.memory_space<hbm>>) dst(%dma_wait3A_164 : memref<128xi32, #tpu.memory_space<vmem>>)
      %dma_wait3A_169 = arith.constant 128 : i32
      %dma_wait3A_170 = tpu.memref_slice %arg37[%dma_wait3A_169] : memref<256xi32, #tpu.memory_space<vmem>> -> memref<128xi32, #tpu.memory_space<vmem>>
      %dma_wait3A_171 = arith.constant 128 : i32
      %dma_wait3A_172 = tpu.memref_slice %arg28[%dma_wait3A_171] : memref<256xi32, #tpu.memory_space<vmem>> -> memref<128xi32, #tpu.memory_space<vmem>>
      %dma_wait3A_173 = arith.constant 0 : i32
      %dma_wait3A_174 = tpu.memref_slice %arg2[%dma_wait3A_173] : memref<4227136xi32, #tpu.memory_space<hbm>> -> memref<4227136xi32, #tpu.memory_space<hbm>>
      tpu.wait_indirect_dma semaphore(%arg60 : memref<!tpu.dma_semaphore, #tpu.memory_space<semaphore_mem>>) src(%dma_wait3A_174 : memref<4227136xi32, #tpu.memory_space<hbm>>) dst(%dma_wait3A_170 : memref<128xi32, #tpu.memory_space<vmem>>)
      %dma_wait3A_175 = arith.constant 0 : i32
      %dma_wait3A_176 = tpu.memref_slice %arg38[%dma_wait3A_175] : memref<256xi32, #tpu.memory_space<vmem>> -> memref<128xi32, #tpu.memory_space<vmem>>
      %dma_wait3A_177 = arith.constant 0 : i32
      %dma_wait3A_178 = tpu.memref_slice %arg29[%dma_wait3A_177] : memref<256xi32, #tpu.memory_space<vmem>> -> memref<128xi32, #tpu.memory_space<vmem>>
      %dma_wait3A_179 = arith.constant 0 : i32
      %dma_wait3A_180 = tpu.memref_slice %arg2[%dma_wait3A_179] : memref<4227136xi32, #tpu.memory_space<hbm>> -> memref<4227136xi32, #tpu.memory_space<hbm>>
      tpu.wait_indirect_dma semaphore(%arg60 : memref<!tpu.dma_semaphore, #tpu.memory_space<semaphore_mem>>) src(%dma_wait3A_180 : memref<4227136xi32, #tpu.memory_space<hbm>>) dst(%dma_wait3A_176 : memref<128xi32, #tpu.memory_space<vmem>>)
      %dma_wait3A_181 = arith.constant 128 : i32
      %dma_wait3A_182 = tpu.memref_slice %arg38[%dma_wait3A_181] : memref<256xi32, #tpu.memory_space<vmem>> -> memref<128xi32, #tpu.memory_space<vmem>>
      %dma_wait3A_183 = arith.constant 128 : i32
      %dma_wait3A_184 = tpu.memref_slice %arg29[%dma_wait3A_183] : memref<256xi32, #tpu.memory_space<vmem>> -> memref<128xi32, #tpu.memory_space<vmem>>
      %dma_wait3A_185 = arith.constant 0 : i32
      %dma_wait3A_186 = tpu.memref_slice %arg2[%dma_wait3A_185] : memref<4227136xi32, #tpu.memory_space<hbm>> -> memref<4227136xi32, #tpu.memory_space<hbm>>
      tpu.wait_indirect_dma semaphore(%arg60 : memref<!tpu.dma_semaphore, #tpu.memory_space<semaphore_mem>>) src(%dma_wait3A_186 : memref<4227136xi32, #tpu.memory_space<hbm>>) dst(%dma_wait3A_182 : memref<128xi32, #tpu.memory_space<vmem>>)
      %dma_wait3A_187 = arith.constant 0 : i32
      %dma_wait3A_188 = tpu.memref_slice %arg39[%dma_wait3A_187] : memref<256xi32, #tpu.memory_space<vmem>> -> memref<128xi32, #tpu.memory_space<vmem>>
      %dma_wait3A_189 = arith.constant 0 : i32
      %dma_wait3A_190 = tpu.memref_slice %arg30[%dma_wait3A_189] : memref<256xi32, #tpu.memory_space<vmem>> -> memref<128xi32, #tpu.memory_space<vmem>>
      %dma_wait3A_191 = arith.constant 0 : i32
      %dma_wait3A_192 = tpu.memref_slice %arg2[%dma_wait3A_191] : memref<4227136xi32, #tpu.memory_space<hbm>> -> memref<4227136xi32, #tpu.memory_space<hbm>>
      tpu.wait_indirect_dma semaphore(%arg60 : memref<!tpu.dma_semaphore, #tpu.memory_space<semaphore_mem>>) src(%dma_wait3A_192 : memref<4227136xi32, #tpu.memory_space<hbm>>) dst(%dma_wait3A_188 : memref<128xi32, #tpu.memory_space<vmem>>)
      %dma_wait3A_193 = arith.constant 128 : i32
      %dma_wait3A_194 = tpu.memref_slice %arg39[%dma_wait3A_193] : memref<256xi32, #tpu.memory_space<vmem>> -> memref<128xi32, #tpu.memory_space<vmem>>
      %dma_wait3A_195 = arith.constant 128 : i32
      %dma_wait3A_196 = tpu.memref_slice %arg30[%dma_wait3A_195] : memref<256xi32, #tpu.memory_space<vmem>> -> memref<128xi32, #tpu.memory_space<vmem>>
      %dma_wait3A_197 = arith.constant 0 : i32
      %dma_wait3A_198 = tpu.memref_slice %arg2[%dma_wait3A_197] : memref<4227136xi32, #tpu.memory_space<hbm>> -> memref<4227136xi32, #tpu.memory_space<hbm>>
      tpu.wait_indirect_dma semaphore(%arg60 : memref<!tpu.dma_semaphore, #tpu.memory_space<semaphore_mem>>) src(%dma_wait3A_198 : memref<4227136xi32, #tpu.memory_space<hbm>>) dst(%dma_wait3A_194 : memref<128xi32, #tpu.memory_space<vmem>>)
      %dma_wait3A_199 = arith.constant 0 : i32
      %dma_wait3A_200 = tpu.memref_slice %arg40[%dma_wait3A_199] : memref<256xi32, #tpu.memory_space<vmem>> -> memref<128xi32, #tpu.memory_space<vmem>>
      %dma_wait3A_201 = arith.constant 0 : i32
      %dma_wait3A_202 = tpu.memref_slice %arg31[%dma_wait3A_201] : memref<256xi32, #tpu.memory_space<vmem>> -> memref<128xi32, #tpu.memory_space<vmem>>
      %dma_wait3A_203 = arith.constant 0 : i32
      %dma_wait3A_204 = tpu.memref_slice %arg2[%dma_wait3A_203] : memref<4227136xi32, #tpu.memory_space<hbm>> -> memref<4227136xi32, #tpu.memory_space<hbm>>
      tpu.wait_indirect_dma semaphore(%arg60 : memref<!tpu.dma_semaphore, #tpu.memory_space<semaphore_mem>>) src(%dma_wait3A_204 : memref<4227136xi32, #tpu.memory_space<hbm>>) dst(%dma_wait3A_200 : memref<128xi32, #tpu.memory_space<vmem>>)
      %dma_wait3A_205 = arith.constant 128 : i32
      %dma_wait3A_206 = tpu.memref_slice %arg40[%dma_wait3A_205] : memref<256xi32, #tpu.memory_space<vmem>> -> memref<128xi32, #tpu.memory_space<vmem>>
      %dma_wait3A_207 = arith.constant 128 : i32
      %dma_wait3A_208 = tpu.memref_slice %arg31[%dma_wait3A_207] : memref<256xi32, #tpu.memory_space<vmem>> -> memref<128xi32, #tpu.memory_space<vmem>>
      %dma_wait3A_209 = arith.constant 0 : i32
      %dma_wait3A_210 = tpu.memref_slice %arg2[%dma_wait3A_209] : memref<4227136xi32, #tpu.memory_space<hbm>> -> memref<4227136xi32, #tpu.memory_space<hbm>>
      tpu.wait_indirect_dma semaphore(%arg60 : memref<!tpu.dma_semaphore, #tpu.memory_space<semaphore_mem>>) src(%dma_wait3A_210 : memref<4227136xi32, #tpu.memory_space<hbm>>) dst(%dma_wait3A_206 : memref<128xi32, #tpu.memory_space<vmem>>)
      %scan3A_211 = arith.constant 0 : i32
      %scan3A_212 = arith.constant 0 : i32
      %scan3A_213 = arith.constant 16 : i32
      %scan3A_214 = arith.addi %scan3A_212, %scan3A_213 : i32
      %scan3A_215 = arith.constant 1 : i32
      %scan3A_216 = scf.for %scan3A_490 = %scan3A_212 to %scan3A_214 step %scan3A_215 iter_args(%scan3A_491 = %scan3A_211) -> (i32)  : i32 {
        %mul3A_492 = arith.constant 16 : i32
        %mul3A_493 = arith.muli %scan3A_490, %mul3A_492 : i32
        %get3A = arith.index_cast %mul3A_493 : i32 to index
        %get3A_494 = tpu.vector_load %arg32[%get3A] {strides = array<i32>} : memref<256xi32, #tpu.memory_space<vmem>>, vector<16xi32>,
        %get3A_495 = vector.shape_cast %get3A_494 : vector<16xi32> to vector<16xi32>
        %lt3A = arith.constant 0 : i32
        %lt3A_496 = vector.broadcast %lt3A : i32 to vector<16xi32>
        %lt3A_497 = arith.cmpi slt, %get3A_495, %lt3A_496 : vector<16xi32>
        %jit3A = arith.constant 500000 : i32
        %broadcast_in_dim3A = vector.broadcast %jit3A : i32 to vector<16xi32>
        %select_n3A = arith.select %lt3A_497, %broadcast_in_dim3A, %get3A_495 : vector<16xi1>, vector<16xi32>
        %mul3A_498 = arith.constant 16 : i32
        %mul3A_499 = arith.muli %scan3A_490, %mul3A_498 : i32
        %swap3A = arith.index_cast %mul3A_499 : i32 to index
        %swap3A_500 = tpu.vector_load %arg41[%swap3A] {strides = array<i32>} : memref<256xi32, #tpu.memory_space<vmem>>, vector<16xi32>,
        %swap3A_501 = vector.shape_cast %swap3A_500 : vector<16xi32> to vector<16xi32>
        %swap3A_502 = vector.shape_cast %select_n3A : vector<16xi32> to vector<16xi32>
        tpu.vector_store %arg41[%swap3A], %swap3A_502 {strides = array<i32>} : memref<256xi32, #tpu.memory_space<vmem>>, vector<16xi32>,
        %mul3A_503 = arith.constant 16 : i32
        %mul3A_504 = arith.muli %scan3A_490, %mul3A_503 : i32
        %get3A_505 = arith.index_cast %mul3A_504 : i32 to index
        %get3A_506 = tpu.vector_load %arg33[%get3A_505] {strides = array<i32>} : memref<256xi32, #tpu.memory_space<vmem>>, vector<16xi32>,
        %get3A_507 = vector.shape_cast %get3A_506 : vector<16xi32> to vector<16xi32>
        %lt3A_508 = arith.constant 0 : i32
        %lt3A_509 = vector.broadcast %lt3A_508 : i32 to vector<16xi32>
        %lt3A_510 = arith.cmpi slt, %get3A_507, %lt3A_509 : vector<16xi32>
        %jit3A_511 = arith.constant 500000 : i32
        %broadcast_in_dim3A_512 = vector.broadcast %jit3A_511 : i32 to vector<16xi32>
        %select_n3A_513 = arith.select %lt3A_510, %broadcast_in_dim3A_512, %get3A_507 : vector<16xi1>, vector<16xi32>
        %mul3A_514 = arith.constant 16 : i32
        %mul3A_515 = arith.muli %scan3A_490, %mul3A_514 : i32
        %swap3A_516 = arith.index_cast %mul3A_515 : i32 to index
        %swap3A_517 = tpu.vector_load %arg42[%swap3A_516] {strides = array<i32>} : memref<256xi32, #tpu.memory_space<vmem>>, vector<16xi32>,
        %swap3A_518 = vector.shape_cast %swap3A_517 : vector<16xi32> to vector<16xi32>
        %swap3A_519 = vector.shape_cast %select_n3A_513 : vector<16xi32> to vector<16xi32>
        tpu.vector_store %arg42[%swap3A_516], %swap3A_519 {strides = array<i32>} : memref<256xi32, #tpu.memory_space<vmem>>, vector<16xi32>,
        %mul3A_520 = arith.constant 16 : i32
        %mul3A_521 = arith.muli %scan3A_490, %mul3A_520 : i32
        %get3A_522 = arith.index_cast %mul3A_521 : i32 to index
        %get3A_523 = tpu.vector_load %arg34[%get3A_522] {strides = array<i32>} : memref<256xi32, #tpu.memory_space<vmem>>, vector<16xi32>,
        %get3A_524 = vector.shape_cast %get3A_523 : vector<16xi32> to vector<16xi32>
        %lt3A_525 = arith.constant 0 : i32
        %lt3A_526 = vector.broadcast %lt3A_525 : i32 to vector<16xi32>
        %lt3A_527 = arith.cmpi slt, %get3A_524, %lt3A_526 : vector<16xi32>
        %jit3A_528 = arith.constant 500000 : i32
        %broadcast_in_dim3A_529 = vector.broadcast %jit3A_528 : i32 to vector<16xi32>
        %select_n3A_530 = arith.select %lt3A_527, %broadcast_in_dim3A_529, %get3A_524 : vector<16xi1>, vector<16xi32>
        %mul3A_531 = arith.constant 16 : i32
        %mul3A_532 = arith.muli %scan3A_490, %mul3A_531 : i32
        %swap3A_533 = arith.index_cast %mul3A_532 : i32 to index
        %swap3A_534 = tpu.vector_load %arg43[%swap3A_533] {strides = array<i32>} : memref<256xi32, #tpu.memory_space<vmem>>, vector<16xi32>,
        %swap3A_535 = vector.shape_cast %swap3A_534 : vector<16xi32> to vector<16xi32>
        %swap3A_536 = vector.shape_cast %select_n3A_530 : vector<16xi32> to vector<16xi32>
        tpu.vector_store %arg43[%swap3A_533], %swap3A_536 {strides = array<i32>} : memref<256xi32, #tpu.memory_space<vmem>>, vector<16xi32>,
        %mul3A_537 = arith.constant 16 : i32
        %mul3A_538 = arith.muli %scan3A_490, %mul3A_537 : i32
        %get3A_539 = arith.index_cast %mul3A_538 : i32 to index
        %get3A_540 = tpu.vector_load %arg35[%get3A_539] {strides = array<i32>} : memref<256xi32, #tpu.memory_space<vmem>>, vector<16xi32>,
        %get3A_541 = vector.shape_cast %get3A_540 : vector<16xi32> to vector<16xi32>
        %lt3A_542 = arith.constant 0 : i32
        %lt3A_543 = vector.broadcast %lt3A_542 : i32 to vector<16xi32>
        %lt3A_544 = arith.cmpi slt, %get3A_541, %lt3A_543 : vector<16xi32>
        %jit3A_545 = arith.constant 500000 : i32
        %broadcast_in_dim3A_546 = vector.broadcast %jit3A_545 : i32 to vector<16xi32>
        %select_n3A_547 = arith.select %lt3A_544, %broadcast_in_dim3A_546, %get3A_541 : vector<16xi1>, vector<16xi32>
        %mul3A_548 = arith.constant 16 : i32
        %mul3A_549 = arith.muli %scan3A_490, %mul3A_548 : i32
        %swap3A_550 = arith.index_cast %mul3A_549 : i32 to index
        %swap3A_551 = tpu.vector_load %arg44[%swap3A_550] {strides = array<i32>} : memref<256xi32, #tpu.memory_space<vmem>>, vector<16xi32>,
        %swap3A_552 = vector.shape_cast %swap3A_551 : vector<16xi32> to vector<16xi32>
        %swap3A_553 = vector.shape_cast %select_n3A_547 : vector<16xi32> to vector<16xi32>
        tpu.vector_store %arg44[%swap3A_550], %swap3A_553 {strides = array<i32>} : memref<256xi32, #tpu.memory_space<vmem>>, vector<16xi32>,
        %mul3A_554 = arith.constant 16 : i32
        %mul3A_555 = arith.muli %scan3A_490, %mul3A_554 : i32
        %get3A_556 = arith.index_cast %mul3A_555 : i32 to index
        %get3A_557 = tpu.vector_load %arg37[%get3A_556] {strides = array<i32>} : memref<256xi32, #tpu.memory_space<vmem>>, vector<16xi32>,
        %get3A_558 = vector.shape_cast %get3A_557 : vector<16xi32> to vector<16xi32>
        %lt3A_559 = arith.constant 0 : i32
        %lt3A_560 = vector.broadcast %lt3A_559 : i32 to vector<16xi32>
        %lt3A_561 = arith.cmpi slt, %get3A_558, %lt3A_560 : vector<16xi32>
        %jit3A_562 = arith.constant 500000 : i32
        %broadcast_in_dim3A_563 = vector.broadcast %jit3A_562 : i32 to vector<16xi32>
        %select_n3A_564 = arith.select %lt3A_561, %broadcast_in_dim3A_563, %get3A_558 : vector<16xi1>, vector<16xi32>
        %mul3A_565 = arith.constant 16 : i32
        %mul3A_566 = arith.muli %scan3A_490, %mul3A_565 : i32
        %swap3A_567 = arith.index_cast %mul3A_566 : i32 to index
        %swap3A_568 = tpu.vector_load %arg46[%swap3A_567] {strides = array<i32>} : memref<256xi32, #tpu.memory_space<vmem>>, vector<16xi32>,
        %swap3A_569 = vector.shape_cast %swap3A_568 : vector<16xi32> to vector<16xi32>
        %swap3A_570 = vector.shape_cast %select_n3A_564 : vector<16xi32> to vector<16xi32>
        tpu.vector_store %arg46[%swap3A_567], %swap3A_570 {strides = array<i32>} : memref<256xi32, #tpu.memory_space<vmem>>, vector<16xi32>,
        %mul3A_571 = arith.constant 16 : i32
        %mul3A_572 = arith.muli %scan3A_490, %mul3A_571 : i32
        %get3A_573 = arith.index_cast %mul3A_572 : i32 to index
        %get3A_574 = tpu.vector_load %arg38[%get3A_573] {strides = array<i32>} : memref<256xi32, #tpu.memory_space<vmem>>, vector<16xi32>,
        %get3A_575 = vector.shape_cast %get3A_574 : vector<16xi32> to vector<16xi32>
        %lt3A_576 = arith.constant 0 : i32
        %lt3A_577 = vector.broadcast %lt3A_576 : i32 to vector<16xi32>
        %lt3A_578 = arith.cmpi slt, %get3A_575, %lt3A_577 : vector<16xi32>
        %jit3A_579 = arith.constant 500000 : i32
        %broadcast_in_dim3A_580 = vector.broadcast %jit3A_579 : i32 to vector<16xi32>
        %select_n3A_581 = arith.select %lt3A_578, %broadcast_in_dim3A_580, %get3A_575 : vector<16xi1>, vector<16xi32>
        %mul3A_582 = arith.constant 16 : i32
        %mul3A_583 = arith.muli %scan3A_490, %mul3A_582 : i32
        %swap3A_584 = arith.index_cast %mul3A_583 : i32 to index
        %swap3A_585 = tpu.vector_load %arg47[%swap3A_584] {strides = array<i32>} : memref<256xi32, #tpu.memory_space<vmem>>, vector<16xi32>,
        %swap3A_586 = vector.shape_cast %swap3A_585 : vector<16xi32> to vector<16xi32>
        %swap3A_587 = vector.shape_cast %select_n3A_581 : vector<16xi32> to vector<16xi32>
        tpu.vector_store %arg47[%swap3A_584], %swap3A_587 {strides = array<i32>} : memref<256xi32, #tpu.memory_space<vmem>>, vector<16xi32>,
        %mul3A_588 = arith.constant 16 : i32
        %mul3A_589 = arith.muli %scan3A_490, %mul3A_588 : i32
        %get3A_590 = arith.index_cast %mul3A_589 : i32 to index
        %get3A_591 = tpu.vector_load %arg39[%get3A_590] {strides = array<i32>} : memref<256xi32, #tpu.memory_space<vmem>>, vector<16xi32>,
        %get3A_592 = vector.shape_cast %get3A_591 : vector<16xi32> to vector<16xi32>
        %lt3A_593 = arith.constant 0 : i32
        %lt3A_594 = vector.broadcast %lt3A_593 : i32 to vector<16xi32>
        %lt3A_595 = arith.cmpi slt, %get3A_592, %lt3A_594 : vector<16xi32>
        %jit3A_596 = arith.constant 500000 : i32
        %broadcast_in_dim3A_597 = vector.broadcast %jit3A_596 : i32 to vector<16xi32>
        %select_n3A_598 = arith.select %lt3A_595, %broadcast_in_dim3A_597, %get3A_592 : vector<16xi1>, vector<16xi32>
        %mul3A_599 = arith.constant 16 : i32
        %mul3A_600 = arith.muli %scan3A_490, %mul3A_599 : i32
        %swap3A_601 = arith.index_cast %mul3A_600 : i32 to index
        %swap3A_602 = tpu.vector_load %arg48[%swap3A_601] {strides = array<i32>} : memref<256xi32, #tpu.memory_space<vmem>>, vector<16xi32>,
        %swap3A_603 = vector.shape_cast %swap3A_602 : vector<16xi32> to vector<16xi32>
        %swap3A_604 = vector.shape_cast %select_n3A_598 : vector<16xi32> to vector<16xi32>
        tpu.vector_store %arg48[%swap3A_601], %swap3A_604 {strides = array<i32>} : memref<256xi32, #tpu.memory_space<vmem>>, vector<16xi32>,
        %mul3A_605 = arith.constant 16 : i32
        %mul3A_606 = arith.muli %scan3A_490, %mul3A_605 : i32
        %get3A_607 = arith.index_cast %mul3A_606 : i32 to index
        %get3A_608 = tpu.vector_load %arg40[%get3A_607] {strides = array<i32>} : memref<256xi32, #tpu.memory_space<vmem>>, vector<16xi32>,
        %get3A_609 = vector.shape_cast %get3A_608 : vector<16xi32> to vector<16xi32>
        %lt3A_610 = arith.constant 0 : i32
        %lt3A_611 = vector.broadcast %lt3A_610 : i32 to vector<16xi32>
        %lt3A_612 = arith.cmpi slt, %get3A_609, %lt3A_611 : vector<16xi32>
        %jit3A_613 = arith.constant 500000 : i32
        %broadcast_in_dim3A_614 = vector.broadcast %jit3A_613 : i32 to vector<16xi32>
        %select_n3A_615 = arith.select %lt3A_612, %broadcast_in_dim3A_614, %get3A_609 : vector<16xi1>, vector<16xi32>
        %mul3A_616 = arith.constant 16 : i32
        %mul3A_617 = arith.muli %scan3A_490, %mul3A_616 : i32
        %swap3A_618 = arith.index_cast %mul3A_617 : i32 to index
        %swap3A_619 = tpu.vector_load %arg49[%swap3A_618] {strides = array<i32>} : memref<256xi32, #tpu.memory_space<vmem>>, vector<16xi32>,
        %swap3A_620 = vector.shape_cast %swap3A_619 : vector<16xi32> to vector<16xi32>
        %swap3A_621 = vector.shape_cast %select_n3A_615 : vector<16xi32> to vector<16xi32>
        tpu.vector_store %arg49[%swap3A_618], %swap3A_621 {strides = array<i32>} : memref<256xi32, #tpu.memory_space<vmem>>, vector<16xi32>,
        %scan3A_622 = arith.constant 0 : i32
        scf.yield %scan3A_622 : i32
      }
      %scan3A_217 = arith.constant 16 : i32
      %dma_start3A_218 = arith.constant 0 : i32
      %dma_start3A_219 = tpu.memref_slice %arg8[%add3A_13, %dma_start3A_218] : memref<507904x32xf32, #tpu.memory_space<hbm>> -> memref<256x32xf32, #tpu.memory_space<hbm>>
      %dma_start3A_220 = arith.constant 0 : i32
      %dma_start3A_221 = tpu.memref_slice %arg8[%add3A_13, %dma_start3A_220] : memref<507904x32xf32, #tpu.memory_space<hbm>> -> memref<256x32xf32, #tpu.memory_space<hbm>>
      tpu.enqueue_dma source(%dma_start3A_221 : memref<256x32xf32, #tpu.memory_space<hbm>>) target(%arg54 : memref<256x32xf32, #tpu.memory_space<vmem>>) target_semaphore(%arg61 : memref<!tpu.dma_semaphore, #tpu.memory_space<semaphore_mem>>)
      %dma_start3A_222 = arith.constant 0 : i32
      %dma_start3A_223 = arith.constant 0 : i32
      %dma_start3A_224 = tpu.memref_slice %arg50[%dma_start3A_222, %dma_start3A_223] : memref<256x32xf32, #tpu.memory_space<vmem>> -> memref<128x32xf32, #tpu.memory_space<vmem>>
      %dma_start3A_225 = arith.constant 0 : i32
      %dma_start3A_226 = tpu.memref_slice %arg41[%dma_start3A_225] : memref<256xi32, #tpu.memory_space<vmem>> -> memref<128xi32, #tpu.memory_space<vmem>>
      %dma_start3A_227 = arith.constant 0 : i32
      %dma_start3A_228 = arith.constant 0 : i32
      %dma_start3A_229 = tpu.memref_slice %arg4[%dma_start3A_227, %dma_start3A_228] : memref<507904x32xf32, #tpu.memory_space<hbm>> -> memref<507904x32xf32, #tpu.memory_space<hbm>>
      tpu.enqueue_indirect_dma source(%dma_start3A_229 : memref<507904x32xf32, #tpu.memory_space<hbm>>) target(%dma_start3A_224 : memref<128x32xf32, #tpu.memory_space<vmem>>) offsets(%dma_start3A_226 : memref<128xi32, #tpu.memory_space<vmem>>) semaphore(%arg61 : memref<!tpu.dma_semaphore, #tpu.memory_space<semaphore_mem>>)
      %dma_start3A_230 = arith.constant 128 : i32
      %dma_start3A_231 = arith.constant 0 : i32
      %dma_start3A_232 = tpu.memref_slice %arg50[%dma_start3A_230, %dma_start3A_231] : memref<256x32xf32, #tpu.memory_space<vmem>> -> memref<128x32xf32, #tpu.memory_space<vmem>>
      %dma_start3A_233 = arith.constant 128 : i32
      %dma_start3A_234 = tpu.memref_slice %arg41[%dma_start3A_233] : memref<256xi32, #tpu.memory_space<vmem>> -> memref<128xi32, #tpu.memory_space<vmem>>
      %dma_start3A_235 = arith.constant 0 : i32
      %dma_start3A_236 = arith.constant 0 : i32
      %dma_start3A_237 = tpu.memref_slice %arg4[%dma_start3A_235, %dma_start3A_236] : memref<507904x32xf32, #tpu.memory_space<hbm>> -> memref<507904x32xf32, #tpu.memory_space<hbm>>
      tpu.enqueue_indirect_dma source(%dma_start3A_237 : memref<507904x32xf32, #tpu.memory_space<hbm>>) target(%dma_start3A_232 : memref<128x32xf32, #tpu.memory_space<vmem>>) offsets(%dma_start3A_234 : memref<128xi32, #tpu.memory_space<vmem>>) semaphore(%arg61 : memref<!tpu.dma_semaphore, #tpu.memory_space<semaphore_mem>>)
      "tpu.region"() ({
        %run_scoped3A = tpu.sem_alloc : memref<!tpu.dma_semaphore, #tpu.memory_space<semaphore_mem>>
        %dma_start3A_490 = tpu.memref_slice %arg14[%add3A_13] : memref<507904xi32, #tpu.memory_space<hbm>> -> memref<256xi32, #tpu.memory_space<hbm>>
        %dma_start3A_491 = tpu.memref_slice %arg14[%add3A_13] : memref<507904xi32, #tpu.memory_space<hbm>> -> memref<256xi32, #tpu.memory_space<hbm>>
        tpu.enqueue_dma source(%arg41 : memref<256xi32, #tpu.memory_space<vmem>>) target(%dma_start3A_491 : memref<256xi32, #tpu.memory_space<hbm>>) target_semaphore(%run_scoped3A : memref<!tpu.dma_semaphore, #tpu.memory_space<semaphore_mem>>)
        %dma_wait3A_492 = tpu.memref_slice %arg14[%add3A_13] : memref<507904xi32, #tpu.memory_space<hbm>> -> memref<256xi32, #tpu.memory_space<hbm>>
        %dma_wait3A_493 = tpu.memref_slice %arg14[%add3A_13] : memref<507904xi32, #tpu.memory_space<hbm>> -> memref<256xi32, #tpu.memory_space<hbm>>
        tpu.wait_dma2 semaphore(%run_scoped3A : memref<!tpu.dma_semaphore, #tpu.memory_space<semaphore_mem>>) src(%arg41 : memref<256xi32, #tpu.memory_space<vmem>>) dst(%dma_wait3A_493 : memref<256xi32, #tpu.memory_space<hbm>>)
        tpu.yield
      }) : () -> ()
      %dma_start3A_238 = arith.constant 0 : i32
      %dma_start3A_239 = arith.constant 0 : i32
      %dma_start3A_240 = tpu.memref_slice %arg51[%dma_start3A_238, %dma_start3A_239] : memref<256x32xf32, #tpu.memory_space<vmem>> -> memref<128x32xf32, #tpu.memory_space<vmem>>
      %dma_start3A_241 = arith.constant 0 : i32
      %dma_start3A_242 = tpu.memref_slice %arg42[%dma_start3A_241] : memref<256xi32, #tpu.memory_space<vmem>> -> memref<128xi32, #tpu.memory_space<vmem>>
      %dma_start3A_243 = arith.constant 0 : i32
      %dma_start3A_244 = arith.constant 0 : i32
      %dma_start3A_245 = tpu.memref_slice %arg5[%dma_start3A_243, %dma_start3A_244] : memref<507904x32xf32, #tpu.memory_space<hbm>> -> memref<507904x32xf32, #tpu.memory_space<hbm>>
      tpu.enqueue_indirect_dma source(%dma_start3A_245 : memref<507904x32xf32, #tpu.memory_space<hbm>>) target(%dma_start3A_240 : memref<128x32xf32, #tpu.memory_space<vmem>>) offsets(%dma_start3A_242 : memref<128xi32, #tpu.memory_space<vmem>>) semaphore(%arg61 : memref<!tpu.dma_semaphore, #tpu.memory_space<semaphore_mem>>)
      %dma_start3A_246 = arith.constant 128 : i32
      %dma_start3A_247 = arith.constant 0 : i32
      %dma_start3A_248 = tpu.memref_slice %arg51[%dma_start3A_246, %dma_start3A_247] : memref<256x32xf32, #tpu.memory_space<vmem>> -> memref<128x32xf32, #tpu.memory_space<vmem>>
      %dma_start3A_249 = arith.constant 128 : i32
      %dma_start3A_250 = tpu.memref_slice %arg42[%dma_start3A_249] : memref<256xi32, #tpu.memory_space<vmem>> -> memref<128xi32, #tpu.memory_space<vmem>>
      %dma_start3A_251 = arith.constant 0 : i32
      %dma_start3A_252 = arith.constant 0 : i32
      %dma_start3A_253 = tpu.memref_slice %arg5[%dma_start3A_251, %dma_start3A_252] : memref<507904x32xf32, #tpu.memory_space<hbm>> -> memref<507904x32xf32, #tpu.memory_space<hbm>>
      tpu.enqueue_indirect_dma source(%dma_start3A_253 : memref<507904x32xf32, #tpu.memory_space<hbm>>) target(%dma_start3A_248 : memref<128x32xf32, #tpu.memory_space<vmem>>) offsets(%dma_start3A_250 : memref<128xi32, #tpu.memory_space<vmem>>) semaphore(%arg61 : memref<!tpu.dma_semaphore, #tpu.memory_space<semaphore_mem>>)
      "tpu.region"() ({
        %run_scoped3A = tpu.sem_alloc : memref<!tpu.dma_semaphore, #tpu.memory_space<semaphore_mem>>
        %dma_start3A_490 = tpu.memref_slice %arg15[%add3A_13] : memref<507904xi32, #tpu.memory_space<hbm>> -> memref<256xi32, #tpu.memory_space<hbm>>
        %dma_start3A_491 = tpu.memref_slice %arg15[%add3A_13] : memref<507904xi32, #tpu.memory_space<hbm>> -> memref<256xi32, #tpu.memory_space<hbm>>
        tpu.enqueue_dma source(%arg42 : memref<256xi32, #tpu.memory_space<vmem>>) target(%dma_start3A_491 : memref<256xi32, #tpu.memory_space<hbm>>) target_semaphore(%run_scoped3A : memref<!tpu.dma_semaphore, #tpu.memory_space<semaphore_mem>>)
        %dma_wait3A_492 = tpu.memref_slice %arg15[%add3A_13] : memref<507904xi32, #tpu.memory_space<hbm>> -> memref<256xi32, #tpu.memory_space<hbm>>
        %dma_wait3A_493 = tpu.memref_slice %arg15[%add3A_13] : memref<507904xi32, #tpu.memory_space<hbm>> -> memref<256xi32, #tpu.memory_space<hbm>>
        tpu.wait_dma2 semaphore(%run_scoped3A : memref<!tpu.dma_semaphore, #tpu.memory_space<semaphore_mem>>) src(%arg42 : memref<256xi32, #tpu.memory_space<vmem>>) dst(%dma_wait3A_493 : memref<256xi32, #tpu.memory_space<hbm>>)
        tpu.yield
      }) : () -> ()
      %dma_start3A_254 = arith.constant 0 : i32
      %dma_start3A_255 = arith.constant 0 : i32
      %dma_start3A_256 = tpu.memref_slice %arg52[%dma_start3A_254, %dma_start3A_255] : memref<256x32xf32, #tpu.memory_space<vmem>> -> memref<128x32xf32, #tpu.memory_space<vmem>>
      %dma_start3A_257 = arith.constant 0 : i32
      %dma_start3A_258 = tpu.memref_slice %arg43[%dma_start3A_257] : memref<256xi32, #tpu.memory_space<vmem>> -> memref<128xi32, #tpu.memory_space<vmem>>
      %dma_start3A_259 = arith.constant 0 : i32
      %dma_start3A_260 = arith.constant 0 : i32
      %dma_start3A_261 = tpu.memref_slice %arg6[%dma_start3A_259, %dma_start3A_260] : memref<507904x32xf32, #tpu.memory_space<hbm>> -> memref<507904x32xf32, #tpu.memory_space<hbm>>
      tpu.enqueue_indirect_dma source(%dma_start3A_261 : memref<507904x32xf32, #tpu.memory_space<hbm>>) target(%dma_start3A_256 : memref<128x32xf32, #tpu.memory_space<vmem>>) offsets(%dma_start3A_258 : memref<128xi32, #tpu.memory_space<vmem>>) semaphore(%arg61 : memref<!tpu.dma_semaphore, #tpu.memory_space<semaphore_mem>>)
      %dma_start3A_262 = arith.constant 128 : i32
      %dma_start3A_263 = arith.constant 0 : i32
      %dma_start3A_264 = tpu.memref_slice %arg52[%dma_start3A_262, %dma_start3A_263] : memref<256x32xf32, #tpu.memory_space<vmem>> -> memref<128x32xf32, #tpu.memory_space<vmem>>
      %dma_start3A_265 = arith.constant 128 : i32
      %dma_start3A_266 = tpu.memref_slice %arg43[%dma_start3A_265] : memref<256xi32, #tpu.memory_space<vmem>> -> memref<128xi32, #tpu.memory_space<vmem>>
      %dma_start3A_267 = arith.constant 0 : i32
      %dma_start3A_268 = arith.constant 0 : i32
      %dma_start3A_269 = tpu.memref_slice %arg6[%dma_start3A_267, %dma_start3A_268] : memref<507904x32xf32, #tpu.memory_space<hbm>> -> memref<507904x32xf32, #tpu.memory_space<hbm>>
      tpu.enqueue_indirect_dma source(%dma_start3A_269 : memref<507904x32xf32, #tpu.memory_space<hbm>>) target(%dma_start3A_264 : memref<128x32xf32, #tpu.memory_space<vmem>>) offsets(%dma_start3A_266 : memref<128xi32, #tpu.memory_space<vmem>>) semaphore(%arg61 : memref<!tpu.dma_semaphore, #tpu.memory_space<semaphore_mem>>)
      "tpu.region"() ({
        %run_scoped3A = tpu.sem_alloc : memref<!tpu.dma_semaphore, #tpu.memory_space<semaphore_mem>>
        %dma_start3A_490 = tpu.memref_slice %arg16[%add3A_13] : memref<507904xi32, #tpu.memory_space<hbm>> -> memref<256xi32, #tpu.memory_space<hbm>>
        %dma_start3A_491 = tpu.memref_slice %arg16[%add3A_13] : memref<507904xi32, #tpu.memory_space<hbm>> -> memref<256xi32, #tpu.memory_space<hbm>>
        tpu.enqueue_dma source(%arg43 : memref<256xi32, #tpu.memory_space<vmem>>) target(%dma_start3A_491 : memref<256xi32, #tpu.memory_space<hbm>>) target_semaphore(%run_scoped3A : memref<!tpu.dma_semaphore, #tpu.memory_space<semaphore_mem>>)
        %dma_wait3A_492 = tpu.memref_slice %arg16[%add3A_13] : memref<507904xi32, #tpu.memory_space<hbm>> -> memref<256xi32, #tpu.memory_space<hbm>>
        %dma_wait3A_493 = tpu.memref_slice %arg16[%add3A_13] : memref<507904xi32, #tpu.memory_space<hbm>> -> memref<256xi32, #tpu.memory_space<hbm>>
        tpu.wait_dma2 semaphore(%run_scoped3A : memref<!tpu.dma_semaphore, #tpu.memory_space<semaphore_mem>>) src(%arg43 : memref<256xi32, #tpu.memory_space<vmem>>) dst(%dma_wait3A_493 : memref<256xi32, #tpu.memory_space<hbm>>)
        tpu.yield
      }) : () -> ()
      %dma_start3A_270 = arith.constant 0 : i32
      %dma_start3A_271 = arith.constant 0 : i32
      %dma_start3A_272 = tpu.memref_slice %arg53[%dma_start3A_270, %dma_start3A_271] : memref<256x32xf32, #tpu.memory_space<vmem>> -> memref<128x32xf32, #tpu.memory_space<vmem>>
      %dma_start3A_273 = arith.constant 0 : i32
      %dma_start3A_274 = tpu.memref_slice %arg44[%dma_start3A_273] : memref<256xi32, #tpu.memory_space<vmem>> -> memref<128xi32, #tpu.memory_space<vmem>>
      %dma_start3A_275 = arith.constant 0 : i32
      %dma_start3A_276 = arith.constant 0 : i32
      %dma_start3A_277 = tpu.memref_slice %arg7[%dma_start3A_275, %dma_start3A_276] : memref<507904x32xf32, #tpu.memory_space<hbm>> -> memref<507904x32xf32, #tpu.memory_space<hbm>>
      tpu.enqueue_indirect_dma source(%dma_start3A_277 : memref<507904x32xf32, #tpu.memory_space<hbm>>) target(%dma_start3A_272 : memref<128x32xf32, #tpu.memory_space<vmem>>) offsets(%dma_start3A_274 : memref<128xi32, #tpu.memory_space<vmem>>) semaphore(%arg61 : memref<!tpu.dma_semaphore, #tpu.memory_space<semaphore_mem>>)
      %dma_start3A_278 = arith.constant 128 : i32
      %dma_start3A_279 = arith.constant 0 : i32
      %dma_start3A_280 = tpu.memref_slice %arg53[%dma_start3A_278, %dma_start3A_279] : memref<256x32xf32, #tpu.memory_space<vmem>> -> memref<128x32xf32, #tpu.memory_space<vmem>>
      %dma_start3A_281 = arith.constant 128 : i32
      %dma_start3A_282 = tpu.memref_slice %arg44[%dma_start3A_281] : memref<256xi32, #tpu.memory_space<vmem>> -> memref<128xi32, #tpu.memory_space<vmem>>
      %dma_start3A_283 = arith.constant 0 : i32
      %dma_start3A_284 = arith.constant 0 : i32
      %dma_start3A_285 = tpu.memref_slice %arg7[%dma_start3A_283, %dma_start3A_284] : memref<507904x32xf32, #tpu.memory_space<hbm>> -> memref<507904x32xf32, #tpu.memory_space<hbm>>
      tpu.enqueue_indirect_dma source(%dma_start3A_285 : memref<507904x32xf32, #tpu.memory_space<hbm>>) target(%dma_start3A_280 : memref<128x32xf32, #tpu.memory_space<vmem>>) offsets(%dma_start3A_282 : memref<128xi32, #tpu.memory_space<vmem>>) semaphore(%arg61 : memref<!tpu.dma_semaphore, #tpu.memory_space<semaphore_mem>>)
      "tpu.region"() ({
        %run_scoped3A = tpu.sem_alloc : memref<!tpu.dma_semaphore, #tpu.memory_space<semaphore_mem>>
        %dma_start3A_490 = tpu.memref_slice %arg17[%add3A_13] : memref<507904xi32, #tpu.memory_space<hbm>> -> memref<256xi32, #tpu.memory_space<hbm>>
        %dma_start3A_491 = tpu.memref_slice %arg17[%add3A_13] : memref<507904xi32, #tpu.memory_space<hbm>> -> memref<256xi32, #tpu.memory_space<hbm>>
        tpu.enqueue_dma source(%arg44 : memref<256xi32, #tpu.memory_space<vmem>>) target(%dma_start3A_491 : memref<256xi32, #tpu.memory_space<hbm>>) target_semaphore(%run_scoped3A : memref<!tpu.dma_semaphore, #tpu.memory_space<semaphore_mem>>)
        %dma_wait3A_492 = tpu.memref_slice %arg17[%add3A_13] : memref<507904xi32, #tpu.memory_space<hbm>> -> memref<256xi32, #tpu.memory_space<hbm>>
        %dma_wait3A_493 = tpu.memref_slice %arg17[%add3A_13] : memref<507904xi32, #tpu.memory_space<hbm>> -> memref<256xi32, #tpu.memory_space<hbm>>
        tpu.wait_dma2 semaphore(%run_scoped3A : memref<!tpu.dma_semaphore, #tpu.memory_space<semaphore_mem>>) src(%arg44 : memref<256xi32, #tpu.memory_space<vmem>>) dst(%dma_wait3A_493 : memref<256xi32, #tpu.memory_space<hbm>>)
        tpu.yield
      }) : () -> ()
      %dma_start3A_286 = arith.constant 0 : i32
      %dma_start3A_287 = arith.constant 0 : i32
      %dma_start3A_288 = tpu.memref_slice %arg55[%dma_start3A_286, %dma_start3A_287] : memref<256x32xf32, #tpu.memory_space<vmem>> -> memref<128x32xf32, #tpu.memory_space<vmem>>
      %dma_start3A_289 = arith.constant 0 : i32
      %dma_start3A_290 = tpu.memref_slice %arg46[%dma_start3A_289] : memref<256xi32, #tpu.memory_space<vmem>> -> memref<128xi32, #tpu.memory_space<vmem>>
      %dma_start3A_291 = arith.constant 0 : i32
      %dma_start3A_292 = arith.constant 0 : i32
      %dma_start3A_293 = tpu.memref_slice %arg9[%dma_start3A_291, %dma_start3A_292] : memref<507904x32xf32, #tpu.memory_space<hbm>> -> memref<507904x32xf32, #tpu.memory_space<hbm>>
      tpu.enqueue_indirect_dma source(%dma_start3A_293 : memref<507904x32xf32, #tpu.memory_space<hbm>>) target(%dma_start3A_288 : memref<128x32xf32, #tpu.memory_space<vmem>>) offsets(%dma_start3A_290 : memref<128xi32, #tpu.memory_space<vmem>>) semaphore(%arg61 : memref<!tpu.dma_semaphore, #tpu.memory_space<semaphore_mem>>)
      %dma_start3A_294 = arith.constant 128 : i32
      %dma_start3A_295 = arith.constant 0 : i32
      %dma_start3A_296 = tpu.memref_slice %arg55[%dma_start3A_294, %dma_start3A_295] : memref<256x32xf32, #tpu.memory_space<vmem>> -> memref<128x32xf32, #tpu.memory_space<vmem>>
      %dma_start3A_297 = arith.constant 128 : i32
      %dma_start3A_298 = tpu.memref_slice %arg46[%dma_start3A_297] : memref<256xi32, #tpu.memory_space<vmem>> -> memref<128xi32, #tpu.memory_space<vmem>>
      %dma_start3A_299 = arith.constant 0 : i32
      %dma_start3A_300 = arith.constant 0 : i32
      %dma_start3A_301 = tpu.memref_slice %arg9[%dma_start3A_299, %dma_start3A_300] : memref<507904x32xf32, #tpu.memory_space<hbm>> -> memref<507904x32xf32, #tpu.memory_space<hbm>>
      tpu.enqueue_indirect_dma source(%dma_start3A_301 : memref<507904x32xf32, #tpu.memory_space<hbm>>) target(%dma_start3A_296 : memref<128x32xf32, #tpu.memory_space<vmem>>) offsets(%dma_start3A_298 : memref<128xi32, #tpu.memory_space<vmem>>) semaphore(%arg61 : memref<!tpu.dma_semaphore, #tpu.memory_space<semaphore_mem>>)
      "tpu.region"() ({
        %run_scoped3A = tpu.sem_alloc : memref<!tpu.dma_semaphore, #tpu.memory_space<semaphore_mem>>
        %dma_start3A_490 = tpu.memref_slice %arg18[%add3A_13] : memref<507904xi32, #tpu.memory_space<hbm>> -> memref<256xi32, #tpu.memory_space<hbm>>
        %dma_start3A_491 = tpu.memref_slice %arg18[%add3A_13] : memref<507904xi32, #tpu.memory_space<hbm>> -> memref<256xi32, #tpu.memory_space<hbm>>
        tpu.enqueue_dma source(%arg46 : memref<256xi32, #tpu.memory_space<vmem>>) target(%dma_start3A_491 : memref<256xi32, #tpu.memory_space<hbm>>) target_semaphore(%run_scoped3A : memref<!tpu.dma_semaphore, #tpu.memory_space<semaphore_mem>>)
        %dma_wait3A_492 = tpu.memref_slice %arg18[%add3A_13] : memref<507904xi32, #tpu.memory_space<hbm>> -> memref<256xi32, #tpu.memory_space<hbm>>
        %dma_wait3A_493 = tpu.memref_slice %arg18[%add3A_13] : memref<507904xi32, #tpu.memory_space<hbm>> -> memref<256xi32, #tpu.memory_space<hbm>>
        tpu.wait_dma2 semaphore(%run_scoped3A : memref<!tpu.dma_semaphore, #tpu.memory_space<semaphore_mem>>) src(%arg46 : memref<256xi32, #tpu.memory_space<vmem>>) dst(%dma_wait3A_493 : memref<256xi32, #tpu.memory_space<hbm>>)
        tpu.yield
      }) : () -> ()
      %dma_start3A_302 = arith.constant 0 : i32
      %dma_start3A_303 = arith.constant 0 : i32
      %dma_start3A_304 = tpu.memref_slice %arg56[%dma_start3A_302, %dma_start3A_303] : memref<256x32xf32, #tpu.memory_space<vmem>> -> memref<128x32xf32, #tpu.memory_space<vmem>>
      %dma_start3A_305 = arith.constant 0 : i32
      %dma_start3A_306 = tpu.memref_slice %arg47[%dma_start3A_305] : memref<256xi32, #tpu.memory_space<vmem>> -> memref<128xi32, #tpu.memory_space<vmem>>
      %dma_start3A_307 = arith.constant 0 : i32
      %dma_start3A_308 = arith.constant 0 : i32
      %dma_start3A_309 = tpu.memref_slice %arg10[%dma_start3A_307, %dma_start3A_308] : memref<507904x32xf32, #tpu.memory_space<hbm>> -> memref<507904x32xf32, #tpu.memory_space<hbm>>
      tpu.enqueue_indirect_dma source(%dma_start3A_309 : memref<507904x32xf32, #tpu.memory_space<hbm>>) target(%dma_start3A_304 : memref<128x32xf32, #tpu.memory_space<vmem>>) offsets(%dma_start3A_306 : memref<128xi32, #tpu.memory_space<vmem>>) semaphore(%arg61 : memref<!tpu.dma_semaphore, #tpu.memory_space<semaphore_mem>>)
      %dma_start3A_310 = arith.constant 128 : i32
      %dma_start3A_311 = arith.constant 0 : i32
      %dma_start3A_312 = tpu.memref_slice %arg56[%dma_start3A_310, %dma_start3A_311] : memref<256x32xf32, #tpu.memory_space<vmem>> -> memref<128x32xf32, #tpu.memory_space<vmem>>
      %dma_start3A_313 = arith.constant 128 : i32
      %dma_start3A_314 = tpu.memref_slice %arg47[%dma_start3A_313] : memref<256xi32, #tpu.memory_space<vmem>> -> memref<128xi32, #tpu.memory_space<vmem>>
      %dma_start3A_315 = arith.constant 0 : i32
      %dma_start3A_316 = arith.constant 0 : i32
      %dma_start3A_317 = tpu.memref_slice %arg10[%dma_start3A_315, %dma_start3A_316] : memref<507904x32xf32, #tpu.memory_space<hbm>> -> memref<507904x32xf32, #tpu.memory_space<hbm>>
      tpu.enqueue_indirect_dma source(%dma_start3A_317 : memref<507904x32xf32, #tpu.memory_space<hbm>>) target(%dma_start3A_312 : memref<128x32xf32, #tpu.memory_space<vmem>>) offsets(%dma_start3A_314 : memref<128xi32, #tpu.memory_space<vmem>>) semaphore(%arg61 : memref<!tpu.dma_semaphore, #tpu.memory_space<semaphore_mem>>)
      "tpu.region"() ({
        %run_scoped3A = tpu.sem_alloc : memref<!tpu.dma_semaphore, #tpu.memory_space<semaphore_mem>>
        %dma_start3A_490 = tpu.memref_slice %arg19[%add3A_13] : memref<507904xi32, #tpu.memory_space<hbm>> -> memref<256xi32, #tpu.memory_space<hbm>>
        %dma_start3A_491 = tpu.memref_slice %arg19[%add3A_13] : memref<507904xi32, #tpu.memory_space<hbm>> -> memref<256xi32, #tpu.memory_space<hbm>>
        tpu.enqueue_dma source(%arg47 : memref<256xi32, #tpu.memory_space<vmem>>) target(%dma_start3A_491 : memref<256xi32, #tpu.memory_space<hbm>>) target_semaphore(%run_scoped3A : memref<!tpu.dma_semaphore, #tpu.memory_space<semaphore_mem>>)
        %dma_wait3A_492 = tpu.memref_slice %arg19[%add3A_13] : memref<507904xi32, #tpu.memory_space<hbm>> -> memref<256xi32, #tpu.memory_space<hbm>>
        %dma_wait3A_493 = tpu.memref_slice %arg19[%add3A_13] : memref<507904xi32, #tpu.memory_space<hbm>> -> memref<256xi32, #tpu.memory_space<hbm>>
        tpu.wait_dma2 semaphore(%run_scoped3A : memref<!tpu.dma_semaphore, #tpu.memory_space<semaphore_mem>>) src(%arg47 : memref<256xi32, #tpu.memory_space<vmem>>) dst(%dma_wait3A_493 : memref<256xi32, #tpu.memory_space<hbm>>)
        tpu.yield
      }) : () -> ()
      %dma_start3A_318 = arith.constant 0 : i32
      %dma_start3A_319 = arith.constant 0 : i32
      %dma_start3A_320 = tpu.memref_slice %arg57[%dma_start3A_318, %dma_start3A_319] : memref<256x32xf32, #tpu.memory_space<vmem>> -> memref<128x32xf32, #tpu.memory_space<vmem>>
      %dma_start3A_321 = arith.constant 0 : i32
      %dma_start3A_322 = tpu.memref_slice %arg48[%dma_start3A_321] : memref<256xi32, #tpu.memory_space<vmem>> -> memref<128xi32, #tpu.memory_space<vmem>>
      %dma_start3A_323 = arith.constant 0 : i32
      %dma_start3A_324 = arith.constant 0 : i32
      %dma_start3A_325 = tpu.memref_slice %arg11[%dma_start3A_323, %dma_start3A_324] : memref<507904x32xf32, #tpu.memory_space<hbm>> -> memref<507904x32xf32, #tpu.memory_space<hbm>>
      tpu.enqueue_indirect_dma source(%dma_start3A_325 : memref<507904x32xf32, #tpu.memory_space<hbm>>) target(%dma_start3A_320 : memref<128x32xf32, #tpu.memory_space<vmem>>) offsets(%dma_start3A_322 : memref<128xi32, #tpu.memory_space<vmem>>) semaphore(%arg61 : memref<!tpu.dma_semaphore, #tpu.memory_space<semaphore_mem>>)
      %dma_start3A_326 = arith.constant 128 : i32
      %dma_start3A_327 = arith.constant 0 : i32
      %dma_start3A_328 = tpu.memref_slice %arg57[%dma_start3A_326, %dma_start3A_327] : memref<256x32xf32, #tpu.memory_space<vmem>> -> memref<128x32xf32, #tpu.memory_space<vmem>>
      %dma_start3A_329 = arith.constant 128 : i32
      %dma_start3A_330 = tpu.memref_slice %arg48[%dma_start3A_329] : memref<256xi32, #tpu.memory_space<vmem>> -> memref<128xi32, #tpu.memory_space<vmem>>
      %dma_start3A_331 = arith.constant 0 : i32
      %dma_start3A_332 = arith.constant 0 : i32
      %dma_start3A_333 = tpu.memref_slice %arg11[%dma_start3A_331, %dma_start3A_332] : memref<507904x32xf32, #tpu.memory_space<hbm>> -> memref<507904x32xf32, #tpu.memory_space<hbm>>
      tpu.enqueue_indirect_dma source(%dma_start3A_333 : memref<507904x32xf32, #tpu.memory_space<hbm>>) target(%dma_start3A_328 : memref<128x32xf32, #tpu.memory_space<vmem>>) offsets(%dma_start3A_330 : memref<128xi32, #tpu.memory_space<vmem>>) semaphore(%arg61 : memref<!tpu.dma_semaphore, #tpu.memory_space<semaphore_mem>>)
      "tpu.region"() ({
        %run_scoped3A = tpu.sem_alloc : memref<!tpu.dma_semaphore, #tpu.memory_space<semaphore_mem>>
        %dma_start3A_490 = tpu.memref_slice %arg20[%add3A_13] : memref<507904xi32, #tpu.memory_space<hbm>> -> memref<256xi32, #tpu.memory_space<hbm>>
        %dma_start3A_491 = tpu.memref_slice %arg20[%add3A_13] : memref<507904xi32, #tpu.memory_space<hbm>> -> memref<256xi32, #tpu.memory_space<hbm>>
        tpu.enqueue_dma source(%arg48 : memref<256xi32, #tpu.memory_space<vmem>>) target(%dma_start3A_491 : memref<256xi32, #tpu.memory_space<hbm>>) target_semaphore(%run_scoped3A : memref<!tpu.dma_semaphore, #tpu.memory_space<semaphore_mem>>)
        %dma_wait3A_492 = tpu.memref_slice %arg20[%add3A_13] : memref<507904xi32, #tpu.memory_space<hbm>> -> memref<256xi32, #tpu.memory_space<hbm>>
        %dma_wait3A_493 = tpu.memref_slice %arg20[%add3A_13] : memref<507904xi32, #tpu.memory_space<hbm>> -> memref<256xi32, #tpu.memory_space<hbm>>
        tpu.wait_dma2 semaphore(%run_scoped3A : memref<!tpu.dma_semaphore, #tpu.memory_space<semaphore_mem>>) src(%arg48 : memref<256xi32, #tpu.memory_space<vmem>>) dst(%dma_wait3A_493 : memref<256xi32, #tpu.memory_space<hbm>>)
        tpu.yield
      }) : () -> ()
      %dma_start3A_334 = arith.constant 0 : i32
      %dma_start3A_335 = arith.constant 0 : i32
      %dma_start3A_336 = tpu.memref_slice %arg58[%dma_start3A_334, %dma_start3A_335] : memref<256x32xf32, #tpu.memory_space<vmem>> -> memref<128x32xf32, #tpu.memory_space<vmem>>
      %dma_start3A_337 = arith.constant 0 : i32
      %dma_start3A_338 = tpu.memref_slice %arg49[%dma_start3A_337] : memref<256xi32, #tpu.memory_space<vmem>> -> memref<128xi32, #tpu.memory_space<vmem>>
      %dma_start3A_339 = arith.constant 0 : i32
      %dma_start3A_340 = arith.constant 0 : i32
      %dma_start3A_341 = tpu.memref_slice %arg12[%dma_start3A_339, %dma_start3A_340] : memref<507904x32xf32, #tpu.memory_space<hbm>> -> memref<507904x32xf32, #tpu.memory_space<hbm>>
      tpu.enqueue_indirect_dma source(%dma_start3A_341 : memref<507904x32xf32, #tpu.memory_space<hbm>>) target(%dma_start3A_336 : memref<128x32xf32, #tpu.memory_space<vmem>>) offsets(%dma_start3A_338 : memref<128xi32, #tpu.memory_space<vmem>>) semaphore(%arg61 : memref<!tpu.dma_semaphore, #tpu.memory_space<semaphore_mem>>)
      %dma_start3A_342 = arith.constant 128 : i32
      %dma_start3A_343 = arith.constant 0 : i32
      %dma_start3A_344 = tpu.memref_slice %arg58[%dma_start3A_342, %dma_start3A_343] : memref<256x32xf32, #tpu.memory_space<vmem>> -> memref<128x32xf32, #tpu.memory_space<vmem>>
      %dma_start3A_345 = arith.constant 128 : i32
      %dma_start3A_346 = tpu.memref_slice %arg49[%dma_start3A_345] : memref<256xi32, #tpu.memory_space<vmem>> -> memref<128xi32, #tpu.memory_space<vmem>>
      %dma_start3A_347 = arith.constant 0 : i32
      %dma_start3A_348 = arith.constant 0 : i32
      %dma_start3A_349 = tpu.memref_slice %arg12[%dma_start3A_347, %dma_start3A_348] : memref<507904x32xf32, #tpu.memory_space<hbm>> -> memref<507904x32xf32, #tpu.memory_space<hbm>>
      tpu.enqueue_indirect_dma source(%dma_start3A_349 : memref<507904x32xf32, #tpu.memory_space<hbm>>) target(%dma_start3A_344 : memref<128x32xf32, #tpu.memory_space<vmem>>) offsets(%dma_start3A_346 : memref<128xi32, #tpu.memory_space<vmem>>) semaphore(%arg61 : memref<!tpu.dma_semaphore, #tpu.memory_space<semaphore_mem>>)
      "tpu.region"() ({
        %run_scoped3A = tpu.sem_alloc : memref<!tpu.dma_semaphore, #tpu.memory_space<semaphore_mem>>
        %dma_start3A_490 = tpu.memref_slice %arg21[%add3A_13] : memref<507904xi32, #tpu.memory_space<hbm>> -> memref<256xi32, #tpu.memory_space<hbm>>
        %dma_start3A_491 = tpu.memref_slice %arg21[%add3A_13] : memref<507904xi32, #tpu.memory_space<hbm>> -> memref<256xi32, #tpu.memory_space<hbm>>
        tpu.enqueue_dma source(%arg49 : memref<256xi32, #tpu.memory_space<vmem>>) target(%dma_start3A_491 : memref<256xi32, #tpu.memory_space<hbm>>) target_semaphore(%run_scoped3A : memref<!tpu.dma_semaphore, #tpu.memory_space<semaphore_mem>>)
        %dma_wait3A_492 = tpu.memref_slice %arg21[%add3A_13] : memref<507904xi32, #tpu.memory_space<hbm>> -> memref<256xi32, #tpu.memory_space<hbm>>
        %dma_wait3A_493 = tpu.memref_slice %arg21[%add3A_13] : memref<507904xi32, #tpu.memory_space<hbm>> -> memref<256xi32, #tpu.memory_space<hbm>>
        tpu.wait_dma2 semaphore(%run_scoped3A : memref<!tpu.dma_semaphore, #tpu.memory_space<semaphore_mem>>) src(%arg49 : memref<256xi32, #tpu.memory_space<vmem>>) dst(%dma_wait3A_493 : memref<256xi32, #tpu.memory_space<hbm>>)
        tpu.yield
      }) : () -> ()
      %dma_wait3A_350 = arith.constant 0 : i32
      %dma_wait3A_351 = tpu.memref_slice %arg8[%add3A_13, %dma_wait3A_350] : memref<507904x32xf32, #tpu.memory_space<hbm>> -> memref<256x32xf32, #tpu.memory_space<hbm>>
      %dma_wait3A_352 = arith.constant 0 : i32
      %dma_wait3A_353 = tpu.memref_slice %arg8[%add3A_13, %dma_wait3A_352] : memref<507904x32xf32, #tpu.memory_space<hbm>> -> memref<256x32xf32, #tpu.memory_space<hbm>>
      tpu.wait_dma2 semaphore(%arg61 : memref<!tpu.dma_semaphore, #tpu.memory_space<semaphore_mem>>) src(%dma_wait3A_353 : memref<256x32xf32, #tpu.memory_space<hbm>>) dst(%arg54 : memref<256x32xf32, #tpu.memory_space<vmem>>)
      %dma_wait3A_354 = arith.constant 0 : i32
      %dma_wait3A_355 = arith.constant 0 : i32
      %dma_wait3A_356 = tpu.memref_slice %arg50[%dma_wait3A_354, %dma_wait3A_355] : memref<256x32xf32, #tpu.memory_space<vmem>> -> memref<128x32xf32, #tpu.memory_space<vmem>>
      %dma_wait3A_357 = arith.constant 0 : i32
      %dma_wait3A_358 = tpu.memref_slice %arg41[%dma_wait3A_357] : memref<256xi32, #tpu.memory_space<vmem>> -> memref<128xi32, #tpu.memory_space<vmem>>
      %dma_wait3A_359 = arith.constant 0 : i32
      %dma_wait3A_360 = arith.constant 0 : i32
      %dma_wait3A_361 = tpu.memref_slice %arg4[%dma_wait3A_359, %dma_wait3A_360] : memref<507904x32xf32, #tpu.memory_space<hbm>> -> memref<507904x32xf32, #tpu.memory_space<hbm>>
      tpu.wait_indirect_dma semaphore(%arg61 : memref<!tpu.dma_semaphore, #tpu.memory_space<semaphore_mem>>) src(%dma_wait3A_361 : memref<507904x32xf32, #tpu.memory_space<hbm>>) dst(%dma_wait3A_356 : memref<128x32xf32, #tpu.memory_space<vmem>>)
      %dma_wait3A_362 = arith.constant 128 : i32
      %dma_wait3A_363 = arith.constant 0 : i32
      %dma_wait3A_364 = tpu.memref_slice %arg50[%dma_wait3A_362, %dma_wait3A_363] : memref<256x32xf32, #tpu.memory_space<vmem>> -> memref<128x32xf32, #tpu.memory_space<vmem>>
      %dma_wait3A_365 = arith.constant 128 : i32
      %dma_wait3A_366 = tpu.memref_slice %arg41[%dma_wait3A_365] : memref<256xi32, #tpu.memory_space<vmem>> -> memref<128xi32, #tpu.memory_space<vmem>>
      %dma_wait3A_367 = arith.constant 0 : i32
      %dma_wait3A_368 = arith.constant 0 : i32
      %dma_wait3A_369 = tpu.memref_slice %arg4[%dma_wait3A_367, %dma_wait3A_368] : memref<507904x32xf32, #tpu.memory_space<hbm>> -> memref<507904x32xf32, #tpu.memory_space<hbm>>
      tpu.wait_indirect_dma semaphore(%arg61 : memref<!tpu.dma_semaphore, #tpu.memory_space<semaphore_mem>>) src(%dma_wait3A_369 : memref<507904x32xf32, #tpu.memory_space<hbm>>) dst(%dma_wait3A_364 : memref<128x32xf32, #tpu.memory_space<vmem>>)
      %dma_wait3A_370 = arith.constant 0 : i32
      %dma_wait3A_371 = arith.constant 0 : i32
      %dma_wait3A_372 = tpu.memref_slice %arg51[%dma_wait3A_370, %dma_wait3A_371] : memref<256x32xf32, #tpu.memory_space<vmem>> -> memref<128x32xf32, #tpu.memory_space<vmem>>
      %dma_wait3A_373 = arith.constant 0 : i32
      %dma_wait3A_374 = tpu.memref_slice %arg42[%dma_wait3A_373] : memref<256xi32, #tpu.memory_space<vmem>> -> memref<128xi32, #tpu.memory_space<vmem>>
      %dma_wait3A_375 = arith.constant 0 : i32
      %dma_wait3A_376 = arith.constant 0 : i32
      %dma_wait3A_377 = tpu.memref_slice %arg5[%dma_wait3A_375, %dma_wait3A_376] : memref<507904x32xf32, #tpu.memory_space<hbm>> -> memref<507904x32xf32, #tpu.memory_space<hbm>>
      tpu.wait_indirect_dma semaphore(%arg61 : memref<!tpu.dma_semaphore, #tpu.memory_space<semaphore_mem>>) src(%dma_wait3A_377 : memref<507904x32xf32, #tpu.memory_space<hbm>>) dst(%dma_wait3A_372 : memref<128x32xf32, #tpu.memory_space<vmem>>)
      %dma_wait3A_378 = arith.constant 128 : i32
      %dma_wait3A_379 = arith.constant 0 : i32
      %dma_wait3A_380 = tpu.memref_slice %arg51[%dma_wait3A_378, %dma_wait3A_379] : memref<256x32xf32, #tpu.memory_space<vmem>> -> memref<128x32xf32, #tpu.memory_space<vmem>>
      %dma_wait3A_381 = arith.constant 128 : i32
      %dma_wait3A_382 = tpu.memref_slice %arg42[%dma_wait3A_381] : memref<256xi32, #tpu.memory_space<vmem>> -> memref<128xi32, #tpu.memory_space<vmem>>
      %dma_wait3A_383 = arith.constant 0 : i32
      %dma_wait3A_384 = arith.constant 0 : i32
      %dma_wait3A_385 = tpu.memref_slice %arg5[%dma_wait3A_383, %dma_wait3A_384] : memref<507904x32xf32, #tpu.memory_space<hbm>> -> memref<507904x32xf32, #tpu.memory_space<hbm>>
      tpu.wait_indirect_dma semaphore(%arg61 : memref<!tpu.dma_semaphore, #tpu.memory_space<semaphore_mem>>) src(%dma_wait3A_385 : memref<507904x32xf32, #tpu.memory_space<hbm>>) dst(%dma_wait3A_380 : memref<128x32xf32, #tpu.memory_space<vmem>>)
      %dma_wait3A_386 = arith.constant 0 : i32
      %dma_wait3A_387 = arith.constant 0 : i32
      %dma_wait3A_388 = tpu.memref_slice %arg52[%dma_wait3A_386, %dma_wait3A_387] : memref<256x32xf32, #tpu.memory_space<vmem>> -> memref<128x32xf32, #tpu.memory_space<vmem>>
      %dma_wait3A_389 = arith.constant 0 : i32
      %dma_wait3A_390 = tpu.memref_slice %arg43[%dma_wait3A_389] : memref<256xi32, #tpu.memory_space<vmem>> -> memref<128xi32, #tpu.memory_space<vmem>>
      %dma_wait3A_391 = arith.constant 0 : i32
      %dma_wait3A_392 = arith.constant 0 : i32
      %dma_wait3A_393 = tpu.memref_slice %arg6[%dma_wait3A_391, %dma_wait3A_392] : memref<507904x32xf32, #tpu.memory_space<hbm>> -> memref<507904x32xf32, #tpu.memory_space<hbm>>
      tpu.wait_indirect_dma semaphore(%arg61 : memref<!tpu.dma_semaphore, #tpu.memory_space<semaphore_mem>>) src(%dma_wait3A_393 : memref<507904x32xf32, #tpu.memory_space<hbm>>) dst(%dma_wait3A_388 : memref<128x32xf32, #tpu.memory_space<vmem>>)
      %dma_wait3A_394 = arith.constant 128 : i32
      %dma_wait3A_395 = arith.constant 0 : i32
      %dma_wait3A_396 = tpu.memref_slice %arg52[%dma_wait3A_394, %dma_wait3A_395] : memref<256x32xf32, #tpu.memory_space<vmem>> -> memref<128x32xf32, #tpu.memory_space<vmem>>
      %dma_wait3A_397 = arith.constant 128 : i32
      %dma_wait3A_398 = tpu.memref_slice %arg43[%dma_wait3A_397] : memref<256xi32, #tpu.memory_space<vmem>> -> memref<128xi32, #tpu.memory_space<vmem>>
      %dma_wait3A_399 = arith.constant 0 : i32
      %dma_wait3A_400 = arith.constant 0 : i32
      %dma_wait3A_401 = tpu.memref_slice %arg6[%dma_wait3A_399, %dma_wait3A_400] : memref<507904x32xf32, #tpu.memory_space<hbm>> -> memref<507904x32xf32, #tpu.memory_space<hbm>>
      tpu.wait_indirect_dma semaphore(%arg61 : memref<!tpu.dma_semaphore, #tpu.memory_space<semaphore_mem>>) src(%dma_wait3A_401 : memref<507904x32xf32, #tpu.memory_space<hbm>>) dst(%dma_wait3A_396 : memref<128x32xf32, #tpu.memory_space<vmem>>)
      %dma_wait3A_402 = arith.constant 0 : i32
      %dma_wait3A_403 = arith.constant 0 : i32
      %dma_wait3A_404 = tpu.memref_slice %arg53[%dma_wait3A_402, %dma_wait3A_403] : memref<256x32xf32, #tpu.memory_space<vmem>> -> memref<128x32xf32, #tpu.memory_space<vmem>>
      %dma_wait3A_405 = arith.constant 0 : i32
      %dma_wait3A_406 = tpu.memref_slice %arg44[%dma_wait3A_405] : memref<256xi32, #tpu.memory_space<vmem>> -> memref<128xi32, #tpu.memory_space<vmem>>
      %dma_wait3A_407 = arith.constant 0 : i32
      %dma_wait3A_408 = arith.constant 0 : i32
      %dma_wait3A_409 = tpu.memref_slice %arg7[%dma_wait3A_407, %dma_wait3A_408] : memref<507904x32xf32, #tpu.memory_space<hbm>> -> memref<507904x32xf32, #tpu.memory_space<hbm>>
      tpu.wait_indirect_dma semaphore(%arg61 : memref<!tpu.dma_semaphore, #tpu.memory_space<semaphore_mem>>) src(%dma_wait3A_409 : memref<507904x32xf32, #tpu.memory_space<hbm>>) dst(%dma_wait3A_404 : memref<128x32xf32, #tpu.memory_space<vmem>>)
      %dma_wait3A_410 = arith.constant 128 : i32
      %dma_wait3A_411 = arith.constant 0 : i32
      %dma_wait3A_412 = tpu.memref_slice %arg53[%dma_wait3A_410, %dma_wait3A_411] : memref<256x32xf32, #tpu.memory_space<vmem>> -> memref<128x32xf32, #tpu.memory_space<vmem>>
      %dma_wait3A_413 = arith.constant 128 : i32
      %dma_wait3A_414 = tpu.memref_slice %arg44[%dma_wait3A_413] : memref<256xi32, #tpu.memory_space<vmem>> -> memref<128xi32, #tpu.memory_space<vmem>>
      %dma_wait3A_415 = arith.constant 0 : i32
      %dma_wait3A_416 = arith.constant 0 : i32
      %dma_wait3A_417 = tpu.memref_slice %arg7[%dma_wait3A_415, %dma_wait3A_416] : memref<507904x32xf32, #tpu.memory_space<hbm>> -> memref<507904x32xf32, #tpu.memory_space<hbm>>
      tpu.wait_indirect_dma semaphore(%arg61 : memref<!tpu.dma_semaphore, #tpu.memory_space<semaphore_mem>>) src(%dma_wait3A_417 : memref<507904x32xf32, #tpu.memory_space<hbm>>) dst(%dma_wait3A_412 : memref<128x32xf32, #tpu.memory_space<vmem>>)
      %dma_wait3A_418 = arith.constant 0 : i32
      %dma_wait3A_419 = arith.constant 0 : i32
      %dma_wait3A_420 = tpu.memref_slice %arg55[%dma_wait3A_418, %dma_wait3A_419] : memref<256x32xf32, #tpu.memory_space<vmem>> -> memref<128x32xf32, #tpu.memory_space<vmem>>
      %dma_wait3A_421 = arith.constant 0 : i32
      %dma_wait3A_422 = tpu.memref_slice %arg46[%dma_wait3A_421] : memref<256xi32, #tpu.memory_space<vmem>> -> memref<128xi32, #tpu.memory_space<vmem>>
      %dma_wait3A_423 = arith.constant 0 : i32
      %dma_wait3A_424 = arith.constant 0 : i32
      %dma_wait3A_425 = tpu.memref_slice %arg9[%dma_wait3A_423, %dma_wait3A_424] : memref<507904x32xf32, #tpu.memory_space<hbm>> -> memref<507904x32xf32, #tpu.memory_space<hbm>>
      tpu.wait_indirect_dma semaphore(%arg61 : memref<!tpu.dma_semaphore, #tpu.memory_space<semaphore_mem>>) src(%dma_wait3A_425 : memref<507904x32xf32, #tpu.memory_space<hbm>>) dst(%dma_wait3A_420 : memref<128x32xf32, #tpu.memory_space<vmem>>)
      %dma_wait3A_426 = arith.constant 128 : i32
      %dma_wait3A_427 = arith.constant 0 : i32
      %dma_wait3A_428 = tpu.memref_slice %arg55[%dma_wait3A_426, %dma_wait3A_427] : memref<256x32xf32, #tpu.memory_space<vmem>> -> memref<128x32xf32, #tpu.memory_space<vmem>>
      %dma_wait3A_429 = arith.constant 128 : i32
      %dma_wait3A_430 = tpu.memref_slice %arg46[%dma_wait3A_429] : memref<256xi32, #tpu.memory_space<vmem>> -> memref<128xi32, #tpu.memory_space<vmem>>
      %dma_wait3A_431 = arith.constant 0 : i32
      %dma_wait3A_432 = arith.constant 0 : i32
      %dma_wait3A_433 = tpu.memref_slice %arg9[%dma_wait3A_431, %dma_wait3A_432] : memref<507904x32xf32, #tpu.memory_space<hbm>> -> memref<507904x32xf32, #tpu.memory_space<hbm>>
      tpu.wait_indirect_dma semaphore(%arg61 : memref<!tpu.dma_semaphore, #tpu.memory_space<semaphore_mem>>) src(%dma_wait3A_433 : memref<507904x32xf32, #tpu.memory_space<hbm>>) dst(%dma_wait3A_428 : memref<128x32xf32, #tpu.memory_space<vmem>>)
      %dma_wait3A_434 = arith.constant 0 : i32
      %dma_wait3A_435 = arith.constant 0 : i32
      %dma_wait3A_436 = tpu.memref_slice %arg56[%dma_wait3A_434, %dma_wait3A_435] : memref<256x32xf32, #tpu.memory_space<vmem>> -> memref<128x32xf32, #tpu.memory_space<vmem>>
      %dma_wait3A_437 = arith.constant 0 : i32
      %dma_wait3A_438 = tpu.memref_slice %arg47[%dma_wait3A_437] : memref<256xi32, #tpu.memory_space<vmem>> -> memref<128xi32, #tpu.memory_space<vmem>>
      %dma_wait3A_439 = arith.constant 0 : i32
      %dma_wait3A_440 = arith.constant 0 : i32
      %dma_wait3A_441 = tpu.memref_slice %arg10[%dma_wait3A_439, %dma_wait3A_440] : memref<507904x32xf32, #tpu.memory_space<hbm>> -> memref<507904x32xf32, #tpu.memory_space<hbm>>
      tpu.wait_indirect_dma semaphore(%arg61 : memref<!tpu.dma_semaphore, #tpu.memory_space<semaphore_mem>>) src(%dma_wait3A_441 : memref<507904x32xf32, #tpu.memory_space<hbm>>) dst(%dma_wait3A_436 : memref<128x32xf32, #tpu.memory_space<vmem>>)
      %dma_wait3A_442 = arith.constant 128 : i32
      %dma_wait3A_443 = arith.constant 0 : i32
      %dma_wait3A_444 = tpu.memref_slice %arg56[%dma_wait3A_442, %dma_wait3A_443] : memref<256x32xf32, #tpu.memory_space<vmem>> -> memref<128x32xf32, #tpu.memory_space<vmem>>
      %dma_wait3A_445 = arith.constant 128 : i32
      %dma_wait3A_446 = tpu.memref_slice %arg47[%dma_wait3A_445] : memref<256xi32, #tpu.memory_space<vmem>> -> memref<128xi32, #tpu.memory_space<vmem>>
      %dma_wait3A_447 = arith.constant 0 : i32
      %dma_wait3A_448 = arith.constant 0 : i32
      %dma_wait3A_449 = tpu.memref_slice %arg10[%dma_wait3A_447, %dma_wait3A_448] : memref<507904x32xf32, #tpu.memory_space<hbm>> -> memref<507904x32xf32, #tpu.memory_space<hbm>>
      tpu.wait_indirect_dma semaphore(%arg61 : memref<!tpu.dma_semaphore, #tpu.memory_space<semaphore_mem>>) src(%dma_wait3A_449 : memref<507904x32xf32, #tpu.memory_space<hbm>>) dst(%dma_wait3A_444 : memref<128x32xf32, #tpu.memory_space<vmem>>)
      %dma_wait3A_450 = arith.constant 0 : i32
      %dma_wait3A_451 = arith.constant 0 : i32
      %dma_wait3A_452 = tpu.memref_slice %arg57[%dma_wait3A_450, %dma_wait3A_451] : memref<256x32xf32, #tpu.memory_space<vmem>> -> memref<128x32xf32, #tpu.memory_space<vmem>>
      %dma_wait3A_453 = arith.constant 0 : i32
      %dma_wait3A_454 = tpu.memref_slice %arg48[%dma_wait3A_453] : memref<256xi32, #tpu.memory_space<vmem>> -> memref<128xi32, #tpu.memory_space<vmem>>
      %dma_wait3A_455 = arith.constant 0 : i32
      %dma_wait3A_456 = arith.constant 0 : i32
      %dma_wait3A_457 = tpu.memref_slice %arg11[%dma_wait3A_455, %dma_wait3A_456] : memref<507904x32xf32, #tpu.memory_space<hbm>> -> memref<507904x32xf32, #tpu.memory_space<hbm>>
      tpu.wait_indirect_dma semaphore(%arg61 : memref<!tpu.dma_semaphore, #tpu.memory_space<semaphore_mem>>) src(%dma_wait3A_457 : memref<507904x32xf32, #tpu.memory_space<hbm>>) dst(%dma_wait3A_452 : memref<128x32xf32, #tpu.memory_space<vmem>>)
      %dma_wait3A_458 = arith.constant 128 : i32
      %dma_wait3A_459 = arith.constant 0 : i32
      %dma_wait3A_460 = tpu.memref_slice %arg57[%dma_wait3A_458, %dma_wait3A_459] : memref<256x32xf32, #tpu.memory_space<vmem>> -> memref<128x32xf32, #tpu.memory_space<vmem>>
      %dma_wait3A_461 = arith.constant 128 : i32
      %dma_wait3A_462 = tpu.memref_slice %arg48[%dma_wait3A_461] : memref<256xi32, #tpu.memory_space<vmem>> -> memref<128xi32, #tpu.memory_space<vmem>>
      %dma_wait3A_463 = arith.constant 0 : i32
      %dma_wait3A_464 = arith.constant 0 : i32
      %dma_wait3A_465 = tpu.memref_slice %arg11[%dma_wait3A_463, %dma_wait3A_464] : memref<507904x32xf32, #tpu.memory_space<hbm>> -> memref<507904x32xf32, #tpu.memory_space<hbm>>
      tpu.wait_indirect_dma semaphore(%arg61 : memref<!tpu.dma_semaphore, #tpu.memory_space<semaphore_mem>>) src(%dma_wait3A_465 : memref<507904x32xf32, #tpu.memory_space<hbm>>) dst(%dma_wait3A_460 : memref<128x32xf32, #tpu.memory_space<vmem>>)
      %dma_wait3A_466 = arith.constant 0 : i32
      %dma_wait3A_467 = arith.constant 0 : i32
      %dma_wait3A_468 = tpu.memref_slice %arg58[%dma_wait3A_466, %dma_wait3A_467] : memref<256x32xf32, #tpu.memory_space<vmem>> -> memref<128x32xf32, #tpu.memory_space<vmem>>
      %dma_wait3A_469 = arith.constant 0 : i32
      %dma_wait3A_470 = tpu.memref_slice %arg49[%dma_wait3A_469] : memref<256xi32, #tpu.memory_space<vmem>> -> memref<128xi32, #tpu.memory_space<vmem>>
      %dma_wait3A_471 = arith.constant 0 : i32
      %dma_wait3A_472 = arith.constant 0 : i32
      %dma_wait3A_473 = tpu.memref_slice %arg12[%dma_wait3A_471, %dma_wait3A_472] : memref<507904x32xf32, #tpu.memory_space<hbm>> -> memref<507904x32xf32, #tpu.memory_space<hbm>>
      tpu.wait_indirect_dma semaphore(%arg61 : memref<!tpu.dma_semaphore, #tpu.memory_space<semaphore_mem>>) src(%dma_wait3A_473 : memref<507904x32xf32, #tpu.memory_space<hbm>>) dst(%dma_wait3A_468 : memref<128x32xf32, #tpu.memory_space<vmem>>)
      %dma_wait3A_474 = arith.constant 128 : i32
      %dma_wait3A_475 = arith.constant 0 : i32
      %dma_wait3A_476 = tpu.memref_slice %arg58[%dma_wait3A_474, %dma_wait3A_475] : memref<256x32xf32, #tpu.memory_space<vmem>> -> memref<128x32xf32, #tpu.memory_space<vmem>>
      %dma_wait3A_477 = arith.constant 128 : i32
      %dma_wait3A_478 = tpu.memref_slice %arg49[%dma_wait3A_477] : memref<256xi32, #tpu.memory_space<vmem>> -> memref<128xi32, #tpu.memory_space<vmem>>
      %dma_wait3A_479 = arith.constant 0 : i32
      %dma_wait3A_480 = arith.constant 0 : i32
      %dma_wait3A_481 = tpu.memref_slice %arg12[%dma_wait3A_479, %dma_wait3A_480] : memref<507904x32xf32, #tpu.memory_space<hbm>> -> memref<507904x32xf32, #tpu.memory_space<hbm>>
      tpu.wait_indirect_dma semaphore(%arg61 : memref<!tpu.dma_semaphore, #tpu.memory_space<semaphore_mem>>) src(%dma_wait3A_481 : memref<507904x32xf32, #tpu.memory_space<hbm>>) dst(%dma_wait3A_476 : memref<128x32xf32, #tpu.memory_space<vmem>>)
      %scan3A_482 = arith.constant 0 : i32
      %scan3A_483 = arith.constant 0 : i32
      %scan3A_484 = arith.constant 256 : i32
      %scan3A_485 = arith.addi %scan3A_483, %scan3A_484 : i32
      %scan3A_486 = arith.constant 1 : i32
      %scan3A_487 = scf.for %scan3A_490 = %scan3A_483 to %scan3A_485 step %scan3A_486 iter_args(%scan3A_491 = %scan3A_482) -> (i32)  : i32 {
        %get3A = arith.index_cast %scan3A_490 : i32 to index
        %get3A_492 = arith.constant 0 : index
        %get3A_493 = tpu.vector_load %arg50[%get3A, %get3A_492] {strides = array<i32>} : memref<256x32xf32, #tpu.memory_space<vmem>>, vector<1x16xf32>,
        %get3A_494 = vector.shape_cast %get3A_493 : vector<1x16xf32> to vector<16xf32>
        %get3A_495 = arith.index_cast %scan3A_490 : i32 to index
        %get3A_496 = arith.constant 0 : index
        %get3A_497 = tpu.vector_load %arg51[%get3A_495, %get3A_496] {strides = array<i32>} : memref<256x32xf32, #tpu.memory_space<vmem>>, vector<1x16xf32>,
        %get3A_498 = vector.shape_cast %get3A_497 : vector<1x16xf32> to vector<16xf32>
        %add3A_499 = arith.addf %get3A_494, %get3A_498 : vector<16xf32>
        %get3A_500 = arith.index_cast %scan3A_490 : i32 to index
        %get3A_501 = arith.constant 0 : index
        %get3A_502 = tpu.vector_load %arg52[%get3A_500, %get3A_501] {strides = array<i32>} : memref<256x32xf32, #tpu.memory_space<vmem>>, vector<1x16xf32>,
        %get3A_503 = vector.shape_cast %get3A_502 : vector<1x16xf32> to vector<16xf32>
        %add3A_504 = arith.addf %add3A_499, %get3A_503 : vector<16xf32>
        %get3A_505 = arith.index_cast %scan3A_490 : i32 to index
        %get3A_506 = arith.constant 0 : index
        %get3A_507 = tpu.vector_load %arg53[%get3A_505, %get3A_506] {strides = array<i32>} : memref<256x32xf32, #tpu.memory_space<vmem>>, vector<1x16xf32>,
        %get3A_508 = vector.shape_cast %get3A_507 : vector<1x16xf32> to vector<16xf32>
        %add3A_509 = arith.addf %add3A_504, %get3A_508 : vector<16xf32>
        %get3A_510 = arith.index_cast %scan3A_490 : i32 to index
        %get3A_511 = arith.constant 0 : index
        %get3A_512 = tpu.vector_load %arg54[%get3A_510, %get3A_511] {strides = array<i32>} : memref<256x32xf32, #tpu.memory_space<vmem>>, vector<1x16xf32>,
        %get3A_513 = vector.shape_cast %get3A_512 : vector<1x16xf32> to vector<16xf32>
        %add3A_514 = arith.addf %add3A_509, %get3A_513 : vector<16xf32>
        %get3A_515 = arith.index_cast %scan3A_490 : i32 to index
        %get3A_516 = arith.constant 0 : index
        %get3A_517 = tpu.vector_load %arg55[%get3A_515, %get3A_516] {strides = array<i32>} : memref<256x32xf32, #tpu.memory_space<vmem>>, vector<1x16xf32>,
        %get3A_518 = vector.shape_cast %get3A_517 : vector<1x16xf32> to vector<16xf32>
        %add3A_519 = arith.addf %add3A_514, %get3A_518 : vector<16xf32>
        %get3A_520 = arith.index_cast %scan3A_490 : i32 to index
        %get3A_521 = arith.constant 0 : index
        %get3A_522 = tpu.vector_load %arg56[%get3A_520, %get3A_521] {strides = array<i32>} : memref<256x32xf32, #tpu.memory_space<vmem>>, vector<1x16xf32>,
        %get3A_523 = vector.shape_cast %get3A_522 : vector<1x16xf32> to vector<16xf32>
        %add3A_524 = arith.addf %add3A_519, %get3A_523 : vector<16xf32>
        %get3A_525 = arith.index_cast %scan3A_490 : i32 to index
        %get3A_526 = arith.constant 0 : index
        %get3A_527 = tpu.vector_load %arg57[%get3A_525, %get3A_526] {strides = array<i32>} : memref<256x32xf32, #tpu.memory_space<vmem>>, vector<1x16xf32>,
        %get3A_528 = vector.shape_cast %get3A_527 : vector<1x16xf32> to vector<16xf32>
        %add3A_529 = arith.addf %add3A_524, %get3A_528 : vector<16xf32>
        %get3A_530 = arith.index_cast %scan3A_490 : i32 to index
        %get3A_531 = arith.constant 0 : index
        %get3A_532 = tpu.vector_load %arg58[%get3A_530, %get3A_531] {strides = array<i32>} : memref<256x32xf32, #tpu.memory_space<vmem>>, vector<1x16xf32>,
        %get3A_533 = vector.shape_cast %get3A_532 : vector<1x16xf32> to vector<16xf32>
        %add3A_534 = arith.addf %add3A_529, %get3A_533 : vector<16xf32>
        %swap3A = arith.index_cast %scan3A_490 : i32 to index
        %swap3A_535 = arith.constant 0 : index
        %swap3A_536 = tpu.vector_load %arg59[%swap3A, %swap3A_535] {strides = array<i32>} : memref<256x32xf32, #tpu.memory_space<vmem>>, vector<1x16xf32>,
        %swap3A_537 = vector.shape_cast %swap3A_536 : vector<1x16xf32> to vector<16xf32>
        %swap3A_538 = vector.shape_cast %add3A_534 : vector<16xf32> to vector<1x16xf32>
        tpu.vector_store %arg59[%swap3A, %swap3A_535], %swap3A_538 {strides = array<i32>} : memref<256x32xf32, #tpu.memory_space<vmem>>, vector<1x16xf32>,
        %get3A_539 = arith.index_cast %scan3A_490 : i32 to index
        %get3A_540 = arith.constant 16 : index
        %get3A_541 = tpu.vector_load %arg50[%get3A_539, %get3A_540] {strides = array<i32>} : memref<256x32xf32, #tpu.memory_space<vmem>>, vector<1x16xf32>,
        %get3A_542 = vector.shape_cast %get3A_541 : vector<1x16xf32> to vector<16xf32>
        %get3A_543 = arith.index_cast %scan3A_490 : i32 to index
        %get3A_544 = arith.constant 16 : index
        %get3A_545 = tpu.vector_load %arg51[%get3A_543, %get3A_544] {strides = array<i32>} : memref<256x32xf32, #tpu.memory_space<vmem>>, vector<1x16xf32>,
        %get3A_546 = vector.shape_cast %get3A_545 : vector<1x16xf32> to vector<16xf32>
        %add3A_547 = arith.addf %get3A_542, %get3A_546 : vector<16xf32>
        %get3A_548 = arith.index_cast %scan3A_490 : i32 to index
        %get3A_549 = arith.constant 16 : index
        %get3A_550 = tpu.vector_load %arg52[%get3A_548, %get3A_549] {strides = array<i32>} : memref<256x32xf32, #tpu.memory_space<vmem>>, vector<1x16xf32>,
        %get3A_551 = vector.shape_cast %get3A_550 : vector<1x16xf32> to vector<16xf32>
        %add3A_552 = arith.addf %add3A_547, %get3A_551 : vector<16xf32>
        %get3A_553 = arith.index_cast %scan3A_490 : i32 to index
        %get3A_554 = arith.constant 16 : index
        %get3A_555 = tpu.vector_load %arg53[%get3A_553, %get3A_554] {strides = array<i32>} : memref<256x32xf32, #tpu.memory_space<vmem>>, vector<1x16xf32>,
        %get3A_556 = vector.shape_cast %get3A_555 : vector<1x16xf32> to vector<16xf32>
        %add3A_557 = arith.addf %add3A_552, %get3A_556 : vector<16xf32>
        %get3A_558 = arith.index_cast %scan3A_490 : i32 to index
        %get3A_559 = arith.constant 16 : index
        %get3A_560 = tpu.vector_load %arg54[%get3A_558, %get3A_559] {strides = array<i32>} : memref<256x32xf32, #tpu.memory_space<vmem>>, vector<1x16xf32>,
        %get3A_561 = vector.shape_cast %get3A_560 : vector<1x16xf32> to vector<16xf32>
        %add3A_562 = arith.addf %add3A_557, %get3A_561 : vector<16xf32>
        %get3A_563 = arith.index_cast %scan3A_490 : i32 to index
        %get3A_564 = arith.constant 16 : index
        %get3A_565 = tpu.vector_load %arg55[%get3A_563, %get3A_564] {strides = array<i32>} : memref<256x32xf32, #tpu.memory_space<vmem>>, vector<1x16xf32>,
        %get3A_566 = vector.shape_cast %get3A_565 : vector<1x16xf32> to vector<16xf32>
        %add3A_567 = arith.addf %add3A_562, %get3A_566 : vector<16xf32>
        %get3A_568 = arith.index_cast %scan3A_490 : i32 to index
        %get3A_569 = arith.constant 16 : index
        %get3A_570 = tpu.vector_load %arg56[%get3A_568, %get3A_569] {strides = array<i32>} : memref<256x32xf32, #tpu.memory_space<vmem>>, vector<1x16xf32>,
        %get3A_571 = vector.shape_cast %get3A_570 : vector<1x16xf32> to vector<16xf32>
        %add3A_572 = arith.addf %add3A_567, %get3A_571 : vector<16xf32>
        %get3A_573 = arith.index_cast %scan3A_490 : i32 to index
        %get3A_574 = arith.constant 16 : index
        %get3A_575 = tpu.vector_load %arg57[%get3A_573, %get3A_574] {strides = array<i32>} : memref<256x32xf32, #tpu.memory_space<vmem>>, vector<1x16xf32>,
        %get3A_576 = vector.shape_cast %get3A_575 : vector<1x16xf32> to vector<16xf32>
        %add3A_577 = arith.addf %add3A_572, %get3A_576 : vector<16xf32>
        %get3A_578 = arith.index_cast %scan3A_490 : i32 to index
        %get3A_579 = arith.constant 16 : index
        %get3A_580 = tpu.vector_load %arg58[%get3A_578, %get3A_579] {strides = array<i32>} : memref<256x32xf32, #tpu.memory_space<vmem>>, vector<1x16xf32>,
        %get3A_581 = vector.shape_cast %get3A_580 : vector<1x16xf32> to vector<16xf32>
        %add3A_582 = arith.addf %add3A_577, %get3A_581 : vector<16xf32>
        %swap3A_583 = arith.index_cast %scan3A_490 : i32 to index
        %swap3A_584 = arith.constant 16 : index
        %swap3A_585 = tpu.vector_load %arg59[%swap3A_583, %swap3A_584] {strides = array<i32>} : memref<256x32xf32, #tpu.memory_space<vmem>>, vector<1x16xf32>,
        %swap3A_586 = vector.shape_cast %swap3A_585 : vector<1x16xf32> to vector<16xf32>
        %swap3A_587 = vector.shape_cast %add3A_582 : vector<16xf32> to vector<1x16xf32>
        tpu.vector_store %arg59[%swap3A_583, %swap3A_584], %swap3A_587 {strides = array<i32>} : memref<256x32xf32, #tpu.memory_space<vmem>>, vector<1x16xf32>,
        %scan3A_588 = arith.constant 0 : i32
        scf.yield %scan3A_588 : i32
      }
      %scan3A_488 = arith.constant 256 : i32
      "tpu.region"() ({
        %run_scoped3A = tpu.sem_alloc : memref<!tpu.dma_semaphore, #tpu.memory_space<semaphore_mem>>
        %dma_start3A_490 = arith.constant 0 : i32
        %dma_start3A_491 = tpu.memref_slice %arg13[%add3A_13, %dma_start3A_490] : memref<507904x32xf32, #tpu.memory_space<hbm>> -> memref<256x32xf32, #tpu.memory_space<hbm>>
        %dma_start3A_492 = arith.constant 0 : i32
        %dma_start3A_493 = tpu.memref_slice %arg13[%add3A_13, %dma_start3A_492] : memref<507904x32xf32, #tpu.memory_space<hbm>> -> memref<256x32xf32, #tpu.memory_space<hbm>>
        tpu.enqueue_dma source(%arg59 : memref<256x32xf32, #tpu.memory_space<vmem>>) target(%dma_start3A_493 : memref<256x32xf32, #tpu.memory_space<hbm>>) target_semaphore(%run_scoped3A : memref<!tpu.dma_semaphore, #tpu.memory_space<semaphore_mem>>)
        %dma_wait3A_494 = arith.constant 0 : i32
        %dma_wait3A_495 = tpu.memref_slice %arg13[%add3A_13, %dma_wait3A_494] : memref<507904x32xf32, #tpu.memory_space<hbm>> -> memref<256x32xf32, #tpu.memory_space<hbm>>
        %dma_wait3A_496 = arith.constant 0 : i32
        %dma_wait3A_497 = tpu.memref_slice %arg13[%add3A_13, %dma_wait3A_496] : memref<507904x32xf32, #tpu.memory_space<hbm>> -> memref<256x32xf32, #tpu.memory_space<hbm>>
        tpu.wait_dma2 semaphore(%run_scoped3A : memref<!tpu.dma_semaphore, #tpu.memory_space<semaphore_mem>>) src(%arg59 : memref<256x32xf32, #tpu.memory_space<vmem>>) dst(%dma_wait3A_497 : memref<256x32xf32, #tpu.memory_space<hbm>>)
        tpu.yield
      }) : () -> ()
      %scan3A_489 = arith.constant 0 : i32
      scf.yield %scan3A_489 : i32
    }
    %scan3A_6 = arith.constant 62 : i32
    return
  }
}

module attributes {stable_mosaic.version = 14 : i64} {
  func.func @_dense_taps_body(%arg0: i32, %arg1: memref<512x32xf32, #tpu.memory_space<vmem>>, %arg2: memref<1x32xf32, #tpu.memory_space<vmem>>, %arg3: memref<1x32xf32, #tpu.memory_space<vmem>>, %arg4: memref<32x288xf32, #tpu.memory_space<vmem>>, %arg5: memref<512x32xf32, #tpu.memory_space<vmem>>, %arg6: memref<512x32xf32, #tpu.memory_space<vmem>>, %arg7: memref<512x32xf32, #tpu.memory_space<vmem>>, %arg8: memref<512x32xf32, #tpu.memory_space<vmem>>, %arg9: memref<512x32xf32, #tpu.memory_space<vmem>>, %arg10: memref<512x32xf32, #tpu.memory_space<vmem>>, %arg11: memref<512x32xf32, #tpu.memory_space<vmem>>, %arg12: memref<512x32xf32, #tpu.memory_space<vmem>>, %arg13: memref<512x32xf32, #tpu.memory_space<vmem>>) attributes {dimension_semantics = [#tpu.dimension_semantics<arbitrary>], iteration_bounds = array<i64: 992>, scalar_prefetch = 0 : i64, scratch_operands = 0 : i64, tpu.core_type = #tpu.core_type<tc>, window_params = [{transform_indices = @transform_0, window_bounds = array<i64: 512, 32>}, {pipeline_mode = #tpu.pipeline_mode<synchronous>, transform_indices = @transform_1, window_bounds = array<i64: 1, 32>}, {pipeline_mode = #tpu.pipeline_mode<synchronous>, transform_indices = @transform_2, window_bounds = array<i64: 1, 32>}, {pipeline_mode = #tpu.pipeline_mode<synchronous>, transform_indices = @transform_3, window_bounds = array<i64: 32, 288>}, {transform_indices = @transform_4, window_bounds = array<i64: 512, 32>}, {transform_indices = @transform_5, window_bounds = array<i64: 512, 32>}, {transform_indices = @transform_6, window_bounds = array<i64: 512, 32>}, {transform_indices = @transform_7, window_bounds = array<i64: 512, 32>}, {transform_indices = @transform_8, window_bounds = array<i64: 512, 32>}, {transform_indices = @transform_9, window_bounds = array<i64: 512, 32>}, {transform_indices = @transform_10, window_bounds = array<i64: 512, 32>}, {transform_indices = @transform_11, window_bounds = array<i64: 512, 32>}, {transform_indices = @transform_12, window_bounds = array<i64: 512, 32>}]} {
    %mul3A = arith.constant 512 : i32
    %mul3A_0 = arith.muli %arg0, %mul3A : i32
    %iota3A = tpu.iota {dimensions = array<i32: 0>} : vector<512x1xi32>
    %add3A = vector.broadcast %mul3A_0 : i32 to vector<512x1xi32>
    %add3A_1 = arith.addi %add3A, %iota3A : vector<512x1xi32>
    %get3A = arith.constant 0 : index
    %get3A_2 = arith.constant 0 : index
    %get3A_3 = vector.load %arg1[%get3A, %get3A_2] : memref<512x32xf32, #tpu.memory_space<vmem>>, vector<512x32xf32>
    %get3A_4 = arith.constant 0 : index
    %get3A_5 = arith.constant 0 : index
    %get3A_6 = vector.load %arg2[%get3A_4, %get3A_5] : memref<1x32xf32, #tpu.memory_space<vmem>>, vector<1x32xf32>
    %mul3A_7 = vector.broadcast %get3A_6 : vector<1x32xf32> to vector<512x32xf32>
    %mul3A_8 = arith.mulf %get3A_3, %mul3A_7 : vector<512x32xf32>
    %get3A_9 = arith.constant 0 : index
    %get3A_10 = arith.constant 0 : index
    %get3A_11 = vector.load %arg3[%get3A_9, %get3A_10] : memref<1x32xf32, #tpu.memory_space<vmem>>, vector<1x32xf32>
    %add3A_12 = vector.broadcast %get3A_11 : vector<1x32xf32> to vector<512x32xf32>
    %add3A_13 = arith.addf %mul3A_8, %add3A_12 : vector<512x32xf32>
    %max3A = arith.constant 0.000000e+00 : f32
    %max3A_14 = vector.broadcast %max3A : f32 to vector<512x32xf32>
    %max3A_15 = arith.maximumf %add3A_13, %max3A_14 : vector<512x32xf32>
    %get3A_16 = arith.constant 0 : index
    %get3A_17 = arith.constant 0 : index
    %get3A_18 = vector.load %arg4[%get3A_16, %get3A_17] : memref<32x288xf32, #tpu.memory_space<vmem>>, vector<32x288xf32>
    %dot_general3A = arith.constant dense<0.000000e+00> : vector<512x288xf32>
    %dot_general3A_19 = tpu.matmul %max3A_15, %get3A_18, %dot_general3A {dimension_numbers = #tpu.dot_dimension_numbers<[1], [0], [0], [1], [0, 0, 1, 1], [], []>, transpose_lhs_hint = false} : vector<512x32xf32>, vector<32x288xf32>, vector<512x288xf32> -> vector<512x288xf32>
    %lt3A = arith.constant 500000 : i32
    %lt3A_20 = vector.broadcast %lt3A : i32 to vector<512x1xi32>
    %lt3A_21 = arith.cmpi slt, %add3A_1, %lt3A_20 : vector<512x1xi32>
    %jit3A = arith.constant 0.000000e+00 : f32
    %broadcast_in_dim3A = vector.shape_cast %lt3A_21 : vector<512x1xi1> to vector<512x1xi1>
    %broadcast_in_dim3A_22 = vector.broadcast %broadcast_in_dim3A : vector<512x1xi1> to vector<512x288xi1>
    %broadcast_in_dim3A_23 = vector.broadcast %jit3A : f32 to vector<512x288xf32>
    %select_n3A = arith.select %broadcast_in_dim3A_22, %dot_general3A_19, %broadcast_in_dim3A_23 : vector<512x288xi1>, vector<512x288xf32>
    %slice3A = vector.extract_strided_slice %select_n3A {offsets = [0, 0], sizes = [512, 32], strides = [1, 1]} : vector<512x288xf32> to vector<512x32xf32>
    %swap3A = arith.constant 0 : index
    %swap3A_24 = arith.constant 0 : index
    %swap3A_25 = vector.load %arg5[%swap3A, %swap3A_24] : memref<512x32xf32, #tpu.memory_space<vmem>>, vector<512x32xf32>
    tpu.vector_store %arg5[%swap3A, %swap3A_24], %slice3A {strides = array<i32>} : memref<512x32xf32, #tpu.memory_space<vmem>>, vector<512x32xf32>,
    %slice3A_26 = vector.extract_strided_slice %select_n3A {offsets = [0, 32], sizes = [512, 32], strides = [1, 1]} : vector<512x288xf32> to vector<512x32xf32>
    %swap3A_27 = arith.constant 0 : index
    %swap3A_28 = arith.constant 0 : index
    %swap3A_29 = vector.load %arg6[%swap3A_27, %swap3A_28] : memref<512x32xf32, #tpu.memory_space<vmem>>, vector<512x32xf32>
    tpu.vector_store %arg6[%swap3A_27, %swap3A_28], %slice3A_26 {strides = array<i32>} : memref<512x32xf32, #tpu.memory_space<vmem>>, vector<512x32xf32>,
    %slice3A_30 = vector.extract_strided_slice %select_n3A {offsets = [0, 64], sizes = [512, 32], strides = [1, 1]} : vector<512x288xf32> to vector<512x32xf32>
    %swap3A_31 = arith.constant 0 : index
    %swap3A_32 = arith.constant 0 : index
    %swap3A_33 = vector.load %arg7[%swap3A_31, %swap3A_32] : memref<512x32xf32, #tpu.memory_space<vmem>>, vector<512x32xf32>
    tpu.vector_store %arg7[%swap3A_31, %swap3A_32], %slice3A_30 {strides = array<i32>} : memref<512x32xf32, #tpu.memory_space<vmem>>, vector<512x32xf32>,
    %slice3A_34 = vector.extract_strided_slice %select_n3A {offsets = [0, 96], sizes = [512, 32], strides = [1, 1]} : vector<512x288xf32> to vector<512x32xf32>
    %swap3A_35 = arith.constant 0 : index
    %swap3A_36 = arith.constant 0 : index
    %swap3A_37 = vector.load %arg8[%swap3A_35, %swap3A_36] : memref<512x32xf32, #tpu.memory_space<vmem>>, vector<512x32xf32>
    tpu.vector_store %arg8[%swap3A_35, %swap3A_36], %slice3A_34 {strides = array<i32>} : memref<512x32xf32, #tpu.memory_space<vmem>>, vector<512x32xf32>,
    %slice3A_38 = vector.extract_strided_slice %select_n3A {offsets = [0, 128], sizes = [512, 32], strides = [1, 1]} : vector<512x288xf32> to vector<512x32xf32>
    %swap3A_39 = arith.constant 0 : index
    %swap3A_40 = arith.constant 0 : index
    %swap3A_41 = vector.load %arg9[%swap3A_39, %swap3A_40] : memref<512x32xf32, #tpu.memory_space<vmem>>, vector<512x32xf32>
    tpu.vector_store %arg9[%swap3A_39, %swap3A_40], %slice3A_38 {strides = array<i32>} : memref<512x32xf32, #tpu.memory_space<vmem>>, vector<512x32xf32>,
    %slice3A_42 = vector.extract_strided_slice %select_n3A {offsets = [0, 160], sizes = [512, 32], strides = [1, 1]} : vector<512x288xf32> to vector<512x32xf32>
    %swap3A_43 = arith.constant 0 : index
    %swap3A_44 = arith.constant 0 : index
    %swap3A_45 = vector.load %arg10[%swap3A_43, %swap3A_44] : memref<512x32xf32, #tpu.memory_space<vmem>>, vector<512x32xf32>
    tpu.vector_store %arg10[%swap3A_43, %swap3A_44], %slice3A_42 {strides = array<i32>} : memref<512x32xf32, #tpu.memory_space<vmem>>, vector<512x32xf32>,
    %slice3A_46 = vector.extract_strided_slice %select_n3A {offsets = [0, 192], sizes = [512, 32], strides = [1, 1]} : vector<512x288xf32> to vector<512x32xf32>
    %swap3A_47 = arith.constant 0 : index
    %swap3A_48 = arith.constant 0 : index
    %swap3A_49 = vector.load %arg11[%swap3A_47, %swap3A_48] : memref<512x32xf32, #tpu.memory_space<vmem>>, vector<512x32xf32>
    tpu.vector_store %arg11[%swap3A_47, %swap3A_48], %slice3A_46 {strides = array<i32>} : memref<512x32xf32, #tpu.memory_space<vmem>>, vector<512x32xf32>,
    %slice3A_50 = vector.extract_strided_slice %select_n3A {offsets = [0, 224], sizes = [512, 32], strides = [1, 1]} : vector<512x288xf32> to vector<512x32xf32>
    %swap3A_51 = arith.constant 0 : index
    %swap3A_52 = arith.constant 0 : index
    %swap3A_53 = vector.load %arg12[%swap3A_51, %swap3A_52] : memref<512x32xf32, #tpu.memory_space<vmem>>, vector<512x32xf32>
    tpu.vector_store %arg12[%swap3A_51, %swap3A_52], %slice3A_50 {strides = array<i32>} : memref<512x32xf32, #tpu.memory_space<vmem>>, vector<512x32xf32>,
    %slice3A_54 = vector.extract_strided_slice %select_n3A {offsets = [0, 256], sizes = [512, 32], strides = [1, 1]} : vector<512x288xf32> to vector<512x32xf32>
    %swap3A_55 = arith.constant 0 : index
    %swap3A_56 = arith.constant 0 : index
    %swap3A_57 = vector.load %arg13[%swap3A_55, %swap3A_56] : memref<512x32xf32, #tpu.memory_space<vmem>>, vector<512x32xf32>
    tpu.vector_store %arg13[%swap3A_55, %swap3A_56], %slice3A_54 {strides = array<i32>} : memref<512x32xf32, #tpu.memory_space<vmem>>, vector<512x32xf32>,
    return
  }
  func.func @transform_0(%arg0: i32) -> (i32, i32) {
    %c0_i32 = arith.constant 0 : i32
    %c0_i32_0 = arith.constant 0 : i32
    return %arg0, %c0_i32 : i32, i32
  }
  func.func @transform_1(%arg0: i32) -> (i32, i32) {
    %c0_i32 = arith.constant 0 : i32
    %c0_i32_0 = arith.constant 0 : i32
    %c0_i32_1 = arith.constant 0 : i32
    return %c0_i32, %c0_i32_0 : i32, i32
  }
  func.func @transform_2(%arg0: i32) -> (i32, i32) {
    %c0_i32 = arith.constant 0 : i32
    %c0_i32_0 = arith.constant 0 : i32
    %c0_i32_1 = arith.constant 0 : i32
    return %c0_i32, %c0_i32_0 : i32, i32
  }
  func.func @transform_3(%arg0: i32) -> (i32, i32) {
    %c0_i32 = arith.constant 0 : i32
    %c0_i32_0 = arith.constant 0 : i32
    %c0_i32_1 = arith.constant 0 : i32
    return %c0_i32, %c0_i32_0 : i32, i32
  }
  func.func @transform_4(%arg0: i32) -> (i32, i32) {
    %c0_i32 = arith.constant 0 : i32
    %c0_i32_0 = arith.constant 0 : i32
    return %arg0, %c0_i32 : i32, i32
  }
  func.func @transform_5(%arg0: i32) -> (i32, i32) {
    %c0_i32 = arith.constant 0 : i32
    %c0_i32_0 = arith.constant 0 : i32
    return %arg0, %c0_i32 : i32, i32
  }
  func.func @transform_6(%arg0: i32) -> (i32, i32) {
    %c0_i32 = arith.constant 0 : i32
    %c0_i32_0 = arith.constant 0 : i32
    return %arg0, %c0_i32 : i32, i32
  }
  func.func @transform_7(%arg0: i32) -> (i32, i32) {
    %c0_i32 = arith.constant 0 : i32
    %c0_i32_0 = arith.constant 0 : i32
    return %arg0, %c0_i32 : i32, i32
  }
  func.func @transform_8(%arg0: i32) -> (i32, i32) {
    %c0_i32 = arith.constant 0 : i32
    %c0_i32_0 = arith.constant 0 : i32
    return %arg0, %c0_i32 : i32, i32
  }
  func.func @transform_9(%arg0: i32) -> (i32, i32) {
    %c0_i32 = arith.constant 0 : i32
    %c0_i32_0 = arith.constant 0 : i32
    return %arg0, %c0_i32 : i32, i32
  }
  func.func @transform_10(%arg0: i32) -> (i32, i32) {
    %c0_i32 = arith.constant 0 : i32
    %c0_i32_0 = arith.constant 0 : i32
    return %arg0, %c0_i32 : i32, i32
  }
  func.func @transform_11(%arg0: i32) -> (i32, i32) {
    %c0_i32 = arith.constant 0 : i32
    %c0_i32_0 = arith.constant 0 : i32
    return %arg0, %c0_i32 : i32, i32
  }
  func.func @transform_12(%arg0: i32) -> (i32, i32) {
    %c0_i32 = arith.constant 0 : i32
    %c0_i32_0 = arith.constant 0 : i32
    return %arg0, %c0_i32 : i32, i32
  }
}

module attributes {stable_mosaic.version = 14 : i64} {
  func.func @_pool_body(%arg0: i32, %arg1: memref<512x32xf32, #tpu.memory_space<vmem>>, %arg2: memref<1x1x512xi32, #tpu.memory_space<vmem>>, %arg3: memref<16x32xf32, #tpu.memory_space<vmem>>, %arg4: memref<16x128xf32, #tpu.memory_space<vmem>>) attributes {dimension_semantics = [#tpu.dimension_semantics<arbitrary>], iteration_bounds = array<i64: 992>, scalar_prefetch = 0 : i64, scratch_operands = 0 : i64, tpu.core_type = #tpu.core_type<tc>, window_params = [{transform_indices = @transform_0, window_bounds = array<i64: 512, 32>}, {transform_indices = @transform_1, window_bounds = array<i64: 1, 1, 512>}, {pipeline_mode = #tpu.pipeline_mode<synchronous>, transform_indices = @transform_2, window_bounds = array<i64: 16, 32>}, {pipeline_mode = #tpu.pipeline_mode<synchronous>, transform_indices = @transform_3, window_bounds = array<i64: 16, 128>}]} {
    %get3A = arith.constant 0 : index
    %get3A_0 = arith.constant 0 : index
    %get3A_1 = arith.constant 0 : index
    %get3A_2 = vector.load %arg2[%get3A, %get3A_0, %get3A_1] : memref<1x1x512xi32, #tpu.memory_space<vmem>>, vector<1x1x512xi32>
    %get3A_3 = vector.shape_cast %get3A_2 : vector<1x1x512xi32> to vector<512xi32>
    %broadcast_in_dim3A = vector.shape_cast %get3A_3 : vector<512xi32> to vector<1x512xi32>
    %iota3A = tpu.iota {dimensions = array<i32: 0>} : vector<16x512xi32>
    %eq3A = vector.broadcast %broadcast_in_dim3A : vector<1x512xi32> to vector<16x512xi32>
    %eq3A_4 = arith.cmpi eq, %eq3A, %iota3A : vector<16x512xi32>
    %convert_element_type3A = arith.extui %eq3A_4 : vector<16x512xi1> to vector<16x512xi32>
    %convert_element_type3A_5 = arith.sitofp %convert_element_type3A : vector<16x512xi32> to vector<16x512xf32>
    %eq3A_6 = arith.constant 0 : i32
    %eq3A_7 = arith.cmpi eq, %arg0, %eq3A_6 : i32
    %convert_element_type3A_8 = arith.extui %eq3A_7 : i1 to i32
    %cond3A = arith.constant 0 : i32
    %cond3A_9 = arith.cmpi ne, %convert_element_type3A_8, %cond3A : i32
    scf.if %cond3A_9 {
      %broadcast_in_dim3A_30 = arith.constant 0.000000e+00 : f32
      %broadcast_in_dim3A_31 = vector.broadcast %broadcast_in_dim3A_30 : f32 to vector<16x32xf32>
      %swap3A_32 = arith.constant 0 : index
      %swap3A_33 = arith.constant 0 : index
      %swap3A_34 = vector.load %arg3[%swap3A_32, %swap3A_33] : memref<16x32xf32, #tpu.memory_space<vmem>>, vector<16x32xf32>
      tpu.vector_store %arg3[%swap3A_32, %swap3A_33], %broadcast_in_dim3A_31 {strides = array<i32>} : memref<16x32xf32, #tpu.memory_space<vmem>>, vector<16x32xf32>,
      %broadcast_in_dim3A_35 = arith.constant 0.000000e+00 : f32
      %broadcast_in_dim3A_36 = vector.broadcast %broadcast_in_dim3A_35 : f32 to vector<16x128xf32>
      %swap3A_37 = arith.constant 0 : index
      %swap3A_38 = arith.constant 0 : index
      %swap3A_39 = vector.load %arg4[%swap3A_37, %swap3A_38] : memref<16x128xf32, #tpu.memory_space<vmem>>, vector<16x128xf32>
      tpu.vector_store %arg4[%swap3A_37, %swap3A_38], %broadcast_in_dim3A_36 {strides = array<i32>} : memref<16x128xf32, #tpu.memory_space<vmem>>, vector<16x128xf32>,
    } else {
    }
    %get3A_10 = arith.constant 0 : index
    %get3A_11 = arith.constant 0 : index
    %get3A_12 = vector.load %arg3[%get3A_10, %get3A_11] : memref<16x32xf32, #tpu.memory_space<vmem>>, vector<16x32xf32>
    %get3A_13 = arith.constant 0 : index
    %get3A_14 = arith.constant 0 : index
    %get3A_15 = vector.load %arg1[%get3A_13, %get3A_14] : memref<512x32xf32, #tpu.memory_space<vmem>>, vector<512x32xf32>
    %dot_general3A = arith.constant dense<0.000000e+00> : vector<16x32xf32>
    %dot_general3A_16 = tpu.matmul %convert_element_type3A_5, %get3A_15, %dot_general3A {dimension_numbers = #tpu.dot_dimension_numbers<[1], [0], [0], [1], [0, 0, 1, 1], [], []>, transpose_lhs_hint = false} : vector<16x512xf32>, vector<512x32xf32>, vector<16x32xf32> -> vector<16x32xf32>
    %add3A = arith.addf %get3A_12, %dot_general3A_16 : vector<16x32xf32>
    %swap3A = arith.constant 0 : index
    %swap3A_17 = arith.constant 0 : index
    %swap3A_18 = vector.load %arg3[%swap3A, %swap3A_17] : memref<16x32xf32, #tpu.memory_space<vmem>>, vector<16x32xf32>
    tpu.vector_store %arg3[%swap3A, %swap3A_17], %add3A {strides = array<i32>} : memref<16x32xf32, #tpu.memory_space<vmem>>, vector<16x32xf32>,
    %get3A_19 = arith.constant 0 : index
    %get3A_20 = arith.constant 0 : index
    %get3A_21 = vector.load %arg4[%get3A_19, %get3A_20] : memref<16x128xf32, #tpu.memory_space<vmem>>, vector<16x128xf32>
    %reduce_sum3A = arith.constant dense<0.000000e+00> : vector<16xf32>
    %reduce_sum3A_22 = vector.multi_reduction <add>, %convert_element_type3A_5, %reduce_sum3A [1] : vector<16x512xf32> to vector<16xf32>
    %broadcast_in_dim3A_23 = vector.shape_cast %reduce_sum3A_22 : vector<16xf32> to vector<16x1xf32>
    %broadcast_in_dim3A_24 = vector.shape_cast %broadcast_in_dim3A_23 : vector<16x1xf32> to vector<16x1xf32>
    %broadcast_in_dim3A_25 = vector.broadcast %broadcast_in_dim3A_24 : vector<16x1xf32> to vector<16x128xf32>
    %add3A_26 = arith.addf %get3A_21, %broadcast_in_dim3A_25 : vector<16x128xf32>
    %swap3A_27 = arith.constant 0 : index
    %swap3A_28 = arith.constant 0 : index
    %swap3A_29 = vector.load %arg4[%swap3A_27, %swap3A_28] : memref<16x128xf32, #tpu.memory_space<vmem>>, vector<16x128xf32>
    tpu.vector_store %arg4[%swap3A_27, %swap3A_28], %add3A_26 {strides = array<i32>} : memref<16x128xf32, #tpu.memory_space<vmem>>, vector<16x128xf32>,
    return
  }
  func.func @transform_0(%arg0: i32) -> (i32, i32) {
    %c0_i32 = arith.constant 0 : i32
    %c0_i32_0 = arith.constant 0 : i32
    return %arg0, %c0_i32 : i32, i32
  }
  func.func @transform_1(%arg0: i32) -> (i32, i32, i32) {
    %c0_i32 = arith.constant 0 : i32
    %c0_i32_0 = arith.constant 0 : i32
    %c0_i32_1 = arith.constant 0 : i32
    return %arg0, %c0_i32, %c0_i32_0 : i32, i32, i32
  }
  func.func @transform_2(%arg0: i32) -> (i32, i32) {
    %c0_i32 = arith.constant 0 : i32
    %c0_i32_0 = arith.constant 0 : i32
    %c0_i32_1 = arith.constant 0 : i32
    return %c0_i32, %c0_i32_0 : i32, i32
  }
  func.func @transform_3(%arg0: i32) -> (i32, i32) {
    %c0_i32 = arith.constant 0 : i32
    %c0_i32_0 = arith.constant 0 : i32
    %c0_i32_1 = arith.constant 0 : i32
    return %c0_i32, %c0_i32_0 : i32, i32
  }
}

module attributes {stable_mosaic.version = 14 : i64} {
  func.func @_finish_body(%arg0: i32, %arg1: memref<512x32xf32, #tpu.memory_space<vmem>>, %arg2: memref<512x32xf32, #tpu.memory_space<vmem>>, %arg3: memref<1x1x512xi32, #tpu.memory_space<vmem>>, %arg4: memref<16x32xf32, #tpu.memory_space<vmem>>, %arg5: memref<512x32xf32, #tpu.memory_space<vmem>>) attributes {dimension_semantics = [#tpu.dimension_semantics<arbitrary>], iteration_bounds = array<i64: 992>, scalar_prefetch = 0 : i64, scratch_operands = 0 : i64, tpu.core_type = #tpu.core_type<tc>, window_params = [{transform_indices = @transform_0, window_bounds = array<i64: 512, 32>}, {transform_indices = @transform_1, window_bounds = array<i64: 512, 32>}, {transform_indices = @transform_2, window_bounds = array<i64: 1, 1, 512>}, {pipeline_mode = #tpu.pipeline_mode<synchronous>, transform_indices = @transform_3, window_bounds = array<i64: 16, 32>}, {transform_indices = @transform_4, window_bounds = array<i64: 512, 32>}]} {
    %get3A = arith.constant 0 : index
    %get3A_0 = arith.constant 0 : index
    %get3A_1 = arith.constant 0 : index
    %get3A_2 = vector.load %arg3[%get3A, %get3A_0, %get3A_1] : memref<1x1x512xi32, #tpu.memory_space<vmem>>, vector<1x1x512xi32>
    %get3A_3 = vector.shape_cast %get3A_2 : vector<1x1x512xi32> to vector<512xi32>
    %broadcast_in_dim3A = vector.shape_cast %get3A_3 : vector<512xi32> to vector<512x1xi32>
    %iota3A = tpu.iota {dimensions = array<i32: 1>} : vector<512x16xi32>
    %eq3A = vector.broadcast %broadcast_in_dim3A : vector<512x1xi32> to vector<512x16xi32>
    %eq3A_4 = arith.cmpi eq, %eq3A, %iota3A : vector<512x16xi32>
    %convert_element_type3A = arith.extui %eq3A_4 : vector<512x16xi1> to vector<512x16xi32>
    %convert_element_type3A_5 = arith.sitofp %convert_element_type3A : vector<512x16xi32> to vector<512x16xf32>
    %get3A_6 = arith.constant 0 : index
    %get3A_7 = arith.constant 0 : index
    %get3A_8 = vector.load %arg4[%get3A_6, %get3A_7] : memref<16x32xf32, #tpu.memory_space<vmem>>, vector<16x32xf32>
    %dot_general3A = arith.constant dense<0.000000e+00> : vector<512x32xf32>
    %dot_general3A_9 = tpu.matmul %convert_element_type3A_5, %get3A_8, %dot_general3A {dimension_numbers = #tpu.dot_dimension_numbers<[1], [0], [0], [1], [0, 0, 1, 1], [], []>, transpose_lhs_hint = false} : vector<512x16xf32>, vector<16x32xf32>, vector<512x32xf32> -> vector<512x32xf32>
    %get3A_10 = arith.constant 0 : index
    %get3A_11 = arith.constant 0 : index
    %get3A_12 = vector.load %arg1[%get3A_10, %get3A_11] : memref<512x32xf32, #tpu.memory_space<vmem>>, vector<512x32xf32>
    %mul3A = arith.mulf %get3A_12, %dot_general3A_9 : vector<512x32xf32>
    %get3A_13 = arith.constant 0 : index
    %get3A_14 = arith.constant 0 : index
    %get3A_15 = vector.load %arg2[%get3A_13, %get3A_14] : memref<512x32xf32, #tpu.memory_space<vmem>>, vector<512x32xf32>
    %add3A = arith.addf %mul3A, %get3A_15 : vector<512x32xf32>
    %swap3A = arith.constant 0 : index
    %swap3A_16 = arith.constant 0 : index
    %swap3A_17 = vector.load %arg5[%swap3A, %swap3A_16] : memref<512x32xf32, #tpu.memory_space<vmem>>, vector<512x32xf32>
    tpu.vector_store %arg5[%swap3A, %swap3A_16], %add3A {strides = array<i32>} : memref<512x32xf32, #tpu.memory_space<vmem>>, vector<512x32xf32>,
    return
  }
  func.func @transform_0(%arg0: i32) -> (i32, i32) {
    %c0_i32 = arith.constant 0 : i32
    %c0_i32_0 = arith.constant 0 : i32
    return %arg0, %c0_i32 : i32, i32
  }
  func.func @transform_1(%arg0: i32) -> (i32, i32) {
    %c0_i32 = arith.constant 0 : i32
    %c0_i32_0 = arith.constant 0 : i32
    return %arg0, %c0_i32 : i32, i32
  }
  func.func @transform_2(%arg0: i32) -> (i32, i32, i32) {
    %c0_i32 = arith.constant 0 : i32
    %c0_i32_0 = arith.constant 0 : i32
    %c0_i32_1 = arith.constant 0 : i32
    return %arg0, %c0_i32, %c0_i32_0 : i32, i32, i32
  }
  func.func @transform_3(%arg0: i32) -> (i32, i32) {
    %c0_i32 = arith.constant 0 : i32
    %c0_i32_0 = arith.constant 0 : i32
    %c0_i32_1 = arith.constant 0 : i32
    return %c0_i32, %c0_i32_0 : i32, i32
  }
  func.func @transform_4(%arg0: i32) -> (i32, i32) {
    %c0_i32 = arith.constant 0 : i32
    %c0_i32_0 = arith.constant 0 : i32
    return %arg0, %c0_i32 : i32, i32
  }
}

</mosaic_0001>

<sc_bundles>
// kernel: kernel.11.cloned.1.call-start
scs
__scs_entry_jumppad:
0x0: {  	(pc) =	sbr.rel $0x88, $3  }
0x1: {  	(tag) =	ssettag $0x0;
	lr =	simm.s32 $0x1  }
0x2: {  	[smem:$0x3F91] =	sst lr;
	_ =	strace $0xD0000000  }
0x3: {  	_ = 	snop  }
0x4: {  	_ = 	snop  }
0x5: {  	_ = 	snop  }
0x6: {  	_ = 	snop  }
0x7: {  	_ = 	snop  }
__scs_overlays_trampoline_lowered:
0x8: {  	[smem:$0x3FA0] =	sst s0  }
0x9: {  	[smem:$0x3FA1] =	sst s1  }
0xa: {  	[smem:$0x3FA2] =	sst s2  }
0xb: {  	[smem:$0x3FA3] =	sst s3  }
0xc: {  	[smem:$0x3FA4] =	sst s4  }
0xd: {  	[smem:$0x3FA5] =	sst s5  }
0xe: {  	[smem:$0x3FA6] =	sst s6  }
0xf: {  	[smem:$0x3FA7] =	sst s7  }
0x10: {  	[smem:$0x3FA8] =	sst s8  }
0x11: {  	[smem:$0x3FA9] =	sst s9;
	s0 =	simm.s32 @!p0 $0x0  }
0x12: {  	s1 =	sld [smem:$0x3F8F];
	s0 =	simm.s32 @p0 $0x1  }
0x13: {  	[smem:$0x3FAA] =	sst s0;
	s0 =	simm.s32 @!p1 $0x0  }
0x14: {  	s2 =	sld [smem:$0x3F8E];
	s0 =	simm.s32 @p1 $0x1  }
0x15: {  	[smem:$0x3FAB] =	sst s0;
	s0 =	simm.s32 @!p2 $0x0  }
0x16: {  	s3 =	sld [smem:$0x3FDB];
	s0 =	simm.s32 @p2 $0x1  }
0x17: {  	s4 =	simm.s32 $0x1BF5;
	[smem:$0x3FAD] =	sst s0  }
0x18: {  	s0 =	sld [smem:$0x3F90];
	_ =	swait.ge [sflag:s4], $0x0  }
0x19: {  	s7 =	sld [smem:$0x3F91]  }
0x1a: {  	s8 =	sadd.s32 $0xFFFFE003, lr  }
0x1b: {  	s9 =	sadd.s32 $0xFFFFFEF7, lr;
	s5 =	simm.s32 $0xFFFFFFFF;
	p2 =	slt.u32 s8, $0xFFFFF086  }
0x1c: {  	p1 =	slt.u32 s9, $0xF7A;
	s5 =	simm.s32 @!p2 $0x0  }
0x1d: {  	s5 =	simm.s32 @p1 $0x1;
	p0 =	seq.s32 s7, s2  }
0x1e: {  	s7 =	smul.u32 @!p0 $0xF7A, s2;
	p2 =	seq.s32 @!p0 s5, $0x0  }
0x1f: {  	s9 =	smul.u32 $0xF7A, s1;
	s8 =	simm.s32 @!p0 $0x1BF5;
	p2 =	por !p2, p0  }
0x20: {  	[sflag:s8] =	ssyncset.s32 @!p0 $0xFFFFF086;
	s6 =	sadd.s32 @!p0 s3, s7;
	s7 =	simm.s32 @!p0 $0x108  }
0x21: {  	s3 =	sadd.s32 s3, s9;
	s6 =	sadd.s32 @!p0 $0x88, s6;
	s7 =	simm.s32 @p2 $0x1082  }
0x22: {  	[simem:s7], [sflag:s8] =	dma.local @!p0 [hbm:s6], $0xF7A  }
0x23: {  	s9 =	sor.u32 $0xD0000000, s2;
	s6 =	simm.s32 $0x108;
	_ =	swait.ge @!p0 [sflag:s8], $0x0  }
0x24: {  	s3 =	sadd.s32 $0x88, s3;
	s6 =	simm.s32 @!p1 $0x1082;
	[sflag:s4] =	ssyncset.s32 $0xFFFFF086  }
0x25: {  	[simem:s6], [sflag:s4] =	dma.local [hbm:s3], $0xF7A  }
0x26: {  	[smem:$0x3F91] =	sst s1;
	(tag) =	ssettag s2;
	_ =	strace s9  }
0x27: {  	s1 =	sld [smem:$0x3FA1]  }
0x28: {  	s2 =	sld [smem:$0x3FA2]  }
0x29: {  	s4 =	sld [smem:$0x3FA4]  }
0x2a: {  	p0 =	seq.s32 s5, $0x0;
	s5 =	sld [smem:$0x3FA5]  }
0x2b: {  	s6 =	sld [smem:$0x3FA6]  }
0x2c: {  	s7 =	sld [smem:$0x3FA7]  }
0x2d: {  	s3 =	simm.s32 $0x108;
	s8 =	sld [smem:$0x3FA8]  }
0x2e: {  	s3 =	simm.s32 @!p0 $0x1082;
	s9 =	sld [smem:$0x3FA9]  }
0x2f: {  	lr =	sadd.s32 s0, s3;
	s0 =	sld [smem:$0x3FA0]  }
0x30: {  	s3 =	sld [smem:$0x3FA3]  }
0x31: {  	[smem:$0x3FAC] =	sst s10  }
0x32: {  	s10 =	sld [smem:$0x3FAA];
	_ =	sdelay $0x3  }
0x33: {  	p0 =	seq.s32 s10, $0x1;
	s10 =	sld [smem:$0x3FAC];
	_ =	sdelay $0x3  }
0x34: {  	[smem:$0x3FAC] =	sst s10  }
0x35: {  	s10 =	sld [smem:$0x3FAB];
	_ =	sdelay $0x3  }
0x36: {  	p1 =	seq.s32 s10, $0x1;
	s10 =	sld [smem:$0x3FAC];
	_ =	sdelay $0x3  }
0x37: {  	[smem:$0x3FAC] =	sst s10  }
0x38: {  	s10 =	sld [smem:$0x3FAD]  }
0x39: {  	_ = 	snop;
	(pc) =	sbr.ind lr, $3  }
0x3a: {  	_ = 	snop  }
0x3b: {  	_ = 	snop  }
0x3c: {  	p2 =	seq.s32 s10, $0x1;
	s10 =	sld [smem:$0x3FAC]  }
0x3d: {  	_ =	shalt  }
0x3e: {  	_ =	shalt  }
0x3f: {  	_ =	shalt  }
0x40: {  	_ =	shalt  }
0x41: {  	_ =	shalt  }
0x42: {  	_ =	shalt  }
0x43: {  	_ =	shalt  }
0x44: {  	_ =	shalt  }
0x45: {  	_ =	shalt  }
0x46: {  	_ =	shalt  }
0x47: {  	_ =	shalt  }
0x48: {  	_ =	shalt  }
0x49: {  	_ =	shalt  }
0x4a: {  	_ =	shalt  }
0x4b: {  	_ =	shalt  }
0x4c: {  	_ =	shalt  }
0x4d: {  	_ =	shalt  }
0x4e: {  	_ =	shalt  }
0x4f: {  	_ =	shalt  }
0x50: {  	_ =	shalt  }
0x51: {  	_ =	shalt  }
0x52: {  	_ =	shalt  }
0x53: {  	_ =	shalt  }
0x54: {  	_ =	shalt  }
0x55: {  	_ =	shalt  }
0x56: {  	_ =	shalt  }
0x57: {  	_ =	shalt  }
0x58: {  	_ =	shalt  }
0x59: {  	_ =	shalt  }
0x5a: {  	_ =	shalt  }
0x5b: {  	_ =	shalt  }
0x5c: {  	_ =	shalt  }
0x5d: {  	_ =	shalt  }
0x5e: {  	_ =	shalt  }
0x5f: {  	_ =	shalt  }
0x60: {  	_ =	shalt  }
0x61: {  	_ =	shalt  }
0x62: {  	_ =	shalt  }
0x63: {  	_ =	shalt  }
0x64: {  	_ =	shalt  }
0x65: {  	_ =	shalt  }
0x66: {  	_ =	shalt  }
0x67: {  	_ =	shalt  }
0x68: {  	_ =	shalt  }
0x69: {  	_ =	shalt  }
0x6a: {  	_ =	shalt  }
0x6b: {  	_ =	shalt  }
0x6c: {  	_ =	shalt  }
0x6d: {  	_ =	shalt  }
0x6e: {  	_ =	shalt  }
0x6f: {  	_ =	shalt  }
0x70: {  	_ =	shalt  }
0x71: {  	_ =	shalt  }
0x72: {  	_ =	shalt  }
0x73: {  	_ =	shalt  }
0x74: {  	_ =	shalt  }
0x75: {  	_ =	shalt  }
0x76: {  	_ =	shalt  }
0x77: {  	_ =	shalt  }
0x78: {  	_ =	shalt  }
0x79: {  	_ =	shalt  }
0x7a: {  	_ =	shalt  }
0x7b: {  	_ =	shalt  }
0x7c: {  	_ =	shalt  }
0x7d: {  	_ =	shalt  }
0x7e: {  	_ =	shalt  }
0x7f: {  	_ =	shalt  }
0x80: {  	_ =	shalt  }
0x81: {  	_ =	shalt  }
0x82: {  	_ =	shalt  }
0x83: {  	_ =	shalt  }
0x84: {  	_ =	shalt  }
0x85: {  	_ =	shalt  }
0x86: {  	_ =	shalt  }
0x87: {  	_ =	shalt  }
.Lfunc_end0:
.L_simem_size_0:
called_computation.2_lowered:
.L_overlay_start_0:
0x88: {  	s2 =	sld [smem:$0x3FD9]  }
0x89: {  	s3 =	sld [smem:$0x3FFE];
	_ =	sdelay $0x1  }
0x8a: {  	s1 =	srdreg.scid  }
0x8b: {  	s0 =	sand.u32 $0x1, s1  }
0x8c: {  	s16 =	sshll.u32 s0, $0xA;
	s2 =	sadd.s32 s3, s2  }
0x8d: {  	s2 =	sadd.s32 s2, s16  }
0x8e: {  	[smem:$0x3FB8] =	sst s2  }
0x8f: {  	_ = 	snop  }
0x90: {  	(tm) =	ssettm $0x1  }
0x91: {  	s17 =	sld [smem:$0x3FFB];
	_ =	sdelay $0x3  }
0x92: {  	_ =	strace s17  }
0x93: {  	s2 =	sld [smem:$0x3FFC];
	_ =	sdelay $0x3  }
0x94: {  	_ =	strace s2  }
0x95: {  	s2 =	sld [smem:$0x3FFD];
	_ =	sdelay $0x3  }
0x96: {  	_ =	strace s2  }
0x97: {  	_ =	strace $0x8FFFFFFF  }
0x98: {  	s18 =	sld [smem:$0x3FDB];
	_ =	sdelay $0x1  }
0x99: {  	s19 =	simm.s32 $_scs_section_size  }
0x9a: {  	s4 =	simm.s32 $_size__tile_overlayer_lowered;
	s5 =	simm.s32 $_tile_overlayer_lowered  }
0x9b: {  	s22 =	simm.s32 $0x1BFF;
	s21 =	sshll.u32 s5, $0x1;
	s2 =	sadd.s32 s19, s18  }
0x9c: {  	s6 =	simm.s32 $0x0;
	s20 =	sshll.u32 s4, $0x1;
	s4 =	sadd.s32 s21, s2  }
0x9d: {  	[timem:s6], [sflag:s22] =	dma.local [hbm:s4], s20  }
0x9e: {  	_ =	swait.ge [sflag:s22], s20  }
0x9f: {  	s3 =	ssub.s32 $0x0, s20;
	[sflag:s22] =	ssyncset.done $0x0  }
0xa0: {  	[sflag:s22] =	ssyncadd.s32 s3;
	_ =	sdelay $0x1  }
0xa1: {  	s23 =	simm.s32 $0x1B8B  }
0xa2: {  	_ =	swait.ge [sflag:s23], $0x1  }
0xa3: {  	[sflag:s23] =	ssyncset.done $0x0  }
0xa4: {  	s25 =	simm.s32 $0x1B8E;
	s24 =	sld [smem:$0x3FFE];
	[sflag:s23] =	ssyncadd.s32 $0xFFFFFFFF  }
0xa5: {  	s26 =	simm.s32 $execute0_lowered;
	[smem:$0x3FD2] =	sst s25  }
0xa6: {  	s4 =	sshll.u32 s26, $0x1;
	_ =	strace $0x80000049;
	[dreg:$0x1] =	wrdreg $0xFFFFFFFF  }
0xa7: {  	s28 =	simm.s32 $_size_execute0_lowered;
	s2 =	sadd.s32 s2, s4;
	[dreg:$0x0] =	wrdreg $0x0  }
0xa8: {  	s4 =	sshll.u32 s28, $0x1;
	[dreg:$0x2] =	wrdreg s2  }
0xa9: {  	[dreg:$0x3] =	wrdreg s4  }
0xaa: {  	[dreg:$0x4] =	wrdreg $0xC0  }
0xab: {  	_ =	task [dreg:s6], $0x5FFFF  }
0xac: {  	[dreg:$0x1] =	wrdreg $0xFFFFFFFF  }
0xad: {  	[dreg:$0x0] =	wrdreg $0x60  }
0xae: {  	[dreg:$0x2] =	wrdreg s24  }
0xaf: {  	[dreg:$0x3] =	wrdreg $0x9  }
0xb0: {  	_ =	task.clear_ibuf [dreg:s6], $0x4FFFF;
	_ =	strace $0x90000049  }
0xb1: {  	s29 =	simm.s32 $0x9;
	_ =	strace $0x8000004B  }
0xb2: {  	_ =	swait.ge [sflag:s29], $0x1  }
0xb3: {  	[sflag:s29] =	ssyncadd.s32 $0xFFFFFFFF  }
0xb4: {  	_ =	strace $0x9000004B  }
0xb5: {  	_ =	sfence  }
0xb6: {  	s30 =	sld [smem:$0x0];
	_ =	sdelay $0x2  }
0xb7: {  	s31 =	sshll.u32 s1, $0xD;
	s1 =	sshrl.u32 s1, $0x2  }
0xb8: {  	s3 =	sand.u32 $0x4000, s31;
	s1 =	sadd.s32 s1, s30  }
0xb9: {  	s0 =	sor.u32 s3, s0;
	s1 =	sshll.u32 s1, $0x11  }
0xba: {  	s0 =	sor.u32 s1, s0  }
0xbb: {  	s0 =	sadd.s32 $0x8F2B, s0  }
0xbc: {  	[sflag:s0] =	ssyncadd.remote.s32 $0x1  }
0xbd: {  	_ =	sfence.sel $0xFFFF  }
0xbe: {  	[dreg:$0x0] =	wrdreg $0xFFFFFFFF;
	(pc) =	sbr.abs _section_cstart, $3  }
0xbf: {  	[dreg:$0x1] =	wrdreg $0xFFFFFFFF  }
0xc0: {  	_ =	task.clear_ibuf [dreg:s6], $0x2FFFF;
	_ =	strace $0x9FFFFFFF  }
0xc1: {  	(tm) =	ssettm $0x7FFFFFFF  }
tec
execute0_lowered:
.L_overlay_start_1:
0x0: {  	(tag) =	ssettag $0x1  }
0x1: {  	s0 =	rddreg [dreg:$0x0];
	s1 =	simm.s32 $0x0  }
0x2: {  	s28 =	simm.s32 $0x400;
	s29 =	simm.s32 $0x500;
	s30 =	simm.s32 $0x600  }
0x3: {  	s31 =	simm.s32 $0x700;
	[smem:$0x7FF] =	sst s1;
	s21 =	sadd.s32 $0x60FA00, s0  }
0x4: {  	s22 =	sadd.s32 $0x61F200, s0;
	s23 =	sadd.s32 $0x62EA00, s0  }
0x5: {  	s25 =	srdreg.scid;
	s24 =	sadd.s32 $0x63E200, s0;
	s6 =	sadd.s32 $0x64DA00, s0  }
0x6: {  	s4 =	stileid.u32;
	s7 =	sadd.s32 $0x65D200, s0;
	s8 =	sadd.s32 $0x66CA00, s0  }
0x7: {  	s9 =	sadd.s32 $0x2000, s0;
	s10 =	sadd.s32 $0x30200, s0;
	s11 =	sadd.s32 $0x220200, s0  }
0x8: {  	s14 =	simm.s32 $0x80;
	s12 =	sadd.s32 $0x410200, s0;
	s13 =	sadd.s32 $0xF91400, s0  }
0x9: {  	s5 =	simm.s32 $0x0;
	s15 =	sadd.s32 $0x1181400, s0;
	s16 =	sadd.s32 $0x1371400, s0  }
0xa: {  	s1 =	sand.u32 $0x1, s25;
	s17 =	sadd.s32 $0x1561400, s0;
	s18 =	sadd.s32 $0x1751400, s0  }
0xb: {  	s4 =	sshll.u32 s4, $0x1;
	_ =	strace $0x8000004A;
	[dreg:$0x2] =	wrdreg s21  }
0xc: {  	s19 =	sadd.s32 $0x1941400, s0;
	s20 =	sadd.s32 $0x1B31400, s0;
	[dreg:$0x3] =	wrdreg s22  }
0xd: {  	s25 =	simm.s32 $0x200;
	[dreg:$0x4] =	wrdreg s23;
	s2 =	ssub.s32 $0x2, s1  }
0xe: {  	s0 =	simm.s32 $0x1;
	[dreg:$0x5] =	wrdreg s24;
	s3 =	sshrl.u32 s2, $0x1  }
0xf: {  	s1 =	sor.u32 s1, s4;
	s23 =	simm.s32 $0x2;
	s2 =	ssub.s32 s2, s3  }
0x10: {  	s24 =	simm.s32 $0x100;
	s21 =	smul.u32 $0x3E00, s1;
	s26 =	smax.u32 s2, $0x1  }
0x11: {  	s2 =	simm.s32 $0x0;
	[dreg:$0x6] =	wrdreg s26;
	s26 =	simm.s32 $0x300  }
.LBB2_1:
0x12: {  	[dreg:$0x7] =	wrdreg s2;
	s1 =	simm.s32 $0x0  }
.LBB2_2:
0x13: {  	s2 =	sshll.u32 s1, $0x8  }
0x14: {  	s2 =	sadd.s32 s21, s2  }
0x15: {  	s3 =	sshrl.u32 s2, $0x3  }
0x16: {  	s4 =	sadd.s32 s9, s3  }
0x17: {  	[tilespmem:s5], [sflag:$0x2] =	stream.linear.gather [hbm4b:s4+s5], $0x100, $0x38;
	[tilespmem:$0x14800] =	vst v63  }
0x18: {  	_ =	swait.ge [sflag:s23], $0x100  }
0x19: {  	[sflag:s23] =	ssyncset.done $0x0;
	s22 =	rddreg [dreg:$0x2]  }
0x1a: {  	[sflag:s23] =	ssyncadd.s32 $0xFFFFFF00;
	s4 =	sadd.s32 s22, s3  }
0x1b: {  	[tilespmem:s24], [sflag:$0x2] =	stream.linear.gather [hbm4b:s4+s5], $0x100, $0x38;
	[tilespmem:$0x14800] =	vst v63  }
0x1c: {  	_ =	swait.ge [sflag:s23], $0x100  }
0x1d: {  	[sflag:s23] =	ssyncset.done $0x0;
	s22 =	rddreg [dreg:$0x3]  }
0x1e: {  	[sflag:s23] =	ssyncadd.s32 $0xFFFFFF00;
	s4 =	sadd.s32 s22, s3  }
0x1f: {  	[tilespmem:s25], [sflag:$0x2] =	stream.linear.gather [hbm4b:s4+s5], $0x100, $0x38;
	[tilespmem:$0x14800] =	vst v63  }
0x20: {  	_ =	swait.ge [sflag:s23], $0x100  }
0x21: {  	[sflag:s23] =	ssyncset.done $0x0;
	s22 =	rddreg [dreg:$0x4]  }
0x22: {  	[sflag:s23] =	ssyncadd.s32 $0xFFFFFF00;
	s4 =	sadd.s32 s22, s3  }
0x23: {  	[tilespmem:s26], [sflag:$0x2] =	stream.linear.gather [hbm4b:s4+s5], $0x100, $0x38;
	[tilespmem:$0x14800] =	vst v63  }
0x24: {  	_ =	swait.ge [sflag:s23], $0x100  }
0x25: {  	[sflag:s23] =	ssyncset.done $0x0;
	s22 =	rddreg [dreg:$0x5]  }
0x26: {  	[sflag:s23] =	ssyncadd.s32 $0xFFFFFF00;
	s4 =	sadd.s32 s22, s3  }
0x27: {  	[tilespmem:s28], [sflag:$0x2] =	stream.linear.gather [hbm4b:s4+s5], $0x100, $0x38;
	[tilespmem:$0x14800] =	vst v63  }
0x28: {  	_ =	swait.ge [sflag:s23], $0x100  }
0x29: {  	[sflag:s23] =	ssyncset.done $0x0  }
0x2a: {  	s22 =	sadd.s32 s6, s3;
	[sflag:s23] =	ssyncadd.s32 $0xFFFFFF00  }
0x2b: {  	[tilespmem:s29], [sflag:$0x2] =	stream.linear.gather [hbm4b:s22+s5], $0x100, $0x38;
	[tilespmem:$0x14800] =	vst v63  }
0x2c: {  	_ =	swait.ge [sflag:s23], $0x100  }
0x2d: {  	[sflag:s23] =	ssyncset.done $0x0  }
0x2e: {  	s22 =	sadd.s32 s7, s3;
	[sflag:s23] =	ssyncadd.s32 $0xFFFFFF00  }
0x2f: {  	[tilespmem:s30], [sflag:$0x2] =	stream.linear.gather [hbm4b:s22+s5], $0x100, $0x38;
	[tilespmem:$0x14800] =	vst v63  }
0x30: {  	_ =	swait.ge [sflag:s23], $0x100  }
0x31: {  	[sflag:s23] =	ssyncset.done $0x0  }
0x32: {  	s3 =	sadd.s32 s8, s3;
	[sflag:s23] =	ssyncadd.s32 $0xFFFFFF00  }
0x33: {  	[tilespmem:s31], [sflag:$0x2] =	stream.linear.gather [hbm4b:s3+s5], $0x100, $0x38;
	[tilespmem:$0x14800] =	vst v63  }
0x34: {  	_ =	swait.ge [sflag:s23], $0x100  }
0x35: {  	s22 =	sshll.u32 s2, $0x2;
	[sflag:s23] =	ssyncset.done $0x0  }
0x36: {  	s4 =	simm.s32 $0x8800;
	s2 =	sadd.s32 s15, s22;
	[sflag:s23] =	ssyncadd.s32 $0xFFFFFF00  }
0x37: {  	[tilespmem:s4], [sflag:$0x1] =	stream.linear.gather [hbm4b:s2+s5], $0x2000, $0x38;
	[tilespmem:$0x14800] =	vst v63  }
0x38: {  	s4 =	simm.s32 $0x800  }
0x39: {  	[tilespmem:s4], [sflag:$0x1] =	stream.indirect.gather [hbm4b:s10+s14], $0x20, s5, s14, $0xb8;
	[tilespmem:$0x14800] =	vst v63  }
0x3a: {  	s3 =	simm.s32 $0x1800  }
0x3b: {  	[tilespmem:s3], [sflag:$0x1] =	stream.indirect.gather [hbm4b:s10+s14], $0x20, s14, s14, $0xb8;
	[tilespmem:$0x14800] =	vst v63  }
0x3c: {  	s4 =	simm.s32 $0x2800  }
0x3d: {  	[tilespmem:s4], [sflag:$0x1] =	stream.indirect.gather [hbm4b:s11+s14], $0x20, s24, s14, $0xb8;
	[tilespmem:$0x14800] =	vst v63  }
0x3e: {  	s3 =	simm.s32 $0x180;
	s4 =	simm.s32 $0x3800  }
0x3f: {  	[tilespmem:s4], [sflag:$0x1] =	stream.indirect.gather [hbm4b:s11+s14], $0x20, s3, s14, $0xb8;
	[tilespmem:$0x14800] =	vst v63  }
0x40: {  	s4 =	simm.s32 $0x4800  }
0x41: {  	[tilespmem:s4], [sflag:$0x1] =	stream.indirect.gather [hbm4b:s12+s14], $0x20, s25, s14, $0xb8;
	[tilespmem:$0x14800] =	vst v63  }
0x42: {  	s3 =	simm.s32 $0x280;
	s4 =	simm.s32 $0x5800  }
0x43: {  	[tilespmem:s4], [sflag:$0x1] =	stream.indirect.gather [hbm4b:s12+s14], $0x20, s3, s14, $0xb8;
	[tilespmem:$0x14800] =	vst v63  }
0x44: {  	s4 =	simm.s32 $0x6800  }
0x45: {  	[tilespmem:s4], [sflag:$0x1] =	stream.indirect.gather [hbm4b:s13+s14], $0x20, s26, s14, $0xb8;
	[tilespmem:$0x14800] =	vst v63  }
0x46: {  	s3 =	simm.s32 $0x380;
	s4 =	simm.s32 $0x7800  }
0x47: {  	[tilespmem:s4], [sflag:$0x1] =	stream.indirect.gather [hbm4b:s13+s14], $0x20, s3, s14, $0xb8;
	[tilespmem:$0x14800] =	vst v63  }
0x48: {  	s4 =	simm.s32 $0xA800  }
0x49: {  	[tilespmem:s4], [sflag:$0x1] =	stream.indirect.gather [hbm4b:s16+s14], $0x20, s28, s14, $0xb8;
	[tilespmem:$0x14800] =	vst v63  }
0x4a: {  	s3 =	simm.s32 $0x480;
	s4 =	simm.s32 $0xB800  }
0x4b: {  	[tilespmem:s4], [sflag:$0x1] =	stream.indirect.gather [hbm4b:s16+s14], $0x20, s3, s14, $0xb8;
	[tilespmem:$0x14800] =	vst v63  }
0x4c: {  	s4 =	simm.s32 $0xC800  }
0x4d: {  	[tilespmem:s4], [sflag:$0x1] =	stream.indirect.gather [hbm4b:s17+s14], $0x20, s29, s14, $0xb8;
	[tilespmem:$0x14800] =	vst v63  }
0x4e: {  	s3 =	simm.s32 $0x580;
	s4 =	simm.s32 $0xD800  }
0x4f: {  	[tilespmem:s4], [sflag:$0x1] =	stream.indirect.gather [hbm4b:s17+s14], $0x20, s3, s14, $0xb8;
	[tilespmem:$0x14800] =	vst v63  }
0x50: {  	s4 =	simm.s32 $0xE800  }
0x51: {  	[tilespmem:s4], [sflag:$0x1] =	stream.indirect.gather [hbm4b:s18+s14], $0x20, s30, s14, $0xb8;
	[tilespmem:$0x14800] =	vst v63  }
0x52: {  	s3 =	simm.s32 $0x680;
	s4 =	simm.s32 $0xF800  }
0x53: {  	[tilespmem:s4], [sflag:$0x1] =	stream.indirect.gather [hbm4b:s18+s14], $0x20, s3, s14, $0xb8;
	[tilespmem:$0x14800] =	vst v63  }
0x54: {  	s4 =	simm.s32 $0x10800  }
0x55: {  	[tilespmem:s4], [sflag:$0x1] =	stream.indirect.gather [hbm4b:s19+s14], $0x20, s31, s14, $0xb8;
	[tilespmem:$0x14800] =	vst v63  }
0x56: {  	s3 =	simm.s32 $0x780;
	s4 =	simm.s32 $0x11800  }
0x57: {  	[tilespmem:s4], [sflag:$0x1] =	stream.indirect.gather [hbm4b:s19+s14], $0x20, s3, s14, $0xb8;
	[tilespmem:$0x14800] =	vst v63  }
0x58: {  	_ =	swait.ge [sflag:s0], $0x2000  }
0x59: {  	[sflag:s0] =	ssyncset.done $0x0  }
0x5a: {  	[sflag:s0] =	ssyncadd.s32 $0xFFFFE000  }
0x5b: {  	_ =	swait.ge [sflag:s0], $0x1000  }
0x5c: {  	[sflag:s0] =	ssyncset.done $0x0  }
0x5d: {  	[sflag:s0] =	ssyncadd.s32 $0xFFFFF000  }
0x5e: {  	_ =	swait.ge [sflag:s0], $0x1000  }
0x5f: {  	[sflag:s0] =	ssyncset.done $0x0  }
0x60: {  	[sflag:s0] =	ssyncadd.s32 $0xFFFFF000  }
0x61: {  	_ =	swait.ge [sflag:s0], $0x1000  }
0x62: {  	[sflag:s0] =	ssyncset.done $0x0  }
0x63: {  	[sflag:s0] =	ssyncadd.s32 $0xFFFFF000  }
0x64: {  	_ =	swait.ge [sflag:s0], $0x1000  }
0x65: {  	[sflag:s0] =	ssyncset.done $0x0  }
0x66: {  	[sflag:s0] =	ssyncadd.s32 $0xFFFFF000  }
0x67: {  	_ =	swait.ge [sflag:s0], $0x1000  }
0x68: {  	[sflag:s0] =	ssyncset.done $0x0  }
0x69: {  	[sflag:s0] =	ssyncadd.s32 $0xFFFFF000  }
0x6a: {  	_ =	swait.ge [sflag:s0], $0x1000  }
0x6b: {  	[sflag:s0] =	ssyncset.done $0x0  }
0x6c: {  	[sflag:s0] =	ssyncadd.s32 $0xFFFFF000  }
0x6d: {  	_ =	swait.ge [sflag:s0], $0x1000  }
0x6e: {  	[sflag:s0] =	ssyncset.done $0x0  }
0x6f: {  	[sflag:s0] =	ssyncadd.s32 $0xFFFFF000  }
0x70: {  	_ =	swait.ge [sflag:s0], $0x1000  }
0x71: {  	[sflag:s0] =	ssyncset.done $0x0  }
0x72: {  	[sflag:s0] =	ssyncadd.s32 $0xFFFFF000  }
0x73: {  	_ =	swait.ge [sflag:s0], $0x1000  }
0x74: {  	[sflag:s0] =	ssyncset.done $0x0  }
0x75: {  	[sflag:s0] =	ssyncadd.s32 $0xFFFFF000  }
0x76: {  	_ =	swait.ge [sflag:s0], $0x1000  }
0x77: {  	[sflag:s0] =	ssyncset.done $0x0  }
0x78: {  	[sflag:s0] =	ssyncadd.s32 $0xFFFFF000  }
0x79: {  	_ =	swait.ge [sflag:s0], $0x1000  }
0x7a: {  	[sflag:s0] =	ssyncset.done $0x0  }
0x7b: {  	[sflag:s0] =	ssyncadd.s32 $0xFFFFF000  }
0x7c: {  	_ =	swait.ge [sflag:s0], $0x1000  }
0x7d: {  	[sflag:s0] =	ssyncset.done $0x0  }
0x7e: {  	[sflag:s0] =	ssyncadd.s32 $0xFFFFF000  }
0x7f: {  	_ =	swait.ge [sflag:s0], $0x1000  }
0x80: {  	[sflag:s0] =	ssyncset.done $0x0  }
0x81: {  	[sflag:s0] =	ssyncadd.s32 $0xFFFFF000  }
0x82: {  	_ =	swait.ge [sflag:s0], $0x1000  }
0x83: {  	[sflag:s0] =	ssyncset.done $0x0  }
0x84: {  	[sflag:s0] =	ssyncadd.s32 $0xFFFFF000  }
0x85: {  	_ =	swait.ge [sflag:s0], $0x1000  }
0x86: {  	[sflag:s0] =	ssyncset.done $0x0  }
0x87: {  	[sflag:s0] =	ssyncadd.s32 $0xFFFFF000  }
0x88: {  	_ =	swait.ge [sflag:s0], $0x1000  }
0x89: {  	[sflag:s0] =	ssyncset.done $0x0  }
0x8a: {  	s2 =	simm.s32 $0x0;
	[sflag:s0] =	ssyncadd.s32 $0xFFFFF000  }
0x8b: {  	v0 =	vld [tilespmem:s2+$0x810]  }
0x8c: {  	v1 =	vld [tilespmem:s2+$0x2810]  }
0x8d: {  	v2 =	vld [tilespmem:s2+$0x800]  }
0x8e: {  	v3 =	vld [tilespmem:s2+$0x4810]  }
0x8f: {  	v4 =	vld [tilespmem:s2+$0x2800]  }
0x90: {  	v5 =	vld [tilespmem:s2+$0x6810]  }
0x91: {  	v6 =	vld [tilespmem:s2+$0x4800];
	v0 =	vadd.f32 v1, v0  }
0x92: {  	v1 =	vld [tilespmem:s2+$0x8810]  }
0x93: {  	v7 =	vld [tilespmem:s2+$0x6800];
	v0 =	vadd.f32 v3, v0  }
0x94: {  	v2 =	vadd.f32 v4, v2;
	v3 =	vld [tilespmem:s2+$0xA810]  }
0x95: {  	v8 =	vld [tilespmem:s2+$0x8800];
	v0 =	vadd.f32 v5, v0  }
0x96: {  	v2 =	vadd.f32 v6, v2;
	v5 =	vld [tilespmem:s2+$0xC810]  }
0x97: {  	v6 =	vld [tilespmem:s2+$0xA800];
	v0 =	vadd.f32 v1, v0  }
0x98: {  	v9 =	vld [tilespmem:s2+$0xE810];
	v1 =	vadd.f32 v7, v2  }
0x99: {  	v2 =	vld [tilespmem:s2+$0xC800];
	v0 =	vadd.f32 v3, v0  }
0x9a: {  	v4 =	vld [tilespmem:s2+$0x10810];
	v7 =	vadd.f32 v8, v1  }
0x9b: {  	v3 =	vld [tilespmem:s2+$0xE800];
	v8 =	vadd.f32 v5, v0  }
0x9c: {  	s3 =	simm.s32 $0x20;
	v1 =	vld [tilespmem:s2+$0x10800];
	v5 =	vadd.f32 v6, v7  }
0x9d: {  	s4 =	simm.s32 $0x100;
	v0 =	vld [tilespmem:s3+$0x810];
	v6 =	vadd.f32 v9, v8  }
.LBB2_3:
0x9e: {  	p0 =	sne.s32 s4, $0x7F80;
	v7 =	vld [tilespmem:s3+$0x2810];
	v2 =	vadd.f32 v2, v5  }
0x9f: {  	v5 =	vld [tilespmem:s3+$0x800];
	v4 =	vadd.f32 v4, v6  }
0xa0: {  	v6 =	vld [tilespmem:s3+$0x4810];
	v2 =	vadd.f32 v3, v2  }
0xa1: {  	v3 =	vld [tilespmem:s3+$0x2800];
	[tilespmem:s2+$0x12810] =	vst v4  }
0xa2: {  	v4 =	vld [tilespmem:s3+$0x6810];
	v1 =	vadd.f32 v1, v2  }
0xa3: {  	v2 =	vld [tilespmem:s3+$0x4800];
	v0 =	vadd.f32 v7, v0  }
0xa4: {  	v7 =	vld [tilespmem:s3+$0x8810];
	[tilespmem:s2+$0x12800] =	vst v1;
	s2 =	smov.u32 s3  }
0xa5: {  	v1 =	vld [tilespmem:s2+$0x6800];
	v0 =	vadd.f32 v6, v0  }
0xa6: {  	v3 =	vadd.f32 v3, v5;
	v5 =	vld [tilespmem:s2+$0xA810]  }
0xa7: {  	v6 =	vld [tilespmem:s2+$0x8800];
	v0 =	vadd.f32 v4, v0  }
0xa8: {  	v2 =	vadd.f32 v2, v3;
	v8 =	vld [tilespmem:s2+$0xC810]  }
0xa9: {  	v9 =	vld [tilespmem:s2+$0xA800];
	v0 =	vadd.f32 v7, v0  }
0xaa: {  	v1 =	vadd.f32 v1, v2;
	v7 =	vld [tilespmem:s2+$0xE810]  }
.Ltmp0:
0xab: {  	v2 =	vld [tilespmem:s2+$0xC800];
	v0 =	vadd.f32 v5, v0;
	(pc) =	sbr.rel @p0 .LBB2_3-.Ltmp0, $4  }
0xac: {  	v1 =	vadd.f32 v6, v1;
	v4 =	vld [tilespmem:s2+$0x10810]  }
0xad: {  	v3 =	vld [tilespmem:s2+$0xE800];
	v6 =	vadd.f32 v8, v0  }
0xae: {  	s3 =	sshra.s32 s4, $0x2;
	v5 =	vadd.f32 v9, v1;
	v1 =	vld [tilespmem:s2+$0x10800]  }
0xaf: {  	s4 =	sadd.s32 $0x80, s4;
	v0 =	vld [tilespmem:s3+$0x810];
	v6 =	vadd.f32 v7, v6  }
0xb0: {  	v7 =	vld [tilespmem:s3+$0x2810];
	v2 =	vadd.f32 v2, v5  }
0xb1: {  	v8 =	vld [tilespmem:s3+$0x800];
	v4 =	vadd.f32 v4, v6  }
0xb2: {  	v51 =	vld [tilespmem:s3+$0x4810];
	v2 =	vadd.f32 v3, v2  }
0xb3: {  	v52 =	vld [tilespmem:s3+$0x2800];
	[tilespmem:s2+$0x12810] =	vst v4  }
0xb4: {  	v53 =	vld [tilespmem:s3+$0x6810];
	v1 =	vadd.f32 v1, v2  }
0xb5: {  	v54 =	vld [tilespmem:s3+$0x4800]  }
0xb6: {  	v4 =	vld [tilespmem:s3+$0x8810];
	[tilespmem:s2+$0x12800] =	vst v1  }
0xb7: {  	v0 =	vadd.f32 v7, v0;
	v1 =	vld [tilespmem:s3+$0x6800]  }
0xb8: {  	v6 =	vadd.f32 v52, v8  }
0xb9: {  	v0 =	vadd.f32 v51, v0;
	v55 =	vld [tilespmem:s3+$0x8800]  }
0xba: {  	v56 =	vld [tilespmem:s3+$0xA810];
	v2 =	vadd.f32 v54, v6  }
0xbb: {  	v57 =	vld [tilespmem:s3+$0xA800];
	v0 =	vadd.f32 v53, v0  }
0xbc: {  	v58 =	vld [tilespmem:s3+$0xC810];
	v1 =	vadd.f32 v1, v2  }
0xbd: {  	v59 =	vld [tilespmem:s3+$0xC800];
	v0 =	vadd.f32 v4, v0  }
0xbe: {  	v60 =	vld [tilespmem:s3+$0xE810];
	v1 =	vadd.f32 v55, v1  }
0xbf: {  	v61 =	vld [tilespmem:s3+$0xE800];
	v0 =	vadd.f32 v56, v0  }
0xc0: {  	v62 =	vld [tilespmem:s3+$0x10810];
	v1 =	vadd.f32 v57, v1  }
0xc1: {  	v63 =	vld [tilespmem:s3+$0x10800];
	v0 =	vadd.f32 v58, v0  }
0xc2: {  	v1 =	vadd.f32 v59, v1  }
0xc3: {  	v0 =	vadd.f32 v60, v0  }
0xc4: {  	v1 =	vadd.f32 v61, v1  }
0xc5: {  	v0 =	vadd.f32 v62, v0  }
0xc6: {  	s1 =	sadd.s32 $0x1, s1;
	v1 =	vadd.f32 v63, v1  }
0xc7: {  	s4 =	simm.s32 $0x12800;
	p0 =	sne.s32 s1, $0x3E;
	[tilespmem:s3+$0x12810] =	vst v0  }
.Ltmp1:
0xc8: {  	[tilespmem:s3+$0x12800] =	vst v1;
	s3 =	sadd.s32 s20, s22;
	s22 =	simm.s32 $0x0;
	(pc) =	sbr.rel @p0 .LBB2_2-.Ltmp1, $4  }
0xc9: {  	[hbm4b:s3+s22] =	stream.linear.scatter [tilespmem:s4], [sflag:$0x2], $0x2000, $0x38;
	[tilespmem:$0x14800] =	vst v63  }
0xca: {  	_ =	swait.ge [sflag:s23], $0x2000  }
0xcb: {  	[sflag:s23] =	ssyncset.done $0x0  }
0xcc: {  	[sflag:s23] =	ssyncadd.s32 $0xFFFFE000  }
0xcd: {  	s2 =	rddreg [dreg:$0x7]  }
0xce: {  	s1 =	rddreg [dreg:$0x6];
	s2 =	sadd.s32 $0x1, s2  }
0xcf: {  	p0 =	sne.s32 s2, s1  }
.Ltmp2:
0xd0: {  	_ = 	snop;
	(pc) =	sbr.rel @p0 .LBB2_1-.Ltmp2, $1  }
0xd1: {  	_ =	sdelay $0x3  }
0xd2: {  	_ =	sfence.sel $0x180000  }
0xd3: {  	[bflag:$0x0] =	sbarrier.arrive $0xFFFF  }
0xd4: {  	_ =	strace $0x9000004A  }
0xd5: {  	s0 =	stileid.u32;
	[bflag:$0x2] =	sbarrier.arrive $0xFFFF  }
0xd6: {  	p0 =	sne.s32 s0, $0x0;
	s0 =	rddreg [dreg:$0x1]  }
0xd7: {  	s0 =	sadd.s32 @!p0 $0x100000, s0  }
0xd8: {  	[sflag:s0] =	ssyncadd.tile.s32 @!p0 $0x1;
	_ =	shalt  }
.Lfunc_end2:
_tile_overlayer_lowered:
.L_overlay_start_2:
0xd9: {  	(tag) =	ssettag $0x2  }
0xda: {  	s0 =	rddreg [dreg:$0x0];
	s2 =	stileid.u32  }
0xdb: {  	s1 =	rddreg [dreg:$0x1];
	p0 =	sne.s32 s2, $0x0  }
0xdc: {  	s3 =	rddreg [dreg:$0x2];
	[bflag:$0x3] =	sbarrier.arrive $0xFFFF;
	s2 =	simm.s32 @!p0 $0x1C02  }
0xdd: {  	[timem:s3], [sflag:s2] =	dma.local @!p0 [hbm:s0], s1  }
0xde: {  	s0 =	simm.s32 @!p0 $0x2  }
0xdf: {  	_ =	swait.ge @!p0 [sflag:s0], s1  }
0xe0: {  	s1 =	ssub.s32 @!p0 $0x0, s1;
	[sflag:s0] =	ssyncset.done @!p0 $0x0  }
0xe1: {  	[sflag:s0] =	ssyncadd.s32 @!p0 s1  }
0xe2: {  	[bflag:$0x3] =	sbarrier.arrive $0xFFFF  }
0xe3: {  	_ =	shalt  }

// kernel: kernel.8.cloned.1.call-start
scs
__scs_entry_jumppad:
0x0: {  	(pc) =	sbr.rel $0x88, $3  }
0x1: {  	(tag) =	ssettag $0x0;
	lr =	simm.s32 $0x1  }
0x2: {  	[smem:$0x3F91] =	sst lr;
	_ =	strace $0xD0000000  }
0x3: {  	_ = 	snop  }
0x4: {  	_ = 	snop  }
0x5: {  	_ = 	snop  }
0x6: {  	_ = 	snop  }
0x7: {  	_ = 	snop  }
__scs_overlays_trampoline_lowered:
0x8: {  	[smem:$0x3FA0] =	sst s0  }
0x9: {  	[smem:$0x3FA1] =	sst s1  }
0xa: {  	[smem:$0x3FA2] =	sst s2  }
0xb: {  	[smem:$0x3FA3] =	sst s3  }
0xc: {  	[smem:$0x3FA4] =	sst s4  }
0xd: {  	[smem:$0x3FA5] =	sst s5  }
0xe: {  	[smem:$0x3FA6] =	sst s6  }
0xf: {  	[smem:$0x3FA7] =	sst s7  }
0x10: {  	[smem:$0x3FA8] =	sst s8  }
0x11: {  	[smem:$0x3FA9] =	sst s9;
	s0 =	simm.s32 @!p0 $0x0  }
0x12: {  	s1 =	sld [smem:$0x3F8F];
	s0 =	simm.s32 @p0 $0x1  }
0x13: {  	[smem:$0x3FAA] =	sst s0;
	s0 =	simm.s32 @!p1 $0x0  }
0x14: {  	s2 =	sld [smem:$0x3F8E];
	s0 =	simm.s32 @p1 $0x1  }
0x15: {  	[smem:$0x3FAB] =	sst s0;
	s0 =	simm.s32 @!p2 $0x0  }
0x16: {  	s3 =	sld [smem:$0x3FDB];
	s0 =	simm.s32 @p2 $0x1  }
0x17: {  	s4 =	simm.s32 $0x1BF5;
	[smem:$0x3FAD] =	sst s0  }
0x18: {  	s0 =	sld [smem:$0x3F90];
	_ =	swait.ge [sflag:s4], $0x0  }
0x19: {  	s7 =	sld [smem:$0x3F91]  }
0x1a: {  	s8 =	sadd.s32 $0xFFFFE003, lr  }
0x1b: {  	s9 =	sadd.s32 $0xFFFFFEF7, lr;
	s5 =	simm.s32 $0xFFFFFFFF;
	p2 =	slt.u32 s8, $0xFFFFF086  }
0x1c: {  	p1 =	slt.u32 s9, $0xF7A;
	s5 =	simm.s32 @!p2 $0x0  }
0x1d: {  	s5 =	simm.s32 @p1 $0x1;
	p0 =	seq.s32 s7, s2  }
0x1e: {  	s7 =	smul.u32 @!p0 $0xF7A, s2;
	p2 =	seq.s32 @!p0 s5, $0x0  }
0x1f: {  	s9 =	smul.u32 $0xF7A, s1;
	s8 =	simm.s32 @!p0 $0x1BF5;
	p2 =	por !p2, p0  }
0x20: {  	[sflag:s8] =	ssyncset.s32 @!p0 $0xFFFFF086;
	s6 =	sadd.s32 @!p0 s3, s7;
	s7 =	simm.s32 @!p0 $0x108  }
0x21: {  	s3 =	sadd.s32 s3, s9;
	s6 =	sadd.s32 @!p0 $0x88, s6;
	s7 =	simm.s32 @p2 $0x1082  }
0x22: {  	[simem:s7], [sflag:s8] =	dma.local @!p0 [hbm:s6], $0xF7A  }
0x23: {  	s9 =	sor.u32 $0xD0000000, s2;
	s6 =	simm.s32 $0x108;
	_ =	swait.ge @!p0 [sflag:s8], $0x0  }
0x24: {  	s3 =	sadd.s32 $0x88, s3;
	s6 =	simm.s32 @!p1 $0x1082;
	[sflag:s4] =	ssyncset.s32 $0xFFFFF086  }
0x25: {  	[simem:s6], [sflag:s4] =	dma.local [hbm:s3], $0xF7A  }
0x26: {  	[smem:$0x3F91] =	sst s1;
	(tag) =	ssettag s2;
	_ =	strace s9  }
0x27: {  	s1 =	sld [smem:$0x3FA1]  }
0x28: {  	s2 =	sld [smem:$0x3FA2]  }
0x29: {  	s4 =	sld [smem:$0x3FA4]  }
0x2a: {  	p0 =	seq.s32 s5, $0x0;
	s5 =	sld [smem:$0x3FA5]  }
0x2b: {  	s6 =	sld [smem:$0x3FA6]  }
0x2c: {  	s7 =	sld [smem:$0x3FA7]  }
0x2d: {  	s3 =	simm.s32 $0x108;
	s8 =	sld [smem:$0x3FA8]  }
0x2e: {  	s3 =	simm.s32 @!p0 $0x1082;
	s9 =	sld [smem:$0x3FA9]  }
0x2f: {  	lr =	sadd.s32 s0, s3;
	s0 =	sld [smem:$0x3FA0]  }
0x30: {  	s3 =	sld [smem:$0x3FA3]  }
0x31: {  	[smem:$0x3FAC] =	sst s10  }
0x32: {  	s10 =	sld [smem:$0x3FAA];
	_ =	sdelay $0x3  }
0x33: {  	p0 =	seq.s32 s10, $0x1;
	s10 =	sld [smem:$0x3FAC];
	_ =	sdelay $0x3  }
0x34: {  	[smem:$0x3FAC] =	sst s10  }
0x35: {  	s10 =	sld [smem:$0x3FAB];
	_ =	sdelay $0x3  }
0x36: {  	p1 =	seq.s32 s10, $0x1;
	s10 =	sld [smem:$0x3FAC];
	_ =	sdelay $0x3  }
0x37: {  	[smem:$0x3FAC] =	sst s10  }
0x38: {  	s10 =	sld [smem:$0x3FAD]  }
0x39: {  	_ = 	snop;
	(pc) =	sbr.ind lr, $3  }
0x3a: {  	_ = 	snop  }
0x3b: {  	_ = 	snop  }
0x3c: {  	p2 =	seq.s32 s10, $0x1;
	s10 =	sld [smem:$0x3FAC]  }
0x3d: {  	_ =	shalt  }
0x3e: {  	_ =	shalt  }
0x3f: {  	_ =	shalt  }
0x40: {  	_ =	shalt  }
0x41: {  	_ =	shalt  }
0x42: {  	_ =	shalt  }
0x43: {  	_ =	shalt  }
0x44: {  	_ =	shalt  }
0x45: {  	_ =	shalt  }
0x46: {  	_ =	shalt  }
0x47: {  	_ =	shalt  }
0x48: {  	_ =	shalt  }
0x49: {  	_ =	shalt  }
0x4a: {  	_ =	shalt  }
0x4b: {  	_ =	shalt  }
0x4c: {  	_ =	shalt  }
0x4d: {  	_ =	shalt  }
0x4e: {  	_ =	shalt  }
0x4f: {  	_ =	shalt  }
0x50: {  	_ =	shalt  }
0x51: {  	_ =	shalt  }
0x52: {  	_ =	shalt  }
0x53: {  	_ =	shalt  }
0x54: {  	_ =	shalt  }
0x55: {  	_ =	shalt  }
0x56: {  	_ =	shalt  }
0x57: {  	_ =	shalt  }
0x58: {  	_ =	shalt  }
0x59: {  	_ =	shalt  }
0x5a: {  	_ =	shalt  }
0x5b: {  	_ =	shalt  }
0x5c: {  	_ =	shalt  }
0x5d: {  	_ =	shalt  }
0x5e: {  	_ =	shalt  }
0x5f: {  	_ =	shalt  }
0x60: {  	_ =	shalt  }
0x61: {  	_ =	shalt  }
0x62: {  	_ =	shalt  }
0x63: {  	_ =	shalt  }
0x64: {  	_ =	shalt  }
0x65: {  	_ =	shalt  }
0x66: {  	_ =	shalt  }
0x67: {  	_ =	shalt  }
0x68: {  	_ =	shalt  }
0x69: {  	_ =	shalt  }
0x6a: {  	_ =	shalt  }
0x6b: {  	_ =	shalt  }
0x6c: {  	_ =	shalt  }
0x6d: {  	_ =	shalt  }
0x6e: {  	_ =	shalt  }
0x6f: {  	_ =	shalt  }
0x70: {  	_ =	shalt  }
0x71: {  	_ =	shalt  }
0x72: {  	_ =	shalt  }
0x73: {  	_ =	shalt  }
0x74: {  	_ =	shalt  }
0x75: {  	_ =	shalt  }
0x76: {  	_ =	shalt  }
0x77: {  	_ =	shalt  }
0x78: {  	_ =	shalt  }
0x79: {  	_ =	shalt  }
0x7a: {  	_ =	shalt  }
0x7b: {  	_ =	shalt  }
0x7c: {  	_ =	shalt  }
0x7d: {  	_ =	shalt  }
0x7e: {  	_ =	shalt  }
0x7f: {  	_ =	shalt  }
0x80: {  	_ =	shalt  }
0x81: {  	_ =	shalt  }
0x82: {  	_ =	shalt  }
0x83: {  	_ =	shalt  }
0x84: {  	_ =	shalt  }
0x85: {  	_ =	shalt  }
0x86: {  	_ =	shalt  }
0x87: {  	_ =	shalt  }
.Lfunc_end0:
.L_simem_size_0:
called_computation.1_lowered:
.L_overlay_start_0:
0x88: {  	s2 =	sld [smem:$0x3FD9]  }
0x89: {  	s3 =	sld [smem:$0x3FFE];
	_ =	sdelay $0x1  }
0x8a: {  	s1 =	srdreg.scid  }
0x8b: {  	s0 =	sand.u32 $0x1, s1  }
0x8c: {  	s17 =	sshll.u32 s0, $0xA;
	s2 =	sadd.s32 s3, s2  }
0x8d: {  	s2 =	sadd.s32 s2, s17  }
0x8e: {  	[smem:$0x3FB8] =	sst s2  }
0x8f: {  	_ = 	snop  }
0x90: {  	s2 =	sld [smem:$0x3FD0];
	(tm) =	ssettm $0x1  }
0x91: {  	s18 =	sld [smem:$0x3FFB];
	_ =	sdelay $0x3  }
0x92: {  	_ =	strace s18  }
0x93: {  	s3 =	sld [smem:$0x3FFC];
	_ =	sdelay $0x3  }
0x94: {  	_ =	strace s3  }
0x95: {  	s3 =	sld [smem:$0x3FFD];
	_ =	sdelay $0x3  }
0x96: {  	_ =	strace s3  }
0x97: {  	_ =	strace $0x8FFFFFFF  }
0x98: {  	s19 =	sld [smem:$0x3FDB];
	_ =	sdelay $0x1  }
0x99: {  	s4 =	simm.s32 $_scs_section_size  }
0x9a: {  	s5 =	simm.s32 $_size__tile_overlayer_lowered;
	s6 =	simm.s32 $_tile_overlayer_lowered  }
0x9b: {  	s22 =	simm.s32 $0x1BFF;
	s21 =	sshll.u32 s6, $0x1;
	s3 =	sadd.s32 s4, s19  }
0x9c: {  	s7 =	simm.s32 $0x0;
	s20 =	sshll.u32 s5, $0x1;
	s5 =	sadd.s32 s21, s3  }
0x9d: {  	[timem:s7], [sflag:s22] =	dma.local [hbm:s5], s20  }
0x9e: {  	_ =	swait.ge [sflag:s22], s20  }
0x9f: {  	s4 =	ssub.s32 $0x0, s20;
	[sflag:s22] =	ssyncset.done $0x0  }
0xa0: {  	[sflag:s22] =	ssyncadd.s32 s4;
	_ =	sdelay $0x1  }
0xa1: {  	s23 =	simm.s32 $0x1B8B  }
0xa2: {  	_ =	swait.ge [sflag:s23], $0x1  }
0xa3: {  	[sflag:s23] =	ssyncset.done $0x0  }
0xa4: {  	s25 =	simm.s32 $0x1B8E;
	s24 =	sld [smem:$0x3FFE];
	[sflag:s23] =	ssyncadd.s32 $0xFFFFFFFF  }
0xa5: {  	s26 =	simm.s32 $execute0_lowered;
	[smem:$0x3FD2] =	sst s25  }
0xa6: {  	s5 =	sshll.u32 s26, $0x1;
	_ =	strace $0x80000046;
	[dreg:$0x1] =	wrdreg $0xFFFFFFFF  }
0xa7: {  	s28 =	simm.s32 $_size_execute0_lowered;
	s3 =	sadd.s32 s3, s5;
	[dreg:$0x0] =	wrdreg $0x0  }
0xa8: {  	s5 =	sshll.u32 s28, $0x1;
	[dreg:$0x2] =	wrdreg s3  }
0xa9: {  	[dreg:$0x3] =	wrdreg s5  }
0xaa: {  	[dreg:$0x4] =	wrdreg $0xC0  }
0xab: {  	_ =	task [dreg:s7], $0x5FFFF  }
0xac: {  	[dreg:$0x1] =	wrdreg $0xFFFFFFFF  }
0xad: {  	[dreg:$0x0] =	wrdreg $0x60  }
0xae: {  	[dreg:$0x2] =	wrdreg s2  }
0xaf: {  	[dreg:$0x3] =	wrdreg s24  }
0xb0: {  	[dreg:$0x4] =	wrdreg $0x9  }
0xb1: {  	_ =	task.clear_ibuf [dreg:s7], $0x5FFFF;
	_ =	strace $0x90000046  }
0xb2: {  	s29 =	simm.s32 $0x9;
	_ =	strace $0x80000048  }
0xb3: {  	_ =	swait.ge [sflag:s29], $0x1  }
0xb4: {  	[sflag:s29] =	ssyncadd.s32 $0xFFFFFFFF  }
0xb5: {  	_ =	strace $0x90000048  }
0xb6: {  	_ =	sfence  }
0xb7: {  	s30 =	sld [smem:$0x0];
	_ =	sdelay $0x2  }
0xb8: {  	s31 =	sshll.u32 s1, $0xD;
	s1 =	sshrl.u32 s1, $0x2  }
0xb9: {  	s3 =	sand.u32 $0x4000, s31;
	s1 =	sadd.s32 s1, s30  }
0xba: {  	s0 =	sor.u32 s3, s0;
	s1 =	sshll.u32 s1, $0x11  }
0xbb: {  	s0 =	sor.u32 s1, s0  }
0xbc: {  	s0 =	sadd.s32 $0x8F2B, s0  }
0xbd: {  	[sflag:s0] =	ssyncadd.remote.s32 $0x1  }
0xbe: {  	_ =	sfence.sel $0xFFFF  }
0xbf: {  	[dreg:$0x0] =	wrdreg $0xFFFFFFFF;
	(pc) =	sbr.abs _section_cstart, $3  }
0xc0: {  	[dreg:$0x1] =	wrdreg $0xFFFFFFFF  }
0xc1: {  	_ =	task.clear_ibuf [dreg:s7], $0x2FFFF;
	_ =	strace $0x9FFFFFFF  }
0xc2: {  	(tm) =	ssettm $0x7FFFFFFF  }
0xc3: {  	_ =	shalt  }
tec
execute0_lowered:
.L_overlay_start_1:
0x0: {  	(tag) =	ssettag $0x1  }
0x1: {  	s1 =	rddreg [dreg:$0x0]  }
0x2: {  	s0 =	rddreg [dreg:$0x1]  }
0x3: {  	s2 =	simm.s32 $0x0;
	s23 =	srdreg.scid;
	s7 =	stileid.u32  }
0x4: {  	s28 =	simm.s32 $0x1;
	s30 =	simm.s32 $0x1100;
	s31 =	simm.s32 $0x1400  }
0x5: {  	s29 =	simm.s32 $0x1600;
	[smem:$0x7FF] =	sst s2;
	s16 =	sadd.s32 $0x600200, s0  }
0x6: {  	s14 =	simm.s32 $0x0;
	s4 =	sadd.s32 $0x220200, s0;
	s5 =	sadd.s32 $0x410200, s0  }
0x7: {  	s17 =	sadd.s32 $0x1181400, s0;
	_ =	strace $0x80000047;
	[dreg:$0x3] =	wrdreg s16  }
0x8: {  	s6 =	sadd.s32 $0xF91400, s0;
	s18 =	sadd.s32 $0x1B31400, s0;
	[dreg:$0x4] =	wrdreg s17  }
0x9: {  	s8 =	sadd.s32 $0x1371400, s0;
	s19 =	sadd.s32 $0x2000, s0;
	[dreg:$0x5] =	wrdreg s18  }
0xa: {  	s9 =	sadd.s32 $0x1561400, s0;
	s20 =	sadd.s32 $0x60FA00, s0;
	[dreg:$0x6] =	wrdreg s19  }
0xb: {  	s10 =	sadd.s32 $0x1751400, s0;
	s21 =	sadd.s32 $0x61F200, s0;
	[dreg:$0x7] =	wrdreg s20  }
0xc: {  	s11 =	sadd.s32 $0x1941400, s0;
	s22 =	sadd.s32 $0x62EA00, s0;
	[dreg:$0x8] =	wrdreg s21  }
0xd: {  	s13 =	sadd.s32 $0x30200, s0;
	s3 =	sadd.s32 $0x63E200, s0;
	[dreg:$0x9] =	wrdreg s22  }
0xe: {  	s2 =	sand.u32 $0x1, s23;
	s7 =	sshll.u32 s7, $0x1;
	[dreg:$0xa] =	wrdreg s3  }
0xf: {  	s20 =	sadd.s32 $0x64DA00, s0;
	s24 =	ssub.s32 $0x2, s2;
	s21 =	sadd.s32 $0x65D200, s0  }
0x10: {  	s2 =	sor.u32 s2, s7;
	s22 =	sadd.s32 $0x66CA00, s0;
	s16 =	simm.s32 $0x1500  }
0x11: {  	s3 =	simm.s32 $0x1800;
	s7 =	simm.s32 $0x2;
	s25 =	sshrl.u32 s24, $0x1  }
0x12: {  	s23 =	smul.u32 $0x3E00, s2;
	s2 =	simm.s32 $0x1700;
	s26 =	ssub.s32 s24, s25  }
0x13: {  	s25 =	simm.s32 $0x3;
	s24 =	simm.s32 $0x1200;
	s0 =	smax.u32 s26, $0x1  }
0x14: {  	s26 =	simm.s32 $0x80;
	[dreg:$0xb] =	wrdreg s0;
	s0 =	simm.s32 $0x1300  }
.LBB2_1:
0x15: {  	[dreg:$0xc] =	wrdreg s14;
	s12 =	simm.s32 $0x0  }
.LBB2_2:
0x16: {  	s14 =	sshll.u32 s12, $0x8  }
0x17: {  	s15 =	sadd.s32 s23, s14  }
0x18: {  	s17 =	rddreg [dreg:$0x3];
	s14 =	sshrl.u32 s15, $0x3  }
0x19: {  	s18 =	simm.s32 $0x0;
	s17 =	sadd.s32 s17, s14  }
0x1a: {  	[tilespmem:s18], [sflag:$0x3] =	stream.linear.gather [hbm4b:s17+s18], $0x100, $0x38;
	[tilespmem:$0x15900] =	vst v63  }
0x1b: {  	_ =	swait.ge [sflag:s25], $0x100  }
0x1c: {  	[sflag:s25] =	ssyncset.done $0x0  }
0x1d: {  	s17 =	simm.s32 $0x0;
	[sflag:s25] =	ssyncadd.s32 $0xFFFFFF00  }
0x1e: {  	v4 =	vld [tilespmem:s17+$0x0];
	_ =	sdelay $0x4  }
0x1f: {  	v5 =	vadd.s32 $0xFFFFFDFD, v4;
	v2 =	vadd.s32 $0x203, v4  }
0x20: {  	v0 =	vadd.s32 $0xFFFFFDFE, v4;
	v3 =	vadd.s32 $0xFFFFFDFF, v4;
	v1 =	vadd.s32 $0xFFFFFFFF, v4;
	[tilespmem:s17+$0x800] =	vst v2  }
0x21: {  	s19 =	simm.s32 $0x80;
	s18 =	simm.s32 $0x10;
	v2 =	vadd.s32 $0x1, v4;
	[tilespmem:s17+$0x100] =	vst v5;
	v5 =	vadd.s32 $0x201, v4;
	v4 =	vadd.s32 $0x202, v4  }
.LBB2_3:
0x22: {  	p0 =	sne.s32 s19, $0x3C0;
	v6 =	vld [tilespmem:s18+$0x0];
	[tilespmem:s17+$0x200] =	vst v0  }
0x23: {  	[tilespmem:s17+$0x300] =	vst v3  }
0x24: {  	[tilespmem:s17+$0x400] =	vst v1  }
.Ltmp0:
0x25: {  	[tilespmem:s17+$0x500] =	vst v2;
	(pc) =	sbr.rel @p0 .LBB2_3-.Ltmp0, $4  }
0x26: {  	[tilespmem:s17+$0x600] =	vst v5  }
0x27: {  	v5 =	vadd.s32 $0xFFFFFDFD, v6;
	v0 =	vadd.s32 $0xFFFFFDFE, v6;
	v7 =	vadd.s32 $0x203, v6;
	[tilespmem:s17+$0x700] =	vst v4;
	s17 =	smov.u32 s18  }
0x28: {  	v3 =	vadd.s32 $0xFFFFFDFF, v6;
	v1 =	vadd.s32 $0xFFFFFFFF, v6;
	v2 =	vadd.s32 $0x1, v6;
	[tilespmem:s17+$0x800] =	vst v7  }
0x29: {  	s18 =	sshra.s32 s19, $0x2;
	s19 =	sadd.s32 $0x40, s19;
	v4 =	vadd.s32 $0x202, v6;
	[tilespmem:s17+$0x100] =	vst v5;
	v5 =	vadd.s32 $0x201, v6  }
0x2a: {  	v6 =	vld [tilespmem:s18+$0x0];
	[tilespmem:s17+$0x200] =	vst v0  }
0x2b: {  	[tilespmem:s17+$0x300] =	vst v3  }
0x2c: {  	[tilespmem:s17+$0x400] =	vst v1  }
0x2d: {  	[tilespmem:s17+$0x500] =	vst v2  }
0x2e: {  	[tilespmem:s17+$0x600] =	vst v5  }
0x2f: {  	[tilespmem:s17+$0x700] =	vst v4;
	v0 =	vadd.s32 $0x203, v6  }
0x30: {  	v1 =	vadd.s32 $0xFFFFFDFD, v6;
	[tilespmem:s18+$0x800] =	vst v0  }
0x31: {  	v0 =	vadd.s32 $0xFFFFFDFE, v6;
	[tilespmem:s18+$0x100] =	vst v1  }
0x32: {  	v1 =	vadd.s32 $0xFFFFFDFF, v6;
	[tilespmem:s18+$0x200] =	vst v0  }
0x33: {  	v0 =	vadd.s32 $0xFFFFFFFF, v6;
	[tilespmem:s18+$0x300] =	vst v1  }
0x34: {  	v1 =	vadd.s32 $0x1, v6;
	[tilespmem:s18+$0x400] =	vst v0  }
0x35: {  	v0 =	vadd.s32 $0x201, v6;
	[tilespmem:s18+$0x500] =	vst v1  }
0x36: {  	v1 =	vadd.s32 $0x202, v6;
	[tilespmem:s18+$0x600] =	vst v0  }
0x37: {  	s19 =	simm.s32 $0x900;
	[tilespmem:s18+$0x700] =	vst v1;
	s18 =	simm.s32 $0x100  }
0x38: {  	[tilespmem:s19], [sflag:$0x1] =	stream.indirect.gather [hbm4b:s1+s26], $0x1, s18, s26, $0xb8;
	[tilespmem:$0x15900] =	vst v63  }
0x39: {  	s18 =	simm.s32 $0x180;
	s19 =	simm.s32 $0x980  }
0x3a: {  	[tilespmem:s19], [sflag:$0x1] =	stream.indirect.gather [hbm4b:s1+s26], $0x1, s18, s26, $0xb8;
	[tilespmem:$0x15900] =	vst v63  }
0x3b: {  	s18 =	simm.s32 $0x200;
	s19 =	simm.s32 $0xA00  }
0x3c: {  	[tilespmem:s19], [sflag:$0x1] =	stream.indirect.gather [hbm4b:s1+s26], $0x1, s18, s26, $0xb8;
	[tilespmem:$0x15900] =	vst v63  }
0x3d: {  	s18 =	simm.s32 $0x280;
	s19 =	simm.s32 $0xA80  }
0x3e: {  	[tilespmem:s19], [sflag:$0x1] =	stream.indirect.gather [hbm4b:s1+s26], $0x1, s18, s26, $0xb8;
	[tilespmem:$0x15900] =	vst v63  }
0x3f: {  	s18 =	simm.s32 $0x300;
	s19 =	simm.s32 $0xB00  }
0x40: {  	[tilespmem:s19], [sflag:$0x1] =	stream.indirect.gather [hbm4b:s1+s26], $0x1, s18, s26, $0xb8;
	[tilespmem:$0x15900] =	vst v63  }
0x41: {  	s18 =	simm.s32 $0x380;
	s19 =	simm.s32 $0xB80  }
0x42: {  	[tilespmem:s19], [sflag:$0x1] =	stream.indirect.gather [hbm4b:s1+s26], $0x1, s18, s26, $0xb8;
	[tilespmem:$0x15900] =	vst v63  }
0x43: {  	s18 =	simm.s32 $0x400;
	s19 =	simm.s32 $0xC00  }
0x44: {  	[tilespmem:s19], [sflag:$0x1] =	stream.indirect.gather [hbm4b:s1+s26], $0x1, s18, s26, $0xb8;
	[tilespmem:$0x15900] =	vst v63  }
0x45: {  	s18 =	simm.s32 $0x480;
	s19 =	simm.s32 $0xC80  }
0x46: {  	[tilespmem:s19], [sflag:$0x1] =	stream.indirect.gather [hbm4b:s1+s26], $0x1, s18, s26, $0xb8;
	[tilespmem:$0x15900] =	vst v63  }
0x47: {  	s18 =	simm.s32 $0x500;
	s19 =	simm.s32 $0xD00  }
0x48: {  	[tilespmem:s19], [sflag:$0x1] =	stream.indirect.gather [hbm4b:s1+s26], $0x1, s18, s26, $0xb8;
	[tilespmem:$0x15900] =	vst v63  }
0x49: {  	s18 =	simm.s32 $0x580;
	s19 =	simm.s32 $0xD80  }
0x4a: {  	[tilespmem:s19], [sflag:$0x1] =	stream.indirect.gather [hbm4b:s1+s26], $0x1, s18, s26, $0xb8;
	[tilespmem:$0x15900] =	vst v63  }
0x4b: {  	s18 =	simm.s32 $0x600;
	s19 =	simm.s32 $0xE00  }
0x4c: {  	[tilespmem:s19], [sflag:$0x1] =	stream.indirect.gather [hbm4b:s1+s26], $0x1, s18, s26, $0xb8;
	[tilespmem:$0x15900] =	vst v63  }
0x4d: {  	s18 =	simm.s32 $0x680;
	s19 =	simm.s32 $0xE80  }
0x4e: {  	[tilespmem:s19], [sflag:$0x1] =	stream.indirect.gather [hbm4b:s1+s26], $0x1, s18, s26, $0xb8;
	[tilespmem:$0x15900] =	vst v63  }
0x4f: {  	s18 =	simm.s32 $0x700;
	s19 =	simm.s32 $0xF00  }
0x50: {  	[tilespmem:s19], [sflag:$0x1] =	stream.indirect.gather [hbm4b:s1+s26], $0x1, s18, s26, $0xb8;
	[tilespmem:$0x15900] =	vst v63  }
0x51: {  	s18 =	simm.s32 $0x780;
	s19 =	simm.s32 $0xF80  }
0x52: {  	[tilespmem:s19], [sflag:$0x1] =	stream.indirect.gather [hbm4b:s1+s26], $0x1, s18, s26, $0xb8;
	[tilespmem:$0x15900] =	vst v63  }
0x53: {  	s18 =	simm.s32 $0x800;
	s19 =	simm.s32 $0x1000  }
0x54: {  	[tilespmem:s19], [sflag:$0x1] =	stream.indirect.gather [hbm4b:s1+s26], $0x1, s18, s26, $0xb8;
	[tilespmem:$0x15900] =	vst v63  }
0x55: {  	s18 =	simm.s32 $0x880;
	s19 =	simm.s32 $0x1080  }
0x56: {  	[tilespmem:s19], [sflag:$0x1] =	stream.indirect.gather [hbm4b:s1+s26], $0x1, s18, s26, $0xb8;
	[tilespmem:$0x15900] =	vst v63  }
0x57: {  	_ =	swait.ge [sflag:s28], $0x80  }
0x58: {  	[sflag:s28] =	ssyncset.done $0x0  }
0x59: {  	[sflag:s28] =	ssyncadd.s32 $0xFFFFFF80  }
0x5a: {  	_ =	swait.ge [sflag:s28], $0x80  }
0x5b: {  	[sflag:s28] =	ssyncset.done $0x0  }
0x5c: {  	[sflag:s28] =	ssyncadd.s32 $0xFFFFFF80  }
0x5d: {  	_ =	swait.ge [sflag:s28], $0x80  }
0x5e: {  	[sflag:s28] =	ssyncset.done $0x0  }
0x5f: {  	[sflag:s28] =	ssyncadd.s32 $0xFFFFFF80  }
0x60: {  	_ =	swait.ge [sflag:s28], $0x80  }
0x61: {  	[sflag:s28] =	ssyncset.done $0x0  }
0x62: {  	[sflag:s28] =	ssyncadd.s32 $0xFFFFFF80  }
0x63: {  	_ =	swait.ge [sflag:s28], $0x80  }
0x64: {  	[sflag:s28] =	ssyncset.done $0x0  }
0x65: {  	[sflag:s28] =	ssyncadd.s32 $0xFFFFFF80  }
0x66: {  	_ =	swait.ge [sflag:s28], $0x80  }
0x67: {  	[sflag:s28] =	ssyncset.done $0x0  }
0x68: {  	[sflag:s28] =	ssyncadd.s32 $0xFFFFFF80  }
0x69: {  	_ =	swait.ge [sflag:s28], $0x80  }
0x6a: {  	[sflag:s28] =	ssyncset.done $0x0  }
0x6b: {  	[sflag:s28] =	ssyncadd.s32 $0xFFFFFF80  }
0x6c: {  	_ =	swait.ge [sflag:s28], $0x80  }
0x6d: {  	[sflag:s28] =	ssyncset.done $0x0  }
0x6e: {  	[sflag:s28] =	ssyncadd.s32 $0xFFFFFF80  }
0x6f: {  	_ =	swait.ge [sflag:s28], $0x80  }
0x70: {  	[sflag:s28] =	ssyncset.done $0x0  }
0x71: {  	[sflag:s28] =	ssyncadd.s32 $0xFFFFFF80  }
0x72: {  	_ =	swait.ge [sflag:s28], $0x80  }
0x73: {  	[sflag:s28] =	ssyncset.done $0x0  }
0x74: {  	[sflag:s28] =	ssyncadd.s32 $0xFFFFFF80  }
0x75: {  	_ =	swait.ge [sflag:s28], $0x80  }
0x76: {  	[sflag:s28] =	ssyncset.done $0x0  }
0x77: {  	[sflag:s28] =	ssyncadd.s32 $0xFFFFFF80  }
0x78: {  	_ =	swait.ge [sflag:s28], $0x80  }
0x79: {  	[sflag:s28] =	ssyncset.done $0x0  }
0x7a: {  	[sflag:s28] =	ssyncadd.s32 $0xFFFFFF80  }
0x7b: {  	_ =	swait.ge [sflag:s28], $0x80  }
0x7c: {  	[sflag:s28] =	ssyncset.done $0x0  }
0x7d: {  	[sflag:s28] =	ssyncadd.s32 $0xFFFFFF80  }
0x7e: {  	_ =	swait.ge [sflag:s28], $0x80  }
0x7f: {  	[sflag:s28] =	ssyncset.done $0x0  }
0x80: {  	[sflag:s28] =	ssyncadd.s32 $0xFFFFFF80  }
0x81: {  	_ =	swait.ge [sflag:s28], $0x80  }
0x82: {  	[sflag:s28] =	ssyncset.done $0x0  }
0x83: {  	[sflag:s28] =	ssyncadd.s32 $0xFFFFFF80  }
0x84: {  	_ =	swait.ge [sflag:s28], $0x80  }
0x85: {  	[sflag:s28] =	ssyncset.done $0x0  }
0x86: {  	s18 =	simm.s32 $0x0;
	[sflag:s28] =	ssyncadd.s32 $0xFFFFFF80  }
0x87: {  	v2 =	vld [tilespmem:s18+$0x1000]  }
0x88: {  	v6 =	vld [tilespmem:s18+$0x900]  }
0x89: {  	v5 =	vld [tilespmem:s18+$0xA00]  }
0x8a: {  	v4 =	vld [tilespmem:s18+$0xB00]  }
0x8b: {  	v3 =	vld [tilespmem:s18+$0xC00]  }
0x8c: {  	v1 =	vld [tilespmem:s18+$0xD00];
	vm0 =	vlt.s32 v2, $0x0  }
0x8d: {  	v0 =	vld [tilespmem:s18+$0xE00];
	vm1 =	vlt.s32 v6, $0x0;
	v7 =	vsel vm0, $0x7A120, v2  }
0x8e: {  	s17 =	simm.s32 $0x10;
	s19 =	simm.s32 $0x80;
	v2 =	vld [tilespmem:s18+$0xF00];
	v6 =	vsel vm1, $0x7A120, v6;
	vm0 =	vlt.s32 v5, $0x0;
	[tilespmem:s18+$0x1800] =	vst v7  }
.LBB2_5:
0x8f: {  	p0 =	sne.s32 s19, $0x3C0;
	v7 =	vld [tilespmem:s17+$0x1000];
	[tilespmem:s18+$0x1100] =	vst v6;
	v5 =	vsel vm0, $0x7A120, v5;
	vm0 =	vlt.s32 v4, $0x0  }
0x90: {  	v6 =	vld [tilespmem:s17+$0x900];
	[tilespmem:s18+$0x1200] =	vst v5;
	v4 =	vsel vm0, $0x7A120, v4;
	vm0 =	vlt.s32 v3, $0x0  }
0x91: {  	v5 =	vld [tilespmem:s17+$0xA00];
	[tilespmem:s18+$0x1300] =	vst v4;
	v3 =	vsel vm0, $0x7A120, v3;
	vm0 =	vlt.s32 v1, $0x0  }
.Ltmp1:
0x92: {  	v4 =	vld [tilespmem:s17+$0xB00];
	[tilespmem:s18+$0x1400] =	vst v3;
	v1 =	vsel vm0, $0x7A120, v1;
	vm0 =	vlt.s32 v0, $0x0;
	(pc) =	sbr.rel @p0 .LBB2_5-.Ltmp1, $4  }
0x93: {  	v3 =	vld [tilespmem:s17+$0xC00];
	[tilespmem:s18+$0x1500] =	vst v1;
	v0 =	vsel vm0, $0x7A120, v0;
	vm0 =	vlt.s32 v2, $0x0  }
0x94: {  	v1 =	vld [tilespmem:s17+$0xD00];
	vm1 =	vlt.s32 v7, $0x0;
	[tilespmem:s18+$0x1600] =	vst v0;
	v2 =	vsel vm0, $0x7A120, v2  }
0x95: {  	vm0 =	vlt.s32 v6, $0x0;
	v0 =	vld [tilespmem:s17+$0xE00];
	v7 =	vsel vm1, $0x7A120, v7;
	[tilespmem:s18+$0x1700] =	vst v2;
	s18 =	smov.u32 s17  }
0x96: {  	s17 =	sshra.s32 s19, $0x2;
	s19 =	sadd.s32 $0x40, s19;
	v6 =	vsel vm0, $0x7A120, v6;
	vm0 =	vlt.s32 v5, $0x0;
	v2 =	vld [tilespmem:s18+$0xF00];
	[tilespmem:s18+$0x1800] =	vst v7  }
0x97: {  	v7 =	vld [tilespmem:s17+$0x1000];
	[tilespmem:s18+$0x1100] =	vst v6;
	v5 =	vsel vm0, $0x7A120, v5;
	vm4 =	vlt.s32 v4, $0x0  }
0x98: {  	v6 =	vld [tilespmem:s17+$0x900];
	[tilespmem:s18+$0x1200] =	vst v5;
	v4 =	vsel vm4, $0x7A120, v4;
	vm5 =	vlt.s32 v3, $0x0  }
0x99: {  	v5 =	vld [tilespmem:s17+$0xA00];
	[tilespmem:s18+$0x1300] =	vst v4;
	v3 =	vsel vm5, $0x7A120, v3;
	vm6 =	vlt.s32 v1, $0x0  }
0x9a: {  	v4 =	vld [tilespmem:s17+$0xB00];
	[tilespmem:s18+$0x1400] =	vst v3;
	v1 =	vsel vm6, $0x7A120, v1;
	vm7 =	vlt.s32 v0, $0x0  }
0x9b: {  	v3 =	vld [tilespmem:s17+$0xC00];
	[tilespmem:s18+$0x1500] =	vst v1;
	v0 =	vsel vm7, $0x7A120, v0;
	vm8 =	vlt.s32 v2, $0x0  }
0x9c: {  	v1 =	vld [tilespmem:s17+$0xD00];
	[tilespmem:s18+$0x1600] =	vst v0;
	v0 =	vsel vm8, $0x7A120, v2;
	vm9 =	vlt.s32 v7, $0x0  }
0x9d: {  	v2 =	vld [tilespmem:s17+$0xE00];
	[tilespmem:s18+$0x1700] =	vst v0;
	vm1 =	vlt.s32 v6, $0x0;
	v0 =	vsel vm9, $0x7A120, v7  }
0x9e: {  	v7 =	vld [tilespmem:s17+$0xF00];
	v6 =	vsel vm1, $0x7A120, v6;
	vm10 =	vlt.s32 v5, $0x0;
	[tilespmem:s17+$0x1800] =	vst v0  }
0x9f: {  	[tilespmem:s17+$0x1100] =	vst v6;
	v0 =	vsel vm10, $0x7A120, v5;
	vm11 =	vlt.s32 v4, $0x0  }
0xa0: {  	[tilespmem:s17+$0x1200] =	vst v0;
	v0 =	vsel vm11, $0x7A120, v4;
	vm12 =	vlt.s32 v3, $0x0  }
0xa1: {  	[tilespmem:s17+$0x1300] =	vst v0;
	v0 =	vsel vm12, $0x7A120, v3;
	vm13 =	vlt.s32 v1, $0x0  }
0xa2: {  	[tilespmem:s17+$0x1400] =	vst v0;
	v0 =	vsel vm13, $0x7A120, v1;
	vm14 =	vlt.s32 v2, $0x0  }
0xa3: {  	[tilespmem:s17+$0x1500] =	vst v0;
	v0 =	vsel vm14, $0x7A120, v2;
	vm15 =	vlt.s32 v7, $0x0  }
0xa4: {  	s15 =	sshll.u32 s15, $0x2;
	s18 =	rddreg [dreg:$0x4];
	[tilespmem:s17+$0x1600] =	vst v0;
	v0 =	vsel vm15, $0x7A120, v7  }
0xa5: {  	s19 =	simm.s32 $0x9900;
	[tilespmem:s17+$0x1700] =	vst v0;
	s17 =	sadd.s32 s18, s15;
	s18 =	simm.s32 $0x0  }
0xa6: {  	[tilespmem:s19], [sflag:$0x2] =	stream.linear.gather [hbm4b:s17+s18], $0x2000, $0x38;
	[tilespmem:$0x15900] =	vst v63  }
0xa7: {  	s19 =	simm.s32 $0x1900  }
0xa8: {  	[tilespmem:s19], [sflag:$0x2] =	stream.indirect.gather [hbm4b:s13+s26], $0x20, s30, s26, $0xb8;
	[tilespmem:$0x15900] =	vst v63  }
0xa9: {  	s17 =	simm.s32 $0x1180;
	s19 =	simm.s32 $0x2900  }
0xaa: {  	[tilespmem:s19], [sflag:$0x2] =	stream.indirect.gather [hbm4b:s13+s26], $0x20, s17, s26, $0xb8;
	[tilespmem:$0x15900] =	vst v63  }
0xab: {  	s19 =	rddreg [dreg:$0x6]  }
0xac: {  	s17 =	sadd.s32 s19, s14  }
0xad: {  	[hbm4b:s17+s18] =	stream.linear.scatter [tilespmem:s30], [sflag:$0x3], $0x100, $0x38;
	[tilespmem:$0x15900] =	vst v63  }
0xae: {  	_ =	swait.ge [sflag:s25], $0x100  }
0xaf: {  	[sflag:s25] =	ssyncset.done $0x0  }
0xb0: {  	s19 =	simm.s32 $0x3900;
	[sflag:s25] =	ssyncadd.s32 $0xFFFFFF00  }
0xb1: {  	[tilespmem:s19], [sflag:$0x2] =	stream.indirect.gather [hbm4b:s4+s26], $0x20, s24, s26, $0xb8;
	[tilespmem:$0x15900] =	vst v63  }
0xb2: {  	s17 =	simm.s32 $0x1280;
	s19 =	simm.s32 $0x4900  }
0xb3: {  	[tilespmem:s19], [sflag:$0x2] =	stream.indirect.gather [hbm4b:s4+s26], $0x20, s17, s26, $0xb8;
	[tilespmem:$0x15900] =	vst v63  }
0xb4: {  	s19 =	rddreg [dreg:$0x7]  }
0xb5: {  	s17 =	sadd.s32 s19, s14  }
0xb6: {  	[hbm4b:s17+s18] =	stream.linear.scatter [tilespmem:s24], [sflag:$0x3], $0x100, $0x38;
	[tilespmem:$0x15900] =	vst v63  }
0xb7: {  	_ =	swait.ge [sflag:s25], $0x100  }
0xb8: {  	[sflag:s25] =	ssyncset.done $0x0  }
0xb9: {  	s19 =	simm.s32 $0x5900;
	[sflag:s25] =	ssyncadd.s32 $0xFFFFFF00  }
0xba: {  	[tilespmem:s19], [sflag:$0x2] =	stream.indirect.gather [hbm4b:s5+s26], $0x20, s0, s26, $0xb8;
	[tilespmem:$0x15900] =	vst v63  }
0xbb: {  	s17 =	simm.s32 $0x1380;
	s19 =	simm.s32 $0x6900  }
0xbc: {  	[tilespmem:s19], [sflag:$0x2] =	stream.indirect.gather [hbm4b:s5+s26], $0x20, s17, s26, $0xb8;
	[tilespmem:$0x15900] =	vst v63  }
0xbd: {  	s19 =	rddreg [dreg:$0x8]  }
0xbe: {  	s17 =	sadd.s32 s19, s14  }
0xbf: {  	[hbm4b:s17+s18] =	stream.linear.scatter [tilespmem:s0], [sflag:$0x3], $0x100, $0x38;
	[tilespmem:$0x15900] =	vst v63  }
0xc0: {  	_ =	swait.ge [sflag:s25], $0x100  }
0xc1: {  	[sflag:s25] =	ssyncset.done $0x0  }
0xc2: {  	s19 =	simm.s32 $0x7900;
	[sflag:s25] =	ssyncadd.s32 $0xFFFFFF00  }
0xc3: {  	[tilespmem:s19], [sflag:$0x2] =	stream.indirect.gather [hbm4b:s6+s26], $0x20, s31, s26, $0xb8;
	[tilespmem:$0x15900] =	vst v63  }
0xc4: {  	s17 =	simm.s32 $0x1480;
	s19 =	simm.s32 $0x8900  }
0xc5: {  	[tilespmem:s19], [sflag:$0x2] =	stream.indirect.gather [hbm4b:s6+s26], $0x20, s17, s26, $0xb8;
	[tilespmem:$0x15900] =	vst v63  }
0xc6: {  	s19 =	rddreg [dreg:$0x9]  }
0xc7: {  	s17 =	sadd.s32 s19, s14  }
0xc8: {  	[hbm4b:s17+s18] =	stream.linear.scatter [tilespmem:s31], [sflag:$0x3], $0x100, $0x38;
	[tilespmem:$0x15900] =	vst v63  }
0xc9: {  	_ =	swait.ge [sflag:s25], $0x100  }
0xca: {  	[sflag:s25] =	ssyncset.done $0x0  }
0xcb: {  	s19 =	simm.s32 $0xB900;
	[sflag:s25] =	ssyncadd.s32 $0xFFFFFF00  }
0xcc: {  	[tilespmem:s19], [sflag:$0x2] =	stream.indirect.gather [hbm4b:s8+s26], $0x20, s16, s26, $0xb8;
	[tilespmem:$0x15900] =	vst v63  }
0xcd: {  	s17 =	simm.s32 $0x1580;
	s19 =	simm.s32 $0xC900  }
0xce: {  	[tilespmem:s19], [sflag:$0x2] =	stream.indirect.gather [hbm4b:s8+s26], $0x20, s17, s26, $0xb8;
	[tilespmem:$0x15900] =	vst v63  }
0xcf: {  	s19 =	rddreg [dreg:$0xa]  }
0xd0: {  	s17 =	sadd.s32 s19, s14  }
0xd1: {  	[hbm4b:s17+s18] =	stream.linear.scatter [tilespmem:s16], [sflag:$0x3], $0x100, $0x38;
	[tilespmem:$0x15900] =	vst v63  }
0xd2: {  	_ =	swait.ge [sflag:s25], $0x100  }
0xd3: {  	[sflag:s25] =	ssyncset.done $0x0  }
0xd4: {  	s19 =	simm.s32 $0xD900;
	[sflag:s25] =	ssyncadd.s32 $0xFFFFFF00  }
0xd5: {  	[tilespmem:s19], [sflag:$0x2] =	stream.indirect.gather [hbm4b:s9+s26], $0x20, s29, s26, $0xb8;
	[tilespmem:$0x15900] =	vst v63  }
0xd6: {  	s17 =	simm.s32 $0x1680;
	s19 =	simm.s32 $0xE900  }
0xd7: {  	[tilespmem:s19], [sflag:$0x2] =	stream.indirect.gather [hbm4b:s9+s26], $0x20, s17, s26, $0xb8;
	[tilespmem:$0x15900] =	vst v63  }
0xd8: {  	s19 =	sadd.s32 s20, s14  }
0xd9: {  	[hbm4b:s19+s18] =	stream.linear.scatter [tilespmem:s29], [sflag:$0x3], $0x100, $0x38;
	[tilespmem:$0x15900] =	vst v63  }
0xda: {  	_ =	swait.ge [sflag:s25], $0x100  }
0xdb: {  	[sflag:s25] =	ssyncset.done $0x0  }
0xdc: {  	s19 =	simm.s32 $0xF900;
	[sflag:s25] =	ssyncadd.s32 $0xFFFFFF00  }
0xdd: {  	[tilespmem:s19], [sflag:$0x2] =	stream.indirect.gather [hbm4b:s10+s26], $0x20, s2, s26, $0xb8;
	[tilespmem:$0x15900] =	vst v63  }
0xde: {  	s17 =	simm.s32 $0x1780;
	s19 =	simm.s32 $0x10900  }
0xdf: {  	[tilespmem:s19], [sflag:$0x2] =	stream.indirect.gather [hbm4b:s10+s26], $0x20, s17, s26, $0xb8;
	[tilespmem:$0x15900] =	vst v63  }
0xe0: {  	s19 =	sadd.s32 s21, s14  }
0xe1: {  	[hbm4b:s19+s18] =	stream.linear.scatter [tilespmem:s2], [sflag:$0x3], $0x100, $0x38;
	[tilespmem:$0x15900] =	vst v63  }
0xe2: {  	_ =	swait.ge [sflag:s25], $0x100  }
0xe3: {  	[sflag:s25] =	ssyncset.done $0x0  }
0xe4: {  	s19 =	simm.s32 $0x11900;
	[sflag:s25] =	ssyncadd.s32 $0xFFFFFF00  }
0xe5: {  	[tilespmem:s19], [sflag:$0x2] =	stream.indirect.gather [hbm4b:s11+s26], $0x20, s3, s26, $0xb8;
	[tilespmem:$0x15900] =	vst v63  }
0xe6: {  	s17 =	simm.s32 $0x1880;
	s19 =	simm.s32 $0x12900  }
0xe7: {  	[tilespmem:s19], [sflag:$0x2] =	stream.indirect.gather [hbm4b:s11+s26], $0x20, s17, s26, $0xb8;
	[tilespmem:$0x15900] =	vst v63  }
0xe8: {  	s19 =	sadd.s32 s22, s14  }
0xe9: {  	[hbm4b:s19+s18] =	stream.linear.scatter [tilespmem:s3], [sflag:$0x3], $0x100, $0x38;
	[tilespmem:$0x15900] =	vst v63  }
0xea: {  	_ =	swait.ge [sflag:s25], $0x100  }
0xeb: {  	[sflag:s25] =	ssyncset.done $0x0  }
0xec: {  	[sflag:s25] =	ssyncadd.s32 $0xFFFFFF00  }
0xed: {  	_ =	swait.ge [sflag:s7], $0x2000  }
0xee: {  	[sflag:s7] =	ssyncset.done $0x0  }
0xef: {  	[sflag:s7] =	ssyncadd.s32 $0xFFFFE000  }
0xf0: {  	_ =	swait.ge [sflag:s7], $0x1000  }
0xf1: {  	[sflag:s7] =	ssyncset.done $0x0  }
0xf2: {  	[sflag:s7] =	ssyncadd.s32 $0xFFFFF000  }
0xf3: {  	_ =	swait.ge [sflag:s7], $0x1000  }
0xf4: {  	[sflag:s7] =	ssyncset.done $0x0  }
0xf5: {  	[sflag:s7] =	ssyncadd.s32 $0xFFFFF000  }
0xf6: {  	_ =	swait.ge [sflag:s7], $0x1000  }
0xf7: {  	[sflag:s7] =	ssyncset.done $0x0  }
0xf8: {  	[sflag:s7] =	ssyncadd.s32 $0xFFFFF000  }
0xf9: {  	_ =	swait.ge [sflag:s7], $0x1000  }
0xfa: {  	[sflag:s7] =	ssyncset.done $0x0  }
0xfb: {  	[sflag:s7] =	ssyncadd.s32 $0xFFFFF000  }
0xfc: {  	_ =	swait.ge [sflag:s7], $0x1000  }
0xfd: {  	[sflag:s7] =	ssyncset.done $0x0  }
0xfe: {  	[sflag:s7] =	ssyncadd.s32 $0xFFFFF000  }
0xff: {  	_ =	swait.ge [sflag:s7], $0x1000  }
0x100: {  	[sflag:s7] =	ssyncset.done $0x0  }
0x101: {  	[sflag:s7] =	ssyncadd.s32 $0xFFFFF000  }
0x102: {  	_ =	swait.ge [sflag:s7], $0x1000  }
0x103: {  	[sflag:s7] =	ssyncset.done $0x0  }
0x104: {  	[sflag:s7] =	ssyncadd.s32 $0xFFFFF000  }
0x105: {  	_ =	swait.ge [sflag:s7], $0x1000  }
0x106: {  	[sflag:s7] =	ssyncset.done $0x0  }
0x107: {  	[sflag:s7] =	ssyncadd.s32 $0xFFFFF000  }
0x108: {  	_ =	swait.ge [sflag:s7], $0x1000  }
0x109: {  	[sflag:s7] =	ssyncset.done $0x0  }
0x10a: {  	[sflag:s7] =	ssyncadd.s32 $0xFFFFF000  }
0x10b: {  	_ =	swait.ge [sflag:s7], $0x1000  }
0x10c: {  	[sflag:s7] =	ssyncset.done $0x0  }
0x10d: {  	[sflag:s7] =	ssyncadd.s32 $0xFFFFF000  }
0x10e: {  	_ =	swait.ge [sflag:s7], $0x1000  }
0x10f: {  	[sflag:s7] =	ssyncset.done $0x0  }
0x110: {  	[sflag:s7] =	ssyncadd.s32 $0xFFFFF000  }
0x111: {  	_ =	swait.ge [sflag:s7], $0x1000  }
0x112: {  	[sflag:s7] =	ssyncset.done $0x0  }
0x113: {  	[sflag:s7] =	ssyncadd.s32 $0xFFFFF000  }
0x114: {  	_ =	swait.ge [sflag:s7], $0x1000  }
0x115: {  	[sflag:s7] =	ssyncset.done $0x0  }
0x116: {  	[sflag:s7] =	ssyncadd.s32 $0xFFFFF000  }
0x117: {  	_ =	swait.ge [sflag:s7], $0x1000  }
0x118: {  	[sflag:s7] =	ssyncset.done $0x0  }
0x119: {  	[sflag:s7] =	ssyncadd.s32 $0xFFFFF000  }
0x11a: {  	_ =	swait.ge [sflag:s7], $0x1000  }
0x11b: {  	[sflag:s7] =	ssyncset.done $0x0  }
0x11c: {  	[sflag:s7] =	ssyncadd.s32 $0xFFFFF000  }
0x11d: {  	_ =	swait.ge [sflag:s7], $0x1000  }
0x11e: {  	[sflag:s7] =	ssyncset.done $0x0  }
0x11f: {  	s14 =	simm.s32 $0x0;
	[sflag:s7] =	ssyncadd.s32 $0xFFFFF000  }
0x120: {  	v0 =	vld [tilespmem:s14+$0x1910]  }
0x121: {  	v1 =	vld [tilespmem:s14+$0x3910]  }
0x122: {  	v2 =	vld [tilespmem:s14+$0x1900]  }
0x123: {  	v3 =	vld [tilespmem:s14+$0x5910]  }
0x124: {  	v4 =	vld [tilespmem:s14+$0x3900]  }
0x125: {  	v5 =	vld [tilespmem:s14+$0x7910]  }
0x126: {  	v6 =	vld [tilespmem:s14+$0x5900];
	v0 =	vadd.f32 v1, v0  }
0x127: {  	v1 =	vld [tilespmem:s14+$0x9910]  }
0x128: {  	v7 =	vld [tilespmem:s14+$0x7900];
	v0 =	vadd.f32 v3, v0  }
0x129: {  	v2 =	vadd.f32 v4, v2;
	v3 =	vld [tilespmem:s14+$0xB910]  }
0x12a: {  	v8 =	vld [tilespmem:s14+$0x9900];
	v0 =	vadd.f32 v5, v0  }
0x12b: {  	v2 =	vadd.f32 v6, v2;
	v5 =	vld [tilespmem:s14+$0xD910]  }
0x12c: {  	v6 =	vld [tilespmem:s14+$0xB900];
	v0 =	vadd.f32 v1, v0  }
0x12d: {  	v9 =	vld [tilespmem:s14+$0xF910];
	v1 =	vadd.f32 v7, v2  }
0x12e: {  	v2 =	vld [tilespmem:s14+$0xD900];
	v0 =	vadd.f32 v3, v0  }
0x12f: {  	v4 =	vld [tilespmem:s14+$0x11910];
	v7 =	vadd.f32 v8, v1  }
0x130: {  	v3 =	vld [tilespmem:s14+$0xF900];
	v8 =	vadd.f32 v5, v0  }
0x131: {  	s17 =	simm.s32 $0x20;
	v1 =	vld [tilespmem:s14+$0x11900];
	v5 =	vadd.f32 v6, v7  }
0x132: {  	s18 =	simm.s32 $0x100;
	v0 =	vld [tilespmem:s17+$0x1910];
	v6 =	vadd.f32 v9, v8  }
.LBB2_7:
0x133: {  	p0 =	sne.s32 s18, $0x7F80;
	v7 =	vld [tilespmem:s17+$0x3910];
	v2 =	vadd.f32 v2, v5  }
0x134: {  	v5 =	vld [tilespmem:s17+$0x1900];
	v4 =	vadd.f32 v4, v6  }
0x135: {  	v6 =	vld [tilespmem:s17+$0x5910];
	v2 =	vadd.f32 v3, v2  }
0x136: {  	v3 =	vld [tilespmem:s17+$0x3900];
	[tilespmem:s14+$0x13910] =	vst v4  }
0x137: {  	v4 =	vld [tilespmem:s17+$0x7910];
	v1 =	vadd.f32 v1, v2  }
0x138: {  	v2 =	vld [tilespmem:s17+$0x5900];
	v0 =	vadd.f32 v7, v0  }
0x139: {  	v7 =	vld [tilespmem:s17+$0x9910];
	[tilespmem:s14+$0x13900] =	vst v1;
	s14 =	smov.u32 s17  }
0x13a: {  	v1 =	vld [tilespmem:s14+$0x7900];
	v0 =	vadd.f32 v6, v0  }
0x13b: {  	v3 =	vadd.f32 v3, v5;
	v5 =	vld [tilespmem:s14+$0xB910]  }
0x13c: {  	v6 =	vld [tilespmem:s14+$0x9900];
	v0 =	vadd.f32 v4, v0  }
0x13d: {  	v2 =	vadd.f32 v2, v3;
	v8 =	vld [tilespmem:s14+$0xD910]  }
0x13e: {  	v9 =	vld [tilespmem:s14+$0xB900];
	v0 =	vadd.f32 v7, v0  }
0x13f: {  	v1 =	vadd.f32 v1, v2;
	v7 =	vld [tilespmem:s14+$0xF910]  }
.Ltmp2:
0x140: {  	v2 =	vld [tilespmem:s14+$0xD900];
	v0 =	vadd.f32 v5, v0;
	(pc) =	sbr.rel @p0 .LBB2_7-.Ltmp2, $4  }
0x141: {  	v1 =	vadd.f32 v6, v1;
	v4 =	vld [tilespmem:s14+$0x11910]  }
0x142: {  	v3 =	vld [tilespmem:s14+$0xF900];
	v6 =	vadd.f32 v8, v0  }
0x143: {  	s17 =	sshra.s32 s18, $0x2;
	v5 =	vadd.f32 v9, v1;
	v1 =	vld [tilespmem:s14+$0x11900]  }
0x144: {  	s18 =	sadd.s32 $0x80, s18;
	v0 =	vld [tilespmem:s17+$0x1910];
	v6 =	vadd.f32 v7, v6  }
0x145: {  	v7 =	vld [tilespmem:s17+$0x3910];
	v2 =	vadd.f32 v2, v5  }
0x146: {  	v8 =	vld [tilespmem:s17+$0x1900];
	v4 =	vadd.f32 v4, v6  }
0x147: {  	v51 =	vld [tilespmem:s17+$0x5910];
	v2 =	vadd.f32 v3, v2  }
0x148: {  	v52 =	vld [tilespmem:s17+$0x3900];
	[tilespmem:s14+$0x13910] =	vst v4  }
0x149: {  	v53 =	vld [tilespmem:s17+$0x7910];
	v1 =	vadd.f32 v1, v2  }
0x14a: {  	v54 =	vld [tilespmem:s17+$0x5900]  }
0x14b: {  	v4 =	vld [tilespmem:s17+$0x9910];
	[tilespmem:s14+$0x13900] =	vst v1  }
0x14c: {  	v0 =	vadd.f32 v7, v0;
	v1 =	vld [tilespmem:s17+$0x7900]  }
0x14d: {  	v6 =	vadd.f32 v52, v8  }
0x14e: {  	v0 =	vadd.f32 v51, v0;
	v55 =	vld [tilespmem:s17+$0x9900]  }
0x14f: {  	v56 =	vld [tilespmem:s17+$0xB910];
	v2 =	vadd.f32 v54, v6  }
0x150: {  	v57 =	vld [tilespmem:s17+$0xB900];
	v0 =	vadd.f32 v53, v0  }
0x151: {  	v58 =	vld [tilespmem:s17+$0xD910];
	v1 =	vadd.f32 v1, v2  }
0x152: {  	v59 =	vld [tilespmem:s17+$0xD900];
	v0 =	vadd.f32 v4, v0  }
0x153: {  	v60 =	vld [tilespmem:s17+$0xF910];
	v1 =	vadd.f32 v55, v1  }
0x154: {  	v61 =	vld [tilespmem:s17+$0xF900];
	v0 =	vadd.f32 v56, v0  }
0x155: {  	v62 =	vld [tilespmem:s17+$0x11910];
	v1 =	vadd.f32 v57, v1  }
0x156: {  	v63 =	vld [tilespmem:s17+$0x11900];
	v0 =	vadd.f32 v58, v0  }
0x157: {  	v1 =	vadd.f32 v59, v1  }
0x158: {  	v0 =	vadd.f32 v60, v0  }
0x159: {  	v1 =	vadd.f32 v61, v1  }
0x15a: {  	v0 =	vadd.f32 v62, v0  }
0x15b: {  	v1 =	vadd.f32 v63, v1  }
0x15c: {  	s12 =	sadd.s32 $0x1, s12;
	[tilespmem:s17+$0x13910] =	vst v0  }
0x15d: {  	s18 =	simm.s32 $0x0;
	p0 =	sne.s32 s12, $0x3E;
	[tilespmem:s17+$0x13900] =	vst v1;
	s17 =	rddreg [dreg:$0x5]  }
.Ltmp3:
0x15e: {  	s19 =	simm.s32 $0x13900;
	s14 =	sadd.s32 s17, s15;
	(pc) =	sbr.rel @p0 .LBB2_2-.Ltmp3, $4  }
0x15f: {  	[hbm4b:s14+s18] =	stream.linear.scatter [tilespmem:s19], [sflag:$0x3], $0x2000, $0x38;
	[tilespmem:$0x15900] =	vst v63  }
0x160: {  	_ =	swait.ge [sflag:s25], $0x2000  }
0x161: {  	[sflag:s25] =	ssyncset.done $0x0  }
0x162: {  	[sflag:s25] =	ssyncadd.s32 $0xFFFFE000  }
0x163: {  	s14 =	rddreg [dreg:$0xc]  }
0x164: {  	s12 =	rddreg [dreg:$0xb];
	s14 =	sadd.s32 $0x1, s14  }
0x165: {  	p0 =	sne.s32 s14, s12  }
.Ltmp4:
0x166: {  	_ = 	snop;
	(pc) =	sbr.rel @p0 .LBB2_1-.Ltmp4, $1  }
0x167: {  	_ =	sdelay $0x3  }
0x168: {  	_ =	sfence.sel $0x180000  }
0x169: {  	[bflag:$0x0] =	sbarrier.arrive $0xFFFF  }
0x16a: {  	_ =	strace $0x90000047  }
0x16b: {  	s0 =	stileid.u32;
	[bflag:$0x2] =	sbarrier.arrive $0xFFFF  }
0x16c: {  	p0 =	sne.s32 s0, $0x0;
	s0 =	rddreg [dreg:$0x2]  }
0x16d: {  	s0 =	sadd.s32 @!p0 $0x100000, s0  }
0x16e: {  	[sflag:s0] =	ssyncadd.tile.s32 @!p0 $0x1;
	_ =	shalt  }
.Lfunc_end2:
_tile_overlayer_lowered:
.L_overlay_start_2:
0x16f: {  	(tag) =	ssettag $0x2  }
0x170: {  	s0 =	rddreg [dreg:$0x0];
	s2 =	stileid.u32  }
0x171: {  	s1 =	rddreg [dreg:$0x1];
	p0 =	sne.s32 s2, $0x0  }
0x172: {  	s3 =	rddreg [dreg:$0x2];
	[bflag:$0x3] =	sbarrier.arrive $0xFFFF;
	s2 =	simm.s32 @!p0 $0x1C03  }
0x173: {  	[timem:s3], [sflag:s2] =	dma.local @!p0 [hbm:s0], s1  }
0x174: {  	s0 =	simm.s32 @!p0 $0x3  }
0x175: {  	_ =	swait.ge @!p0 [sflag:s0], s1  }
0x176: {  	s1 =	ssub.s32 @!p0 $0x0, s1;
	[sflag:s0] =	ssyncset.done @!p0 $0x0  }
0x177: {  	[sflag:s0] =	ssyncadd.s32 @!p0 s1  }
0x178: {  	[bflag:$0x3] =	sbarrier.arrive $0xFFFF  }
0x179: {  	_ =	shalt  }

// kernel: sparse-core-data-format-call.cloned.1.call-start
scs
called_computation_lowered:
.L_overlay_start_0:
0x0: {  	s2 =	sld [smem:$0x3FD9]  }
0x1: {  	s3 =	sld [smem:$0x3FFE];
	_ =	sdelay $0x1  }
0x2: {  	s1 =	srdreg.scid  }
0x3: {  	s0 =	sand.u32 $0x1, s1  }
0x4: {  	s18 =	sshll.u32 s0, $0xA;
	s2 =	sadd.s32 s3, s2  }
0x5: {  	s2 =	sadd.s32 s2, s18  }
0x6: {  	[smem:$0x3FB8] =	sst s2  }
0x7: {  	_ = 	snop  }
0x8: {  	s2 =	sld [smem:$0x3FD0];
	(tm) =	ssettm $0x1  }
0x9: {  	s19 =	sld [smem:$0x3FFB];
	_ =	sdelay $0x3  }
0xa: {  	_ =	strace s19  }
0xb: {  	s3 =	sld [smem:$0x3FFC];
	_ =	sdelay $0x3  }
0xc: {  	_ =	strace s3  }
0xd: {  	s3 =	sld [smem:$0x3FFD];
	_ =	sdelay $0x3  }
0xe: {  	_ =	strace s3  }
0xf: {  	_ =	strace $0x8FFFFFFF  }
0x10: {  	s20 =	sld [smem:$0x3FDB];
	_ =	sdelay $0x1  }
0x11: {  	s4 =	simm.s32 $_scs_section_size  }
0x12: {  	s5 =	simm.s32 $_size__tile_overlayer_lowered;
	s6 =	simm.s32 $_tile_overlayer_lowered  }
0x13: {  	s23 =	simm.s32 $0x1BFF;
	s22 =	sshll.u32 s6, $0x1;
	s3 =	sadd.s32 s4, s20  }
0x14: {  	s7 =	simm.s32 $0x0;
	s21 =	sshll.u32 s5, $0x1;
	s5 =	sadd.s32 s22, s3  }
0x15: {  	[timem:s7], [sflag:s23] =	dma.local [hbm:s5], s21  }
0x16: {  	_ =	swait.ge [sflag:s23], s21  }
0x17: {  	s4 =	ssub.s32 $0x0, s21;
	[sflag:s23] =	ssyncset.done $0x0  }
0x18: {  	[sflag:s23] =	ssyncadd.s32 s4;
	_ =	sdelay $0x1  }
0x19: {  	s24 =	simm.s32 $0x1B8B  }
0x1a: {  	_ =	swait.ge [sflag:s24], $0x1  }
0x1b: {  	[sflag:s24] =	ssyncset.done $0x0  }
0x1c: {  	s26 =	simm.s32 $0x1B8E;
	s25 =	sld [smem:$0x3FFE];
	[sflag:s24] =	ssyncadd.s32 $0xFFFFFFFF  }
0x1d: {  	s27 =	simm.s32 $execute0_lowered;
	[smem:$0x3FD2] =	sst s26  }
0x1e: {  	s5 =	sshll.u32 s27, $0x1;
	_ =	strace $0x8000004C;
	[dreg:$0x1] =	wrdreg $0xFFFFFFFF  }
0x1f: {  	s28 =	simm.s32 $_size_execute0_lowered;
	s3 =	sadd.s32 s3, s5;
	[dreg:$0x0] =	wrdreg $0x0  }
0x20: {  	s5 =	sshll.u32 s28, $0x1;
	[dreg:$0x2] =	wrdreg s3  }
0x21: {  	[dreg:$0x3] =	wrdreg s5  }
0x22: {  	[dreg:$0x4] =	wrdreg $0xC0  }
0x23: {  	_ =	task [dreg:s7], $0x5FFFF  }
0x24: {  	[dreg:$0x1] =	wrdreg $0xFFFFFFFF  }
0x25: {  	[dreg:$0x0] =	wrdreg $0x60  }
0x26: {  	[dreg:$0x2] =	wrdreg s25  }
0x27: {  	[dreg:$0x3] =	wrdreg s2  }
0x28: {  	[dreg:$0x4] =	wrdreg $0x9  }
0x29: {  	_ =	task.clear_ibuf [dreg:s7], $0x5FFFF;
	_ =	strace $0x9000004C  }
0x2a: {  	s29 =	simm.s32 $0x9;
	_ =	strace $0x8000004E  }
0x2b: {  	_ =	swait.ge [sflag:s29], $0x1  }
0x2c: {  	[sflag:s29] =	ssyncadd.s32 $0xFFFFFFFF  }
0x2d: {  	_ =	strace $0x9000004E  }
0x2e: {  	_ =	sfence  }
0x2f: {  	s30 =	sld [smem:$0x0];
	_ =	sdelay $0x2  }
0x30: {  	s31 =	sshll.u32 s1, $0xD;
	s1 =	sshrl.u32 s1, $0x2  }
0x31: {  	s3 =	sand.u32 $0x4000, s31;
	s1 =	sadd.s32 s1, s30  }
0x32: {  	s0 =	sor.u32 s3, s0;
	s1 =	sshll.u32 s1, $0x11  }
0x33: {  	s0 =	sor.u32 s1, s0  }
0x34: {  	s0 =	sadd.s32 $0x8F2B, s0  }
0x35: {  	[sflag:s0] =	ssyncadd.remote.s32 $0x1  }
0x36: {  	_ =	sfence.sel $0xFFFF  }
0x37: {  	[dreg:$0x0] =	wrdreg $0xFFFFFFFF;
	(pc) =	sbr.abs _section_cstart, $3  }
0x38: {  	[dreg:$0x1] =	wrdreg $0xFFFFFFFF  }
0x39: {  	_ =	task.clear_ibuf [dreg:s7], $0x2FFFF;
	_ =	strace $0x9FFFFFFF  }
0x3a: {  	(tm) =	ssettm $0x7FFFFFFF  }
0x3b: {  	_ =	shalt  }
tec
execute0_lowered:
.L_overlay_start_1:
0x0: {  	(tag) =	ssettag $0x1  }
0x1: {  	s4 =	rddreg [dreg:$0x0]  }
0x2: {  	s0 =	srdreg.scid;
	s2 =	rddreg [dreg:$0x1]  }
0x3: {  	s1 =	stileid.u32;
	s5 =	simm.s32 $0x1;
	s0 =	sshll.u32 s0, $0x4  }
0x4: {  	s7 =	simm.s32 $0x2;
	s11 =	simm.s32 $0x0;
	s3 =	sand.u32 $0x10, s0  }
.Ltmp0:
0x5: {  	p0 =	por $0x0, $0x0;
	s3 =	sor.u32 s1, s3;
	(pc) =	sbr.rel .LBB1_1-.Ltmp0, $4  }
0x6: {  	s8 =	simm.s32 $0x3D0C00;
	s10 =	simm.s32 $0x0;
	s3 =	sshll.u32 s3, $0x7  }
0x7: {  	s0 =	rddreg [dreg:$0x2];
	_ =	strace $0x8000004D;
	s6 =	ssub.s32 $0x7A100, s3  }
0x8: {  	s4 =	sadd.s32 $0x2000, s4;
	[sflag:s5] =	ssyncpa.u1 $0x0;
	s6 =	sshrl.u32 s6, $0xC  }
0x9: {  	[sflag:s7] =	ssyncpa.u1 $0x0;
	s9 =	smov.u32 s3;
	s7 =	sadd.s32 $0x2, s6  }
.LBB1_5:
0xa: {  	s13 =	sadd.s32 $0x1000, s9  }
0xb: {  	p2 =	sgt.s32 s13, $0x7A11F  }
0xc: {  	s13 =	smov.u32 @p2 s3;
	p2 =	sne.s32 s10, s7  }
.Ltmp1:
0xd: {  	p1 =	slt.u32 s10, $0x2;
	(pc) =	sbr.rel @!p2 .LBB1_6-.Ltmp1, $4  }
0xe: {  	s12 =	simm.s32 @!p1 $0x2  }
0xf: {  	s14 =	sadd.s32 $0x1, s10;
	_ =	swait.ge @!p1 [sflag:s12], $0x1000  }
0x10: {  	s11 =	smov.u32 s9;
	p0 =	por !p0, !p0;
	[sflag:s12] =	ssyncset.done @!p1 $0x0  }
0x11: {  	s10 =	smov.u32 s14;
	s9 =	smov.u32 s13;
	[sflag:s12] =	ssyncadd.s32 @!p1 $0xFFFFF000  }
.LBB1_1:
0x12: {  	p1 =	sgt.u32 s10, s6  }
0x13: {  	s13 =	smov.u32 s9;
	p2 =	sgt.s32 @!p1 s9, $0x7A0A0  }
0x14: {  	s12 =	sand.u32 @!p1 $0x1FFFFFF, s9;
	s14 =	sshra.s32 @!p1 s9, $0x1F;
	p2 =	por !p2, p1  }
0x15: {  	s15 =	smulhi.u32 @!p1 $0x218DEF5, s12;
	s14 =	sand.u32 @!p1 s14, s9;
	s13 =	simm.s32 @p2 $0x7A0A0  }
0x16: {  	s13 =	ssub.s32 @!p1 s13, s14  }
0x17: {  	s14 =	sshrl.u32 @!p1 s15, $0xC;
	s13 =	sadd.s32 @!p1 $0xFFF85F60, s13  }
0x18: {  	s15 =	sxor.u32 @!p1 $0xFFFFFFFF, s10;
	s14 =	smul.u32 @!p1 $0x7A120, s14;
	s16 =	sshll.u32 @!p1 s13, $0x7  }
0x19: {  	s15 =	sshll.u32 @!p1 s15, $0xC;
	p2 =	sgt.s32 @!p1 s13, $0x7F;
	s13 =	ssub.s32 @!p1 $0x4000, s16  }
0x1a: {  	s12 =	ssub.s32 @!p1 s12, s14;
	p2 =	por !p2, p1;
	s14 =	sand.u32 @!p1 $0x1000, s15  }
0x1b: {  	s15 =	simm.s32 @!p1 $0x20;
	s13 =	sshrl.u32 @!p1 s13, $0x2;
	s12 =	sshll.u32 @!p1 s12, $0x4  }
0x1c: {  	s16 =	simm.s32 @!p1 $0x80;
	s13 =	simm.s32 @!p2 $0x0;
	s12 =	sadd.s32 @!p1 s4, s12  }
0x1d: {  	[tilespmem:s14], [sflag:$0x1] =	stream.strided.gather @!p1 [hbm4b:s12+s15], s13, s16, s15, $0x38;
	[tilespmem:$0x4040] =	vst v63  }
0x1e: {  	p1 =	seq.s32 s10, $0x0  }
0x1f: {  	p2 =	sge.u32 @!p1 s10, s7  }
0x20: {  	p1 =	por p1, p2  }
.Ltmp2:
0x21: {  	_ = 	snop;
	(pc) =	sbr.rel @p1 .LBB1_5-.Ltmp2, $1  }
0x22: {  	_ =	sdelay $0x3  }
0x23: {  	p1 =	sgt.s32 s11, $0x7A0A0;
	s12 =	smov.u32 s11;
	s13 =	sshra.s32 s11, $0x1F  }
0x24: {  	s12 =	simm.s32 @!p1 $0x7A0A0;
	s13 =	sand.u32 s13, s11  }
0x25: {  	s12 =	ssub.s32 s12, s13  }
0x26: {  	s12 =	sadd.s32 $0xFFF85F60, s12  }
0x27: {  	s28 =	sshll.u32 s12, $0x7  }
0x28: {  	s13 =	ssub.s32 $0x4000, s28  }
0x29: {  	p1 =	sgt.s32 s12, $0x7F;
	s12 =	sshrl.u32 s13, $0x2  }
0x2a: {  	s13 =	simm.s32 $0x1;
	s12 =	simm.s32 @p1 $0x0  }
0x2b: {  	s13 =	simm.s32 @!p0 $0x0;
	_ =	swait.ge [sflag:s5], s12  }
0x2c: {  	s14 =	sshll.u32 s13, $0xC;
	s12 =	ssub.s32 $0x0, s12;
	[sflag:s5] =	ssyncset.done $0x0  }
0x2d: {  	s16 =	sor.u32 $0x10, s14;
	[sflag:s5] =	ssyncadd.s32 s12  }
0x2e: {  	s29 =	smul.u32 $0x4080, s13;
	v1 =	vld [tilespmem:s16+$0x0]  }
0x2f: {  	s30 =	sand.u32 $0x1, s10;
	v0 =	vld [tilespmem:s16+$0xFFFFFFF0]  }
0x30: {  	s13 =	smul.u32 $0x4080, s30;
	s12 =	sshrl.u32 s29, $0x2  }
0x31: {  	s14 =	sor.u32 $0x2000, s12  }
0x32: {  	s31 =	sshrl.u32 s13, $0x2;
	s13 =	sadd.s32 $0x0, s14  }
0x33: {  	s15 =	simm.s32 $0x4;
	s12 =	sor.u32 $0x2000, s31;
	s16 =	sadd.s32 $0x20, s16;
	[tilespmem:s13+$0x810 ss:$0x81] =	vst.msk $0xffff, v1  }
.LBB1_3:
0x34: {  	v1 =	vld [tilespmem:s16+$0x0];
	p1 =	sne.s32 s15, $0x1FC;
	[tilespmem:s13+$0x0 ss:$0x81] =	vst.msk $0xffff, v0;
	s13 =	smov.u32 s15;
	s15 =	sadd.s32 $0x4, s15  }
.Ltmp3:
0x35: {  	v0 =	vld [tilespmem:s16+$0xFFFFFFF0];
	(pc) =	sbr.rel @p1 .LBB1_3-.Ltmp3, $4  }
0x36: {  	_ = 	snop  }
0x37: {  	s13 =	sshra.s32 s13, $0x2  }
0x38: {  	s13 =	sadd.s32 s13, s14  }
0x39: {  	s16 =	sadd.s32 $0x20, s16;
	[tilespmem:s13+$0x810 ss:$0x81] =	vst.msk $0xffff, v1  }
0x3a: {  	s14 =	sshll.u32 s11, $0x3  }
0x3b: {  	s14 =	sand.u32 $0xFFFFFC00, s14  }
0x3c: {  	s15 =	sshrl.u32 s14, $0x7  }
0x3d: {  	s15 =	smulhi.u32 $0x10C6249, s15;
	_ =	sdelay $0x1  }
0x3e: {  	s15 =	sshrl.u32 s15, $0x4  }
0x3f: {  	s28 =	sand.u32 $0x7F, s11;
	s16 =	smul.u32 $0x7A180, s15  }
0x40: {  	s11 =	sor.u32 s28, s14  }
.Ltmp4:
0x41: {  	s29 =	sand.u32 $0x1F, s15;
	s11 =	ssub.s32 s11, s16;
	(pc) =	sbr.rel .LBB1_5-.Ltmp4, $4  }
0x42: {  	s14 =	smul.u32 $0xF430, s29;
	s30 =	sshrl.u32 s11, $0x3;
	s11 =	sand.u32 $0x7, s11  }
0x43: {  	s15 =	sadd.s32 s2, s30;
	s11 =	sshll.u32 s11, $0x12  }
0x44: {  	[tilespmem:s13+$0x0 ss:$0x81] =	vst.msk $0xffff, v0;
	s31 =	sadd.s32 s14, s15;
	s11 =	sor.u32 $0x400, s11  }
0x45: {  	[hbm4b:s31+s11] =	stream.strided.scatter [tilespmem:s12], [sflag:$0x2], $0x1000, s8, s11, $0x20;
	[tilespmem:$0x4040] =	vst v63  }
.LBB1_6:
0x46: {  	_ =	sfence.sel $0x180000  }
0x47: {  	s2 =	simm.s32 $0x1;
	[bflag:$0x0] =	sbarrier.arrive $0xFFFF  }
0x48: {  	s31 =	simm.s32 $0x2;
	[sflag:s2] =	ssyncpa.u1 $0x1  }
0x49: {  	[sflag:s31] =	ssyncpa.u1 $0x1  }
0x4a: {  	p0 =	sne.s32 s1, $0x0;
	_ =	strace $0x9000004D  }
0x4b: {  	s0 =	sadd.s32 @!p0 $0x100000, s0;
	[bflag:$0x2] =	sbarrier.arrive $0xFFFF  }
0x4c: {  	[sflag:s0] =	ssyncadd.tile.s32 @!p0 $0x1;
	_ =	shalt  }
.Lfunc_end1:
_tile_overlayer_lowered:
.L_overlay_start_2:
0x4d: {  	(tag) =	ssettag $0x2  }
0x4e: {  	s0 =	rddreg [dreg:$0x0];
	s2 =	stileid.u32  }
0x4f: {  	s1 =	rddreg [dreg:$0x1];
	p0 =	sne.s32 s2, $0x0  }
0x50: {  	s3 =	rddreg [dreg:$0x2];
	[bflag:$0x3] =	sbarrier.arrive $0xFFFF;
	s2 =	simm.s32 @!p0 $0x1C01  }
0x51: {  	[timem:s3], [sflag:s2] =	dma.local @!p0 [hbm:s0], s1  }
0x52: {  	s0 =	simm.s32 @!p0 $0x1  }
0x53: {  	_ =	swait.ge @!p0 [sflag:s0], s1  }
0x54: {  	s1 =	ssub.s32 @!p0 $0x0, s1;
	[sflag:s0] =	ssyncset.done @!p0 $0x0  }
0x55: {  	[sflag:s0] =	ssyncadd.s32 @!p0 s1  }
0x56: {  	[bflag:$0x3] =	sbarrier.arrive $0xFFFF  }
0x57: {  	_ =	shalt  }

</sc_bundles>
